<compile_context>
chip_gen: v7x
topology: tpu7x:2x2x1
jax: 0.10.2.dev20260603
libtpu: 0.0.44.dev20260713+nightly
codegen_flags: <defaults>
</compile_context>

<pallas_src>
import functools

import jax
import jax.numpy as jnp
from jax import lax
from jax.experimental import pallas as pl
from jax.experimental.pallas import tpu as pltpu
from jax.experimental.pallas import tpu_sc as plsc

_B = 2
_F = 20000
_N = _B * _F
_EPS = 1e-5
_BLK = 2000
_NBLK = _N // _BLK
_SEG = _N // _BLK
_CH = 128
_NW = 32
_NCH = 30
_GTOT = _NW * _NCH * _CH


def _gather_rows(table, idx3):
    rest = table.shape[1:]
    dt = table.dtype
    nbuf = 3
    mesh = plsc.VectorSubcoreMesh(core_axis_name="c", subcore_axis_name="s")

    @functools.partial(
        pl.kernel,
        mesh=mesh,
        out_type=jax.ShapeDtypeStruct((_GTOT,) + rest, dt),
        scratch_types=[
            pltpu.VMEM((_NCH, _CH), jnp.int32),
        ]
        + [pltpu.VMEM((_CH,) + rest, dt) for _ in range(nbuf)]
        + [pltpu.SemaphoreType.DMA for _ in range(2 * nbuf)],
    )
    def k(table_hbm, idx_hbm, out_hbm, idx_v, *bufs_sems):
        bufs = bufs_sems[:nbuf]
        gsems = bufs_sems[nbuf:2 * nbuf]
        wsems = bufs_sems[2 * nbuf:]
        wid = lax.axis_index("s") * 2 + lax.axis_index("c")
        base = wid * (_NCH * _CH)
        pltpu.sync_copy(idx_hbm.at[wid], idx_v)
        for b in range(nbuf):
            pltpu.async_copy(table_hbm.at[idx_v.at[b]], bufs[b], gsems[b])

        def rnd(j, carry):
            i0 = j * nbuf
            for b in range(nbuf):
                i = i0 + b
                pltpu.make_async_copy(
                    table_hbm.at[idx_v.at[i]], bufs[b], gsems[b]).wait()
                pltpu.async_copy(
                    bufs[b], out_hbm.at[pl.ds(base + i * _CH, _CH)], wsems[b])

                @pl.when(i + nbuf < _NCH)
                def _():
                    pltpu.make_async_copy(
                        bufs[b], out_hbm.at[pl.ds(base, _CH)], wsems[b]).wait()
                    pltpu.async_copy(
                        table_hbm.at[idx_v.at[i + nbuf]], bufs[b], gsems[b])

            return carry

        lax.fori_loop(0, _NCH // nbuf, rnd, 0)
        for b in range(nbuf):
            pltpu.make_async_copy(
                bufs[b], out_hbm.at[pl.ds(base, _CH)], wsems[b]).wait()

    return k(table, idx3)


def _norm_params(st):
    m = st[0] * (1.0 / _N)
    v = st[1] * (1.0 / _N) - m * m
    return m, lax.rsqrt(v + _EPS)


def _acc_stats(st_ref, z):
    @pl.when(pl.program_id(0) == 0)
    def _():
        st_ref[...] = jnp.zeros_like(st_ref)

    st_ref[...] += jnp.stack([jnp.sum(z, 0), jnp.sum(z * z, 0)])


def _f16_bits(x):
    xb = lax.bitcast_convert_type(x, jnp.int32)
    h = (xb + (0x1000 - 0x38000000)) >> 13
    return jnp.where(xb < 0x38800000, 0, h)


def _f16_val(h):
    v = lax.bitcast_convert_type((h << 13) + 0x38000000, jnp.float32)
    return jnp.where(h == 0, jnp.float32(0.0), v)


def _unpack(w):
    lo = _f16_val(w & 0xFFFF)
    hi = _f16_val(w >> 16)
    return jnp.concatenate([lo, hi], axis=1)


def _mm_stats_body(x_ref, w_ref, z_ref, st_ref):
    z = jnp.dot(x_ref[...], w_ref[...], preferred_element_type=jnp.float32)
    z_ref[...] = z
    _acc_stats(st_ref, z)


def _norm_mm_body(zi_ref, sti_ref, w_ref, z_ref, st_ref):
    m, r = _norm_params(sti_ref[...])
    x = jnp.maximum((zi_ref[...] - m) * r, 0.0)
    z = jnp.dot(x, w_ref[...], preferred_element_type=jnp.float32)
    z_ref[...] = z
    _acc_stats(st_ref, z)


def _pack_body(zi_ref, sti_ref, zp_ref):
    m, r = _norm_params(sti_ref[...])
    x = jnp.maximum((zi_ref[...] - m) * r, 0.0)
    half = x.shape[1] // 2
    zp_ref[...] = _f16_bits(x[:, :half]) | (_f16_bits(x[:, half:]) << 16)


def _mesh_packed_body(xs_ref, g0_ref, g1_ref, g2_ref, w_ref, z_ref, st_ref):
    x4 = jnp.concatenate(
        [_unpack(ref[...]) for ref in (xs_ref, g0_ref, g1_ref, g2_ref)],
        axis=1,
    )
    z = jnp.dot(x4, w_ref[...], preferred_element_type=jnp.float32)
    z_ref[...] = z
    _acc_stats(st_ref, z)


def _mesh_norm_body(zs_ref, g0_ref, g1_ref, g2_ref, sti_ref, w_ref, z_ref,
                    st_ref):
    m, r = _norm_params(sti_ref[...])
    x4 = jnp.concatenate(
        [jnp.maximum((ref[...] - m) * r, 0.0)
         for ref in (zs_ref, g0_ref, g1_ref, g2_ref)],
        axis=1,
    )
    z = jnp.dot(x4, w_ref[...], preferred_element_type=jnp.float32)
    z_ref[...] = z
    _acc_stats(st_ref, z)


def _head_body(zi_ref, sti_ref, w_ref, out_ref, bsum, sq):
    m, r = _norm_params(sti_ref[...])
    x = jnp.maximum((zi_ref[...] - m) * r, 0.0)
    y = jnp.dot(x, w_ref[...], preferred_element_type=jnp.float32)
    i = pl.program_id(0)

    @pl.when(i == 0)
    def _():
        bsum[...] = jnp.zeros_like(bsum)
        sq[...] = jnp.zeros_like(sq)

    b = i // (_F // _BLK)
    rows = lax.broadcasted_iota(jnp.int32, (2, 9), 0)
    bsum[...] += jnp.where(rows == b, jnp.sum(y, 0)[None, :], 0.0)
    sq[...] += jnp.sum(y * y, 0)[None, :]

    @pl.when(i == _NBLK - 1)
    def _():
        mu = bsum[...] * (1.0 / _F)
        mg = (mu[0] + mu[1]) * 0.5
        var = sq[...] * (1.0 / _N) - (mg * mg)[None]
        rr = lax.rsqrt(var + _EPS)
        out_ref[...] = (mu - mg[None]) * rr


def _mm_stats(x, w):
    cin, cout = w.shape
    return pl.pallas_call(
        _mm_stats_body,
        grid=(_NBLK,),
        in_specs=[
            pl.BlockSpec((_BLK, cin), lambda i: (i, 0)),
            pl.BlockSpec((cin, cout), lambda i: (0, 0)),
        ],
        out_specs=[
            pl.BlockSpec((_BLK, cout), lambda i: (i, 0)),
            pl.BlockSpec((2, cout), lambda i: (0, 0)),
        ],
        out_shape=[
            jax.ShapeDtypeStruct((_N, cout), jnp.float32),
            jax.ShapeDtypeStruct((2, cout), jnp.float32),
        ],
    )(x, w)


def _norm_mm(z_in, st_in, w):
    cin, cout = w.shape
    return pl.pallas_call(
        _norm_mm_body,
        grid=(_NBLK,),
        in_specs=[
            pl.BlockSpec((_BLK, cin), lambda i: (i, 0)),
            pl.BlockSpec((2, cin), lambda i: (0, 0)),
            pl.BlockSpec((cin, cout), lambda i: (0, 0)),
        ],
        out_specs=[
            pl.BlockSpec((_BLK, cout), lambda i: (i, 0)),
            pl.BlockSpec((2, cout), lambda i: (0, 0)),
        ],
        out_shape=[
            jax.ShapeDtypeStruct((_N, cout), jnp.float32),
            jax.ShapeDtypeStruct((2, cout), jnp.float32),
        ],
    )(z_in, st_in, w)


def _pack(z_in, st_in):
    cin = z_in.shape[1]
    return pl.pallas_call(
        _pack_body,
        grid=(_NBLK,),
        in_specs=[
            pl.BlockSpec((_BLK, cin), lambda i: (i, 0)),
            pl.BlockSpec((2, cin), lambda i: (0, 0)),
        ],
        out_specs=pl.BlockSpec((_BLK, cin // 2), lambda i: (i, 0)),
        out_shape=jax.ShapeDtypeStruct((_N, cin // 2), jnp.int32),
    )(z_in, st_in)


def _mesh_layer_packed(xp, g, wcat):
    ch = xp.shape[1]
    cout = wcat.shape[1]
    return pl.pallas_call(
        _mesh_packed_body,
        grid=(_NBLK,),
        in_specs=[
            pl.BlockSpec((_BLK, ch), lambda i: (i, 0)),
            pl.BlockSpec((_BLK, ch), lambda i: (i, 0)),
            pl.BlockSpec((_BLK, ch), lambda i: (i + _SEG, 0)),
            pl.BlockSpec((_BLK, ch), lambda i: (i + 2 * _SEG, 0)),
            pl.BlockSpec((8 * ch, cout), lambda i: (0, 0)),
        ],
        out_specs=[
            pl.BlockSpec((_BLK, cout), lambda i: (i, 0)),
            pl.BlockSpec((2, cout), lambda i: (0, 0)),
        ],
        out_shape=[
            jax.ShapeDtypeStruct((_N, cout), jnp.float32),
            jax.ShapeDtypeStruct((2, cout), jnp.float32),
        ],
    )(xp, g, g, g, wcat)


def _mesh_layer_norm(z_in, g, st_in, wcat):
    cin = z_in.shape[1]
    cout = wcat.shape[1]
    return pl.pallas_call(
        _mesh_norm_body,
        grid=(_NBLK,),
        in_specs=[
            pl.BlockSpec((_BLK, cin), lambda i: (i, 0)),
            pl.BlockSpec((_BLK, cin), lambda i: (i, 0)),
            pl.BlockSpec((_BLK, cin), lambda i: (i + _SEG, 0)),
            pl.BlockSpec((_BLK, cin), lambda i: (i + 2 * _SEG, 0)),
            pl.BlockSpec((2, cin), lambda i: (0, 0)),
            pl.BlockSpec((4 * cin, cout), lambda i: (0, 0)),
        ],
        out_specs=[
            pl.BlockSpec((_BLK, cout), lambda i: (i, 0)),
            pl.BlockSpec((2, cout), lambda i: (0, 0)),
        ],
        out_shape=[
            jax.ShapeDtypeStruct((_N, cout), jnp.float32),
            jax.ShapeDtypeStruct((2, cout), jnp.float32),
        ],
    )(z_in, g, g, g, st_in, wcat)


def _head(z_in, st_in, wf):
    cin = z_in.shape[1]
    return pl.pallas_call(
        _head_body,
        grid=(_NBLK,),
        in_specs=[
            pl.BlockSpec((_BLK, cin), lambda i: (i, 0)),
            pl.BlockSpec((2, cin), lambda i: (0, 0)),
            pl.BlockSpec((cin, 9), lambda i: (0, 0)),
        ],
        out_specs=pl.BlockSpec((2, 9), lambda i: (0, 0)),
        out_shape=jax.ShapeDtypeStruct((2, 9), jnp.float32),
        scratch_shapes=[
            pltpu.VMEM((2, 9), jnp.float32),
            pltpu.VMEM((1, 9), jnp.float32),
        ],
    )(z_in, st_in, wf)


def kernel(ed, fa, ad, W_ge1, W_ge2, W_gf1, W_gf2, W1, W2, W3, W4, Wf):
    f32 = jnp.float32
    ed_t = jnp.transpose(ed, (0, 2, 1)).reshape(_N, 3)
    fa_t = jnp.transpose(fa, (0, 2, 1)).reshape(_N, 7)
    x0 = jnp.concatenate(
        [jnp.pad(ed_t, ((0, 0), (0, 5))), jnp.pad(fa_t, ((0, 0), (0, 1)))],
        axis=1,
    ).astype(f32)

    w0 = jnp.zeros((16, 256), f32)
    w0 = w0.at[0:3, 0:128].set(W_ge1.T).at[8:15, 128:256].set(W_gf1.T)
    w2 = jnp.zeros((256, 128), f32)
    w2 = w2.at[0:128, 0:64].set(W_ge2.T).at[128:256, 64:128].set(W_gf2.T)

    def wcat(W):
        o, c, _ = W.shape
        return jnp.transpose(W, (2, 1, 0)).reshape(4 * c, o)

    base = (jnp.arange(_B, dtype=jnp.int32) * _F)[:, None, None]
    flat = jnp.transpose(ad.astype(jnp.int32) + base, (2, 0, 1)).reshape(3 * _N)
    idx3 = jnp.pad(flat, (0, _GTOT - 3 * _N)).reshape(_NW, _NCH, _CH)

    z1, st1 = _mm_stats(x0, w0)
    z2, st2 = _norm_mm(z1, st1, w2)
    z3, st3 = _mesh_layer_norm(z2, _gather_rows(z2, idx3), st2, wcat(W1))
    z4, st4 = _mesh_layer_norm(z3, _gather_rows(z3, idx3), st3, wcat(W2))
    xp = _pack(z4, st4)
    z5, st5 = _mesh_layer_packed(xp, _gather_rows(xp, idx3), wcat(W3))
    xp = _pack(z5, st5)
    z6, st6 = _mesh_layer_packed(xp, _gather_rows(xp, idx3), wcat(W4))
    out = _head(z6, st6, Wf.T)
    return out[None]

# --- scband reference (transcript-rebuilt; emitter-appended) ---
"""Pipeline reference for scband-ex-mesh-cnn-79448305041779 (READ-ONLY COPY).

The authoritative reference and input builder live on the scoring server;
editing this copy changes nothing except your own understanding.
"""

import jax, jax.numpy as jnp
import numpy as np

B = 2
F = 20000
C_ED = 3
C_FA = 7
EPS = 1e-5

def _relu(x):
    return jnp.maximum(x, 0.0)

def _bn(x):
    # BatchNorm1d in training mode, affine init (gamma=1, beta=0)
    m = jnp.mean(x, axis=(0, 2), keepdims=True)
    v = jnp.var(x, axis=(0, 2), keepdims=True)
    return (x - m) * jax.lax.rsqrt(v + EPS)

def _conv1x1(W, x):
    # nn.Conv1d(in, out, kernel_size=1, bias=False): x [B,C,F] -> [B,O,F]
    return jnp.einsum('oc,bcf->bof', W, x)

def _mesh_conv(W, fe, ad):
    # gather the 3 adjacent face features, concat with self, 1x4 conv, BN, ReLU
    nb = jax.vmap(lambda f, a: f[:, a])(fe, ad)          # [B,C,F,3]
    x = jnp.concatenate([fe[..., None], nb], axis=-1)    # [B,C,F,4]
    y = jnp.einsum('ock,bcfk->bof', W, x)
    return _relu(_bn(y))

def _kaiming_u(k, shape):
    fan_in = int(np.prod(shape[1:]))
    b = 1.0 / np.sqrt(fan_in)
    return jax.random.uniform(k, shape, jnp.float32, -b, b)

def setup_inputs(seed: int = 0):
    key = jax.random.key(seed)
    ks = jax.random.split(key, 12)
    return {
        'ed': jax.random.normal(ks[0], (B, C_ED, F), jnp.float32),
        'fa': jax.random.normal(ks[1], (B, C_FA, F), jnp.float32),
        'ad': jax.random.randint(ks[2], (B, F, 3), 0, F, jnp.int32),
        'W_ge1': _kaiming_u(ks[3], (128, C_ED)),
        'W_ge2': _kaiming_u(ks[4], (64, 128)),
        'W_gf1': _kaiming_u(ks[5], (128, C_FA)),
        'W_gf2': _kaiming_u(ks[6], (64, 128)),
        'W1': _kaiming_u(ks[7], (128, 128, 4)),
        'W2': _kaiming_u(ks[8], (256, 128, 4)),
        'W3': _kaiming_u(ks[9], (256, 256, 4)),
        'W4': _kaiming_u(ks[10], (512, 256, 4)),
        'Wf': _kaiming_u(ks[11], (9, 512)),
    }

def reference(ed, fa, ad, W_ge1, W_ge2, W_gf1, W_gf2, W1, W2, W3, W4, Wf):
    # Geodesic branch: two pointwise convs + BN + ReLU on per-face edge features
    e = _relu(_bn(_conv1x1(W_ge1, ed)))
    e = _relu(_bn(_conv1x1(W_ge2, e)))
    # Geometric branch on per-face geometric features
    f = _relu(_bn(_conv1x1(W_gf1, fa)))
    f = _relu(_bn(_conv1x1(W_gf2, f)))
    fe = jnp.concatenate([e, f], axis=1)                 # [B,128,F]
    fe = _mesh_conv(W1, fe, ad)                          # [B,128,F]
    fe = _mesh_conv(W2, fe, ad)                          # [B,256,F]
    fe = _mesh_conv(W3, fe, ad)                          # [B,256,F]
    fe = _mesh_conv(W4, fe, ad)                          # [B,512,F]
    out = _bn(_conv1x1(Wf, fe))                          # head: Conv1d(512, classes-1, 1) + BN
    out = jnp.mean(out, axis=2)                          # AdaptiveAvgPool1d(1) + view
    return jnp.stack((out,))                             # [1,B,9]

if __name__ == "__main__":
    import jax
    _d = setup_inputs()
    print(jax.jit(kernel)(*tuple(_d.values())))

</pallas_src>

<mosaic_0001>
#map = affine_map<(d0, d1) -> (0, 0)>
#map1 = affine_map<(d0, d1) -> (0, 0, 0)>
module attributes {stable_mosaic.version = 14 : i64} {
  func.func @k(%arg0: i32, %arg1: i32, %arg2: memref<40000x128xf32, #tpu.memory_space<hbm>>, %arg3: memref<32x30x128xi32, #tpu.memory_space<hbm>>, %arg4: memref<122880x128xf32, #tpu.memory_space<hbm>>, %arg5: memref<30x128xi32, #tpu.memory_space<vmem>>, %arg6: memref<128x128xf32, #tpu.memory_space<vmem>>, %arg7: memref<128x128xf32, #tpu.memory_space<vmem>>, %arg8: memref<128x128xf32, #tpu.memory_space<vmem>>, %arg9: memref<!tpu.dma_semaphore, #tpu.memory_space<semaphore_mem>>, %arg10: memref<!tpu.dma_semaphore, #tpu.memory_space<semaphore_mem>>, %arg11: memref<!tpu.dma_semaphore, #tpu.memory_space<semaphore_mem>>, %arg12: memref<!tpu.dma_semaphore, #tpu.memory_space<semaphore_mem>>, %arg13: memref<!tpu.dma_semaphore, #tpu.memory_space<semaphore_mem>>, %arg14: memref<!tpu.dma_semaphore, #tpu.memory_space<semaphore_mem>>) attributes {dimension_semantics = [#tpu.dimension_semantics<core_parallel>, #tpu.dimension_semantics<subcore_parallel>], iteration_bounds = array<i64: 2, 16>, scalar_prefetch = 0 : i64, scratch_operands = 10 : i64, tpu.core_type = #tpu.core_type<sc_vector_subcore>, window_params = [{transform_indices = #map}, {transform_indices = #map1}, {transform_indices = #map}]} {
    %mul3A = arith.constant 2 : i32
    %mul3A_0 = arith.muli %arg1, %mul3A : i32
    %add3A = arith.addi %mul3A_0, %arg0 : i32
    %mul3A_1 = arith.constant 3840 : i32
    %mul3A_2 = arith.muli %add3A, %mul3A_1 : i32
    "tpu.region"() ({
      %run_scoped3A = tpu.sem_alloc : memref<!tpu.dma_semaphore, #tpu.memory_space<semaphore_mem>>
      %dma_start3A_39 = arith.constant 0 : i32
      %dma_start3A_40 = arith.constant 0 : i32
      %dma_start3A_41 = tpu.memref_slice %arg3[%add3A, %dma_start3A_39, %dma_start3A_40] : memref<32x30x128xi32, #tpu.memory_space<hbm>> -> memref<1x30x128xi32, #tpu.memory_space<hbm>>
      %dma_start3A_42 = tpu.memref_squeeze %dma_start3A_41 : memref<1x30x128xi32, #tpu.memory_space<hbm>> -> memref<30x128xi32, #tpu.memory_space<hbm>>
      %dma_start3A_43 = arith.constant 0 : i32
      %dma_start3A_44 = arith.constant 0 : i32
      %dma_start3A_45 = tpu.memref_slice %arg3[%add3A, %dma_start3A_43, %dma_start3A_44] : memref<32x30x128xi32, #tpu.memory_space<hbm>> -> memref<1x30x128xi32, #tpu.memory_space<hbm>>
      %dma_start3A_46 = tpu.memref_squeeze %dma_start3A_45 : memref<1x30x128xi32, #tpu.memory_space<hbm>> -> memref<30x128xi32, #tpu.memory_space<hbm>>
      tpu.enqueue_dma source(%dma_start3A_46 : memref<30x128xi32, #tpu.memory_space<hbm>>) target(%arg5 : memref<30x128xi32, #tpu.memory_space<vmem>>) target_semaphore(%run_scoped3A : memref<!tpu.dma_semaphore, #tpu.memory_space<semaphore_mem>>)
      %dma_wait3A_47 = arith.constant 0 : i32
      %dma_wait3A_48 = arith.constant 0 : i32
      %dma_wait3A_49 = tpu.memref_slice %arg3[%add3A, %dma_wait3A_47, %dma_wait3A_48] : memref<32x30x128xi32, #tpu.memory_space<hbm>> -> memref<1x30x128xi32, #tpu.memory_space<hbm>>
      %dma_wait3A_50 = tpu.memref_squeeze %dma_wait3A_49 : memref<1x30x128xi32, #tpu.memory_space<hbm>> -> memref<30x128xi32, #tpu.memory_space<hbm>>
      %dma_wait3A_51 = arith.constant 0 : i32
      %dma_wait3A_52 = arith.constant 0 : i32
      %dma_wait3A_53 = tpu.memref_slice %arg3[%add3A, %dma_wait3A_51, %dma_wait3A_52] : memref<32x30x128xi32, #tpu.memory_space<hbm>> -> memref<1x30x128xi32, #tpu.memory_space<hbm>>
      %dma_wait3A_54 = tpu.memref_squeeze %dma_wait3A_53 : memref<1x30x128xi32, #tpu.memory_space<hbm>> -> memref<30x128xi32, #tpu.memory_space<hbm>>
      tpu.wait_dma2 semaphore(%run_scoped3A : memref<!tpu.dma_semaphore, #tpu.memory_space<semaphore_mem>>) src(%dma_wait3A_54 : memref<30x128xi32, #tpu.memory_space<hbm>>) dst(%arg5 : memref<30x128xi32, #tpu.memory_space<vmem>>)
      tpu.yield
    }) : () -> ()
    %dma_start3A = arith.constant 0 : i32
    %dma_start3A_3 = arith.constant 0 : i32
    %dma_start3A_4 = tpu.memref_slice %arg5[%dma_start3A, %dma_start3A_3] : memref<30x128xi32, #tpu.memory_space<vmem>> -> memref<1x128xi32, #tpu.memory_space<vmem>>
    %dma_start3A_5 = tpu.memref_squeeze %dma_start3A_4 : memref<1x128xi32, #tpu.memory_space<vmem>> -> memref<128xi32, #tpu.memory_space<vmem>>
    %dma_start3A_6 = arith.constant 0 : i32
    %dma_start3A_7 = arith.constant 0 : i32
    %dma_start3A_8 = tpu.memref_slice %arg2[%dma_start3A_6, %dma_start3A_7] : memref<40000x128xf32, #tpu.memory_space<hbm>> -> memref<40000x128xf32, #tpu.memory_space<hbm>>
    tpu.enqueue_indirect_dma source(%dma_start3A_8 : memref<40000x128xf32, #tpu.memory_space<hbm>>) target(%arg6 : memref<128x128xf32, #tpu.memory_space<vmem>>) offsets(%dma_start3A_5 : memref<128xi32, #tpu.memory_space<vmem>>) semaphore(%arg9 : memref<!tpu.dma_semaphore, #tpu.memory_space<semaphore_mem>>)
    %dma_start3A_9 = arith.constant 1 : i32
    %dma_start3A_10 = arith.constant 0 : i32
    %dma_start3A_11 = tpu.memref_slice %arg5[%dma_start3A_9, %dma_start3A_10] : memref<30x128xi32, #tpu.memory_space<vmem>> -> memref<1x128xi32, #tpu.memory_space<vmem>>
    %dma_start3A_12 = tpu.memref_squeeze %dma_start3A_11 : memref<1x128xi32, #tpu.memory_space<vmem>> -> memref<128xi32, #tpu.memory_space<vmem>>
    %dma_start3A_13 = arith.constant 0 : i32
    %dma_start3A_14 = arith.constant 0 : i32
    %dma_start3A_15 = tpu.memref_slice %arg2[%dma_start3A_13, %dma_start3A_14] : memref<40000x128xf32, #tpu.memory_space<hbm>> -> memref<40000x128xf32, #tpu.memory_space<hbm>>
    tpu.enqueue_indirect_dma source(%dma_start3A_15 : memref<40000x128xf32, #tpu.memory_space<hbm>>) target(%arg7 : memref<128x128xf32, #tpu.memory_space<vmem>>) offsets(%dma_start3A_12 : memref<128xi32, #tpu.memory_space<vmem>>) semaphore(%arg10 : memref<!tpu.dma_semaphore, #tpu.memory_space<semaphore_mem>>)
    %dma_start3A_16 = arith.constant 2 : i32
    %dma_start3A_17 = arith.constant 0 : i32
    %dma_start3A_18 = tpu.memref_slice %arg5[%dma_start3A_16, %dma_start3A_17] : memref<30x128xi32, #tpu.memory_space<vmem>> -> memref<1x128xi32, #tpu.memory_space<vmem>>
    %dma_start3A_19 = tpu.memref_squeeze %dma_start3A_18 : memref<1x128xi32, #tpu.memory_space<vmem>> -> memref<128xi32, #tpu.memory_space<vmem>>
    %dma_start3A_20 = arith.constant 0 : i32
    %dma_start3A_21 = arith.constant 0 : i32
    %dma_start3A_22 = tpu.memref_slice %arg2[%dma_start3A_20, %dma_start3A_21] : memref<40000x128xf32, #tpu.memory_space<hbm>> -> memref<40000x128xf32, #tpu.memory_space<hbm>>
    tpu.enqueue_indirect_dma source(%dma_start3A_22 : memref<40000x128xf32, #tpu.memory_space<hbm>>) target(%arg8 : memref<128x128xf32, #tpu.memory_space<vmem>>) offsets(%dma_start3A_19 : memref<128xi32, #tpu.memory_space<vmem>>) semaphore(%arg11 : memref<!tpu.dma_semaphore, #tpu.memory_space<semaphore_mem>>)
    %scan3A = arith.constant 0 : i32
    %scan3A_23 = arith.constant 0 : i32
    %scan3A_24 = arith.constant 10 : i32
    %scan3A_25 = arith.addi %scan3A_23, %scan3A_24 : i32
    %scan3A_26 = arith.constant 1 : i32
    scf.for %scan3A_39 = %scan3A_23 to %scan3A_25 step %scan3A_26  : i32 {
      %mul3A_40 = arith.constant 3 : i32
      %mul3A_41 = arith.muli %scan3A_39, %mul3A_40 : i32
      %add3A_42 = arith.constant 0 : i32
      %add3A_43 = arith.addi %mul3A_41, %add3A_42 : i32
      %dma_wait3A_44 = arith.constant 0 : i32
      %dma_wait3A_45 = tpu.memref_slice %arg5[%add3A_43, %dma_wait3A_44] : memref<30x128xi32, #tpu.memory_space<vmem>> -> memref<1x128xi32, #tpu.memory_space<vmem>>
      %dma_wait3A_46 = tpu.memref_squeeze %dma_wait3A_45 : memref<1x128xi32, #tpu.memory_space<vmem>> -> memref<128xi32, #tpu.memory_space<vmem>>
      %dma_wait3A_47 = arith.constant 0 : i32
      %dma_wait3A_48 = arith.constant 0 : i32
      %dma_wait3A_49 = tpu.memref_slice %arg2[%dma_wait3A_47, %dma_wait3A_48] : memref<40000x128xf32, #tpu.memory_space<hbm>> -> memref<40000x128xf32, #tpu.memory_space<hbm>>
      tpu.wait_indirect_dma semaphore(%arg9 : memref<!tpu.dma_semaphore, #tpu.memory_space<semaphore_mem>>) src(%dma_wait3A_49 : memref<40000x128xf32, #tpu.memory_space<hbm>>) dst(%arg6 : memref<128x128xf32, #tpu.memory_space<vmem>>)
      %mul3A_50 = arith.constant 128 : i32
      %mul3A_51 = arith.muli %add3A_43, %mul3A_50 : i32
      %add3A_52 = arith.addi %mul3A_2, %mul3A_51 : i32
      %dma_start3A_53 = arith.constant 0 : i32
      %dma_start3A_54 = tpu.memref_slice %arg4[%add3A_52, %dma_start3A_53] : memref<122880x128xf32, #tpu.memory_space<hbm>> -> memref<128x128xf32, #tpu.memory_space<hbm>>
      %dma_start3A_55 = arith.constant 0 : i32
      %dma_start3A_56 = tpu.memref_slice %arg4[%add3A_52, %dma_start3A_55] : memref<122880x128xf32, #tpu.memory_space<hbm>> -> memref<128x128xf32, #tpu.memory_space<hbm>>
      tpu.enqueue_dma source(%arg6 : memref<128x128xf32, #tpu.memory_space<vmem>>) target(%dma_start3A_56 : memref<128x128xf32, #tpu.memory_space<hbm>>) target_semaphore(%arg12 : memref<!tpu.dma_semaphore, #tpu.memory_space<semaphore_mem>>)
      %add3A_57 = arith.constant 3 : i32
      %add3A_58 = arith.addi %add3A_43, %add3A_57 : i32
      %lt3A = arith.constant 30 : i32
      %lt3A_59 = arith.cmpi slt, %add3A_58, %lt3A : i32
      %convert_element_type3A = arith.extui %lt3A_59 : i1 to i32
      %cond3A = arith.constant 0 : i32
      %cond3A_60 = arith.cmpi ne, %convert_element_type3A, %cond3A : i32
      scf.if %cond3A_60 {
        %dma_wait3A_105 = arith.constant 0 : i32
        %dma_wait3A_106 = tpu.memref_slice %arg4[%mul3A_2, %dma_wait3A_105] : memref<122880x128xf32, #tpu.memory_space<hbm>> -> memref<128x128xf32, #tpu.memory_space<hbm>>
        %dma_wait3A_107 = arith.constant 0 : i32
        %dma_wait3A_108 = tpu.memref_slice %arg4[%mul3A_2, %dma_wait3A_107] : memref<122880x128xf32, #tpu.memory_space<hbm>> -> memref<128x128xf32, #tpu.memory_space<hbm>>
        tpu.wait_dma2 semaphore(%arg12 : memref<!tpu.dma_semaphore, #tpu.memory_space<semaphore_mem>>) src(%arg6 : memref<128x128xf32, #tpu.memory_space<vmem>>) dst(%dma_wait3A_108 : memref<128x128xf32, #tpu.memory_space<hbm>>)
        %add3A_109 = arith.constant 3 : i32
        %add3A_110 = arith.addi %add3A_43, %add3A_109 : i32
        %dma_start3A_111 = arith.constant 0 : i32
        %dma_start3A_112 = tpu.memref_slice %arg5[%add3A_110, %dma_start3A_111] : memref<30x128xi32, #tpu.memory_space<vmem>> -> memref<1x128xi32, #tpu.memory_space<vmem>>
        %dma_start3A_113 = tpu.memref_squeeze %dma_start3A_112 : memref<1x128xi32, #tpu.memory_space<vmem>> -> memref<128xi32, #tpu.memory_space<vmem>>
        %dma_start3A_114 = arith.constant 0 : i32
        %dma_start3A_115 = arith.constant 0 : i32
        %dma_start3A_116 = tpu.memref_slice %arg2[%dma_start3A_114, %dma_start3A_115] : memref<40000x128xf32, #tpu.memory_space<hbm>> -> memref<40000x128xf32, #tpu.memory_space<hbm>>
        tpu.enqueue_indirect_dma source(%dma_start3A_116 : memref<40000x128xf32, #tpu.memory_space<hbm>>) target(%arg6 : memref<128x128xf32, #tpu.memory_space<vmem>>) offsets(%dma_start3A_113 : memref<128xi32, #tpu.memory_space<vmem>>) semaphore(%arg9 : memref<!tpu.dma_semaphore, #tpu.memory_space<semaphore_mem>>)
      } else {
      }
      %add3A_61 = arith.constant 1 : i32
      %add3A_62 = arith.addi %mul3A_41, %add3A_61 : i32
      %dma_wait3A_63 = arith.constant 0 : i32
      %dma_wait3A_64 = tpu.memref_slice %arg5[%add3A_62, %dma_wait3A_63] : memref<30x128xi32, #tpu.memory_space<vmem>> -> memref<1x128xi32, #tpu.memory_space<vmem>>
      %dma_wait3A_65 = tpu.memref_squeeze %dma_wait3A_64 : memref<1x128xi32, #tpu.memory_space<vmem>> -> memref<128xi32, #tpu.memory_space<vmem>>
      %dma_wait3A_66 = arith.constant 0 : i32
      %dma_wait3A_67 = arith.constant 0 : i32
      %dma_wait3A_68 = tpu.memref_slice %arg2[%dma_wait3A_66, %dma_wait3A_67] : memref<40000x128xf32, #tpu.memory_space<hbm>> -> memref<40000x128xf32, #tpu.memory_space<hbm>>
      tpu.wait_indirect_dma semaphore(%arg10 : memref<!tpu.dma_semaphore, #tpu.memory_space<semaphore_mem>>) src(%dma_wait3A_68 : memref<40000x128xf32, #tpu.memory_space<hbm>>) dst(%arg7 : memref<128x128xf32, #tpu.memory_space<vmem>>)
      %mul3A_69 = arith.constant 128 : i32
      %mul3A_70 = arith.muli %add3A_62, %mul3A_69 : i32
      %add3A_71 = arith.addi %mul3A_2, %mul3A_70 : i32
      %dma_start3A_72 = arith.constant 0 : i32
      %dma_start3A_73 = tpu.memref_slice %arg4[%add3A_71, %dma_start3A_72] : memref<122880x128xf32, #tpu.memory_space<hbm>> -> memref<128x128xf32, #tpu.memory_space<hbm>>
      %dma_start3A_74 = arith.constant 0 : i32
      %dma_start3A_75 = tpu.memref_slice %arg4[%add3A_71, %dma_start3A_74] : memref<122880x128xf32, #tpu.memory_space<hbm>> -> memref<128x128xf32, #tpu.memory_space<hbm>>
      tpu.enqueue_dma source(%arg7 : memref<128x128xf32, #tpu.memory_space<vmem>>) target(%dma_start3A_75 : memref<128x128xf32, #tpu.memory_space<hbm>>) target_semaphore(%arg13 : memref<!tpu.dma_semaphore, #tpu.memory_space<semaphore_mem>>)
      %add3A_76 = arith.constant 3 : i32
      %add3A_77 = arith.addi %add3A_62, %add3A_76 : i32
      %lt3A_78 = arith.constant 30 : i32
      %lt3A_79 = arith.cmpi slt, %add3A_77, %lt3A_78 : i32
      %convert_element_type3A_80 = arith.extui %lt3A_79 : i1 to i32
      %cond3A_81 = arith.constant 0 : i32
      %cond3A_82 = arith.cmpi ne, %convert_element_type3A_80, %cond3A_81 : i32
      scf.if %cond3A_82 {
        %dma_wait3A_105 = arith.constant 0 : i32
        %dma_wait3A_106 = tpu.memref_slice %arg4[%mul3A_2, %dma_wait3A_105] : memref<122880x128xf32, #tpu.memory_space<hbm>> -> memref<128x128xf32, #tpu.memory_space<hbm>>
        %dma_wait3A_107 = arith.constant 0 : i32
        %dma_wait3A_108 = tpu.memref_slice %arg4[%mul3A_2, %dma_wait3A_107] : memref<122880x128xf32, #tpu.memory_space<hbm>> -> memref<128x128xf32, #tpu.memory_space<hbm>>
        tpu.wait_dma2 semaphore(%arg13 : memref<!tpu.dma_semaphore, #tpu.memory_space<semaphore_mem>>) src(%arg7 : memref<128x128xf32, #tpu.memory_space<vmem>>) dst(%dma_wait3A_108 : memref<128x128xf32, #tpu.memory_space<hbm>>)
        %add3A_109 = arith.constant 3 : i32
        %add3A_110 = arith.addi %add3A_62, %add3A_109 : i32
        %dma_start3A_111 = arith.constant 0 : i32
        %dma_start3A_112 = tpu.memref_slice %arg5[%add3A_110, %dma_start3A_111] : memref<30x128xi32, #tpu.memory_space<vmem>> -> memref<1x128xi32, #tpu.memory_space<vmem>>
        %dma_start3A_113 = tpu.memref_squeeze %dma_start3A_112 : memref<1x128xi32, #tpu.memory_space<vmem>> -> memref<128xi32, #tpu.memory_space<vmem>>
        %dma_start3A_114 = arith.constant 0 : i32
        %dma_start3A_115 = arith.constant 0 : i32
        %dma_start3A_116 = tpu.memref_slice %arg2[%dma_start3A_114, %dma_start3A_115] : memref<40000x128xf32, #tpu.memory_space<hbm>> -> memref<40000x128xf32, #tpu.memory_space<hbm>>
        tpu.enqueue_indirect_dma source(%dma_start3A_116 : memref<40000x128xf32, #tpu.memory_space<hbm>>) target(%arg7 : memref<128x128xf32, #tpu.memory_space<vmem>>) offsets(%dma_start3A_113 : memref<128xi32, #tpu.memory_space<vmem>>) semaphore(%arg10 : memref<!tpu.dma_semaphore, #tpu.memory_space<semaphore_mem>>)
      } else {
      }
      %add3A_83 = arith.constant 2 : i32
      %add3A_84 = arith.addi %mul3A_41, %add3A_83 : i32
      %dma_wait3A_85 = arith.constant 0 : i32
      %dma_wait3A_86 = tpu.memref_slice %arg5[%add3A_84, %dma_wait3A_85] : memref<30x128xi32, #tpu.memory_space<vmem>> -> memref<1x128xi32, #tpu.memory_space<vmem>>
      %dma_wait3A_87 = tpu.memref_squeeze %dma_wait3A_86 : memref<1x128xi32, #tpu.memory_space<vmem>> -> memref<128xi32, #tpu.memory_space<vmem>>
      %dma_wait3A_88 = arith.constant 0 : i32
      %dma_wait3A_89 = arith.constant 0 : i32
      %dma_wait3A_90 = tpu.memref_slice %arg2[%dma_wait3A_88, %dma_wait3A_89] : memref<40000x128xf32, #tpu.memory_space<hbm>> -> memref<40000x128xf32, #tpu.memory_space<hbm>>
      tpu.wait_indirect_dma semaphore(%arg11 : memref<!tpu.dma_semaphore, #tpu.memory_space<semaphore_mem>>) src(%dma_wait3A_90 : memref<40000x128xf32, #tpu.memory_space<hbm>>) dst(%arg8 : memref<128x128xf32, #tpu.memory_space<vmem>>)
      %mul3A_91 = arith.constant 128 : i32
      %mul3A_92 = arith.muli %add3A_84, %mul3A_91 : i32
      %add3A_93 = arith.addi %mul3A_2, %mul3A_92 : i32
      %dma_start3A_94 = arith.constant 0 : i32
      %dma_start3A_95 = tpu.memref_slice %arg4[%add3A_93, %dma_start3A_94] : memref<122880x128xf32, #tpu.memory_space<hbm>> -> memref<128x128xf32, #tpu.memory_space<hbm>>
      %dma_start3A_96 = arith.constant 0 : i32
      %dma_start3A_97 = tpu.memref_slice %arg4[%add3A_93, %dma_start3A_96] : memref<122880x128xf32, #tpu.memory_space<hbm>> -> memref<128x128xf32, #tpu.memory_space<hbm>>
      tpu.enqueue_dma source(%arg8 : memref<128x128xf32, #tpu.memory_space<vmem>>) target(%dma_start3A_97 : memref<128x128xf32, #tpu.memory_space<hbm>>) target_semaphore(%arg14 : memref<!tpu.dma_semaphore, #tpu.memory_space<semaphore_mem>>)
      %add3A_98 = arith.constant 3 : i32
      %add3A_99 = arith.addi %add3A_84, %add3A_98 : i32
      %lt3A_100 = arith.constant 30 : i32
      %lt3A_101 = arith.cmpi slt, %add3A_99, %lt3A_100 : i32
      %convert_element_type3A_102 = arith.extui %lt3A_101 : i1 to i32
      %cond3A_103 = arith.constant 0 : i32
      %cond3A_104 = arith.cmpi ne, %convert_element_type3A_102, %cond3A_103 : i32
      scf.if %cond3A_104 {
        %dma_wait3A_105 = arith.constant 0 : i32
        %dma_wait3A_106 = tpu.memref_slice %arg4[%mul3A_2, %dma_wait3A_105] : memref<122880x128xf32, #tpu.memory_space<hbm>> -> memref<128x128xf32, #tpu.memory_space<hbm>>
        %dma_wait3A_107 = arith.constant 0 : i32
        %dma_wait3A_108 = tpu.memref_slice %arg4[%mul3A_2, %dma_wait3A_107] : memref<122880x128xf32, #tpu.memory_space<hbm>> -> memref<128x128xf32, #tpu.memory_space<hbm>>
        tpu.wait_dma2 semaphore(%arg14 : memref<!tpu.dma_semaphore, #tpu.memory_space<semaphore_mem>>) src(%arg8 : memref<128x128xf32, #tpu.memory_space<vmem>>) dst(%dma_wait3A_108 : memref<128x128xf32, #tpu.memory_space<hbm>>)
        %add3A_109 = arith.constant 3 : i32
        %add3A_110 = arith.addi %add3A_84, %add3A_109 : i32
        %dma_start3A_111 = arith.constant 0 : i32
        %dma_start3A_112 = tpu.memref_slice %arg5[%add3A_110, %dma_start3A_111] : memref<30x128xi32, #tpu.memory_space<vmem>> -> memref<1x128xi32, #tpu.memory_space<vmem>>
        %dma_start3A_113 = tpu.memref_squeeze %dma_start3A_112 : memref<1x128xi32, #tpu.memory_space<vmem>> -> memref<128xi32, #tpu.memory_space<vmem>>
        %dma_start3A_114 = arith.constant 0 : i32
        %dma_start3A_115 = arith.constant 0 : i32
        %dma_start3A_116 = tpu.memref_slice %arg2[%dma_start3A_114, %dma_start3A_115] : memref<40000x128xf32, #tpu.memory_space<hbm>> -> memref<40000x128xf32, #tpu.memory_space<hbm>>
        tpu.enqueue_indirect_dma source(%dma_start3A_116 : memref<40000x128xf32, #tpu.memory_space<hbm>>) target(%arg8 : memref<128x128xf32, #tpu.memory_space<vmem>>) offsets(%dma_start3A_113 : memref<128xi32, #tpu.memory_space<vmem>>) semaphore(%arg11 : memref<!tpu.dma_semaphore, #tpu.memory_space<semaphore_mem>>)
      } else {
      }
    }
    %scan3A_27 = arith.constant 10 : i32
    %dma_wait3A = arith.constant 0 : i32
    %dma_wait3A_28 = tpu.memref_slice %arg4[%mul3A_2, %dma_wait3A] : memref<122880x128xf32, #tpu.memory_space<hbm>> -> memref<128x128xf32, #tpu.memory_space<hbm>>
    %dma_wait3A_29 = arith.constant 0 : i32
    %dma_wait3A_30 = tpu.memref_slice %arg4[%mul3A_2, %dma_wait3A_29] : memref<122880x128xf32, #tpu.memory_space<hbm>> -> memref<128x128xf32, #tpu.memory_space<hbm>>
    tpu.wait_dma2 semaphore(%arg12 : memref<!tpu.dma_semaphore, #tpu.memory_space<semaphore_mem>>) src(%arg6 : memref<128x128xf32, #tpu.memory_space<vmem>>) dst(%dma_wait3A_30 : memref<128x128xf32, #tpu.memory_space<hbm>>)
    %dma_wait3A_31 = arith.constant 0 : i32
    %dma_wait3A_32 = tpu.memref_slice %arg4[%mul3A_2, %dma_wait3A_31] : memref<122880x128xf32, #tpu.memory_space<hbm>> -> memref<128x128xf32, #tpu.memory_space<hbm>>
    %dma_wait3A_33 = arith.constant 0 : i32
    %dma_wait3A_34 = tpu.memref_slice %arg4[%mul3A_2, %dma_wait3A_33] : memref<122880x128xf32, #tpu.memory_space<hbm>> -> memref<128x128xf32, #tpu.memory_space<hbm>>
    tpu.wait_dma2 semaphore(%arg13 : memref<!tpu.dma_semaphore, #tpu.memory_space<semaphore_mem>>) src(%arg7 : memref<128x128xf32, #tpu.memory_space<vmem>>) dst(%dma_wait3A_34 : memref<128x128xf32, #tpu.memory_space<hbm>>)
    %dma_wait3A_35 = arith.constant 0 : i32
    %dma_wait3A_36 = tpu.memref_slice %arg4[%mul3A_2, %dma_wait3A_35] : memref<122880x128xf32, #tpu.memory_space<hbm>> -> memref<128x128xf32, #tpu.memory_space<hbm>>
    %dma_wait3A_37 = arith.constant 0 : i32
    %dma_wait3A_38 = tpu.memref_slice %arg4[%mul3A_2, %dma_wait3A_37] : memref<122880x128xf32, #tpu.memory_space<hbm>> -> memref<128x128xf32, #tpu.memory_space<hbm>>
    tpu.wait_dma2 semaphore(%arg14 : memref<!tpu.dma_semaphore, #tpu.memory_space<semaphore_mem>>) src(%arg8 : memref<128x128xf32, #tpu.memory_space<vmem>>) dst(%dma_wait3A_38 : memref<128x128xf32, #tpu.memory_space<hbm>>)
    return
  }
}

#map = affine_map<(d0, d1) -> (0, 0)>
#map1 = affine_map<(d0, d1) -> (0, 0, 0)>
module attributes {stable_mosaic.version = 14 : i64} {
  func.func @k(%arg0: i32, %arg1: i32, %arg2: memref<40000x128xi32, #tpu.memory_space<hbm>>, %arg3: memref<32x30x128xi32, #tpu.memory_space<hbm>>, %arg4: memref<122880x128xi32, #tpu.memory_space<hbm>>, %arg5: memref<30x128xi32, #tpu.memory_space<vmem>>, %arg6: memref<128x128xi32, #tpu.memory_space<vmem>>, %arg7: memref<128x128xi32, #tpu.memory_space<vmem>>, %arg8: memref<128x128xi32, #tpu.memory_space<vmem>>, %arg9: memref<!tpu.dma_semaphore, #tpu.memory_space<semaphore_mem>>, %arg10: memref<!tpu.dma_semaphore, #tpu.memory_space<semaphore_mem>>, %arg11: memref<!tpu.dma_semaphore, #tpu.memory_space<semaphore_mem>>, %arg12: memref<!tpu.dma_semaphore, #tpu.memory_space<semaphore_mem>>, %arg13: memref<!tpu.dma_semaphore, #tpu.memory_space<semaphore_mem>>, %arg14: memref<!tpu.dma_semaphore, #tpu.memory_space<semaphore_mem>>) attributes {dimension_semantics = [#tpu.dimension_semantics<core_parallel>, #tpu.dimension_semantics<subcore_parallel>], iteration_bounds = array<i64: 2, 16>, scalar_prefetch = 0 : i64, scratch_operands = 10 : i64, tpu.core_type = #tpu.core_type<sc_vector_subcore>, window_params = [{transform_indices = #map}, {transform_indices = #map1}, {transform_indices = #map}]} {
    %mul3A = arith.constant 2 : i32
    %mul3A_0 = arith.muli %arg1, %mul3A : i32
    %add3A = arith.addi %mul3A_0, %arg0 : i32
    %mul3A_1 = arith.constant 3840 : i32
    %mul3A_2 = arith.muli %add3A, %mul3A_1 : i32
    "tpu.region"() ({
      %run_scoped3A = tpu.sem_alloc : memref<!tpu.dma_semaphore, #tpu.memory_space<semaphore_mem>>
      %dma_start3A_39 = arith.constant 0 : i32
      %dma_start3A_40 = arith.constant 0 : i32
      %dma_start3A_41 = tpu.memref_slice %arg3[%add3A, %dma_start3A_39, %dma_start3A_40] : memref<32x30x128xi32, #tpu.memory_space<hbm>> -> memref<1x30x128xi32, #tpu.memory_space<hbm>>
      %dma_start3A_42 = tpu.memref_squeeze %dma_start3A_41 : memref<1x30x128xi32, #tpu.memory_space<hbm>> -> memref<30x128xi32, #tpu.memory_space<hbm>>
      %dma_start3A_43 = arith.constant 0 : i32
      %dma_start3A_44 = arith.constant 0 : i32
      %dma_start3A_45 = tpu.memref_slice %arg3[%add3A, %dma_start3A_43, %dma_start3A_44] : memref<32x30x128xi32, #tpu.memory_space<hbm>> -> memref<1x30x128xi32, #tpu.memory_space<hbm>>
      %dma_start3A_46 = tpu.memref_squeeze %dma_start3A_45 : memref<1x30x128xi32, #tpu.memory_space<hbm>> -> memref<30x128xi32, #tpu.memory_space<hbm>>
      tpu.enqueue_dma source(%dma_start3A_46 : memref<30x128xi32, #tpu.memory_space<hbm>>) target(%arg5 : memref<30x128xi32, #tpu.memory_space<vmem>>) target_semaphore(%run_scoped3A : memref<!tpu.dma_semaphore, #tpu.memory_space<semaphore_mem>>)
      %dma_wait3A_47 = arith.constant 0 : i32
      %dma_wait3A_48 = arith.constant 0 : i32
      %dma_wait3A_49 = tpu.memref_slice %arg3[%add3A, %dma_wait3A_47, %dma_wait3A_48] : memref<32x30x128xi32, #tpu.memory_space<hbm>> -> memref<1x30x128xi32, #tpu.memory_space<hbm>>
      %dma_wait3A_50 = tpu.memref_squeeze %dma_wait3A_49 : memref<1x30x128xi32, #tpu.memory_space<hbm>> -> memref<30x128xi32, #tpu.memory_space<hbm>>
      %dma_wait3A_51 = arith.constant 0 : i32
      %dma_wait3A_52 = arith.constant 0 : i32
      %dma_wait3A_53 = tpu.memref_slice %arg3[%add3A, %dma_wait3A_51, %dma_wait3A_52] : memref<32x30x128xi32, #tpu.memory_space<hbm>> -> memref<1x30x128xi32, #tpu.memory_space<hbm>>
      %dma_wait3A_54 = tpu.memref_squeeze %dma_wait3A_53 : memref<1x30x128xi32, #tpu.memory_space<hbm>> -> memref<30x128xi32, #tpu.memory_space<hbm>>
      tpu.wait_dma2 semaphore(%run_scoped3A : memref<!tpu.dma_semaphore, #tpu.memory_space<semaphore_mem>>) src(%dma_wait3A_54 : memref<30x128xi32, #tpu.memory_space<hbm>>) dst(%arg5 : memref<30x128xi32, #tpu.memory_space<vmem>>)
      tpu.yield
    }) : () -> ()
    %dma_start3A = arith.constant 0 : i32
    %dma_start3A_3 = arith.constant 0 : i32
    %dma_start3A_4 = tpu.memref_slice %arg5[%dma_start3A, %dma_start3A_3] : memref<30x128xi32, #tpu.memory_space<vmem>> -> memref<1x128xi32, #tpu.memory_space<vmem>>
    %dma_start3A_5 = tpu.memref_squeeze %dma_start3A_4 : memref<1x128xi32, #tpu.memory_space<vmem>> -> memref<128xi32, #tpu.memory_space<vmem>>
    %dma_start3A_6 = arith.constant 0 : i32
    %dma_start3A_7 = arith.constant 0 : i32
    %dma_start3A_8 = tpu.memref_slice %arg2[%dma_start3A_6, %dma_start3A_7] : memref<40000x128xi32, #tpu.memory_space<hbm>> -> memref<40000x128xi32, #tpu.memory_space<hbm>>
    tpu.enqueue_indirect_dma source(%dma_start3A_8 : memref<40000x128xi32, #tpu.memory_space<hbm>>) target(%arg6 : memref<128x128xi32, #tpu.memory_space<vmem>>) offsets(%dma_start3A_5 : memref<128xi32, #tpu.memory_space<vmem>>) semaphore(%arg9 : memref<!tpu.dma_semaphore, #tpu.memory_space<semaphore_mem>>)
    %dma_start3A_9 = arith.constant 1 : i32
    %dma_start3A_10 = arith.constant 0 : i32
    %dma_start3A_11 = tpu.memref_slice %arg5[%dma_start3A_9, %dma_start3A_10] : memref<30x128xi32, #tpu.memory_space<vmem>> -> memref<1x128xi32, #tpu.memory_space<vmem>>
    %dma_start3A_12 = tpu.memref_squeeze %dma_start3A_11 : memref<1x128xi32, #tpu.memory_space<vmem>> -> memref<128xi32, #tpu.memory_space<vmem>>
    %dma_start3A_13 = arith.constant 0 : i32
    %dma_start3A_14 = arith.constant 0 : i32
    %dma_start3A_15 = tpu.memref_slice %arg2[%dma_start3A_13, %dma_start3A_14] : memref<40000x128xi32, #tpu.memory_space<hbm>> -> memref<40000x128xi32, #tpu.memory_space<hbm>>
    tpu.enqueue_indirect_dma source(%dma_start3A_15 : memref<40000x128xi32, #tpu.memory_space<hbm>>) target(%arg7 : memref<128x128xi32, #tpu.memory_space<vmem>>) offsets(%dma_start3A_12 : memref<128xi32, #tpu.memory_space<vmem>>) semaphore(%arg10 : memref<!tpu.dma_semaphore, #tpu.memory_space<semaphore_mem>>)
    %dma_start3A_16 = arith.constant 2 : i32
    %dma_start3A_17 = arith.constant 0 : i32
    %dma_start3A_18 = tpu.memref_slice %arg5[%dma_start3A_16, %dma_start3A_17] : memref<30x128xi32, #tpu.memory_space<vmem>> -> memref<1x128xi32, #tpu.memory_space<vmem>>
    %dma_start3A_19 = tpu.memref_squeeze %dma_start3A_18 : memref<1x128xi32, #tpu.memory_space<vmem>> -> memref<128xi32, #tpu.memory_space<vmem>>
    %dma_start3A_20 = arith.constant 0 : i32
    %dma_start3A_21 = arith.constant 0 : i32
    %dma_start3A_22 = tpu.memref_slice %arg2[%dma_start3A_20, %dma_start3A_21] : memref<40000x128xi32, #tpu.memory_space<hbm>> -> memref<40000x128xi32, #tpu.memory_space<hbm>>
    tpu.enqueue_indirect_dma source(%dma_start3A_22 : memref<40000x128xi32, #tpu.memory_space<hbm>>) target(%arg8 : memref<128x128xi32, #tpu.memory_space<vmem>>) offsets(%dma_start3A_19 : memref<128xi32, #tpu.memory_space<vmem>>) semaphore(%arg11 : memref<!tpu.dma_semaphore, #tpu.memory_space<semaphore_mem>>)
    %scan3A = arith.constant 0 : i32
    %scan3A_23 = arith.constant 0 : i32
    %scan3A_24 = arith.constant 10 : i32
    %scan3A_25 = arith.addi %scan3A_23, %scan3A_24 : i32
    %scan3A_26 = arith.constant 1 : i32
    scf.for %scan3A_39 = %scan3A_23 to %scan3A_25 step %scan3A_26  : i32 {
      %mul3A_40 = arith.constant 3 : i32
      %mul3A_41 = arith.muli %scan3A_39, %mul3A_40 : i32
      %add3A_42 = arith.constant 0 : i32
      %add3A_43 = arith.addi %mul3A_41, %add3A_42 : i32
      %dma_wait3A_44 = arith.constant 0 : i32
      %dma_wait3A_45 = tpu.memref_slice %arg5[%add3A_43, %dma_wait3A_44] : memref<30x128xi32, #tpu.memory_space<vmem>> -> memref<1x128xi32, #tpu.memory_space<vmem>>
      %dma_wait3A_46 = tpu.memref_squeeze %dma_wait3A_45 : memref<1x128xi32, #tpu.memory_space<vmem>> -> memref<128xi32, #tpu.memory_space<vmem>>
      %dma_wait3A_47 = arith.constant 0 : i32
      %dma_wait3A_48 = arith.constant 0 : i32
      %dma_wait3A_49 = tpu.memref_slice %arg2[%dma_wait3A_47, %dma_wait3A_48] : memref<40000x128xi32, #tpu.memory_space<hbm>> -> memref<40000x128xi32, #tpu.memory_space<hbm>>
      tpu.wait_indirect_dma semaphore(%arg9 : memref<!tpu.dma_semaphore, #tpu.memory_space<semaphore_mem>>) src(%dma_wait3A_49 : memref<40000x128xi32, #tpu.memory_space<hbm>>) dst(%arg6 : memref<128x128xi32, #tpu.memory_space<vmem>>)
      %mul3A_50 = arith.constant 128 : i32
      %mul3A_51 = arith.muli %add3A_43, %mul3A_50 : i32
      %add3A_52 = arith.addi %mul3A_2, %mul3A_51 : i32
      %dma_start3A_53 = arith.constant 0 : i32
      %dma_start3A_54 = tpu.memref_slice %arg4[%add3A_52, %dma_start3A_53] : memref<122880x128xi32, #tpu.memory_space<hbm>> -> memref<128x128xi32, #tpu.memory_space<hbm>>
      %dma_start3A_55 = arith.constant 0 : i32
      %dma_start3A_56 = tpu.memref_slice %arg4[%add3A_52, %dma_start3A_55] : memref<122880x128xi32, #tpu.memory_space<hbm>> -> memref<128x128xi32, #tpu.memory_space<hbm>>
      tpu.enqueue_dma source(%arg6 : memref<128x128xi32, #tpu.memory_space<vmem>>) target(%dma_start3A_56 : memref<128x128xi32, #tpu.memory_space<hbm>>) target_semaphore(%arg12 : memref<!tpu.dma_semaphore, #tpu.memory_space<semaphore_mem>>)
      %add3A_57 = arith.constant 3 : i32
      %add3A_58 = arith.addi %add3A_43, %add3A_57 : i32
      %lt3A = arith.constant 30 : i32
      %lt3A_59 = arith.cmpi slt, %add3A_58, %lt3A : i32
      %convert_element_type3A = arith.extui %lt3A_59 : i1 to i32
      %cond3A = arith.constant 0 : i32
      %cond3A_60 = arith.cmpi ne, %convert_element_type3A, %cond3A : i32
      scf.if %cond3A_60 {
        %dma_wait3A_105 = arith.constant 0 : i32
        %dma_wait3A_106 = tpu.memref_slice %arg4[%mul3A_2, %dma_wait3A_105] : memref<122880x128xi32, #tpu.memory_space<hbm>> -> memref<128x128xi32, #tpu.memory_space<hbm>>
        %dma_wait3A_107 = arith.constant 0 : i32
        %dma_wait3A_108 = tpu.memref_slice %arg4[%mul3A_2, %dma_wait3A_107] : memref<122880x128xi32, #tpu.memory_space<hbm>> -> memref<128x128xi32, #tpu.memory_space<hbm>>
        tpu.wait_dma2 semaphore(%arg12 : memref<!tpu.dma_semaphore, #tpu.memory_space<semaphore_mem>>) src(%arg6 : memref<128x128xi32, #tpu.memory_space<vmem>>) dst(%dma_wait3A_108 : memref<128x128xi32, #tpu.memory_space<hbm>>)
        %add3A_109 = arith.constant 3 : i32
        %add3A_110 = arith.addi %add3A_43, %add3A_109 : i32
        %dma_start3A_111 = arith.constant 0 : i32
        %dma_start3A_112 = tpu.memref_slice %arg5[%add3A_110, %dma_start3A_111] : memref<30x128xi32, #tpu.memory_space<vmem>> -> memref<1x128xi32, #tpu.memory_space<vmem>>
        %dma_start3A_113 = tpu.memref_squeeze %dma_start3A_112 : memref<1x128xi32, #tpu.memory_space<vmem>> -> memref<128xi32, #tpu.memory_space<vmem>>
        %dma_start3A_114 = arith.constant 0 : i32
        %dma_start3A_115 = arith.constant 0 : i32
        %dma_start3A_116 = tpu.memref_slice %arg2[%dma_start3A_114, %dma_start3A_115] : memref<40000x128xi32, #tpu.memory_space<hbm>> -> memref<40000x128xi32, #tpu.memory_space<hbm>>
        tpu.enqueue_indirect_dma source(%dma_start3A_116 : memref<40000x128xi32, #tpu.memory_space<hbm>>) target(%arg6 : memref<128x128xi32, #tpu.memory_space<vmem>>) offsets(%dma_start3A_113 : memref<128xi32, #tpu.memory_space<vmem>>) semaphore(%arg9 : memref<!tpu.dma_semaphore, #tpu.memory_space<semaphore_mem>>)
      } else {
      }
      %add3A_61 = arith.constant 1 : i32
      %add3A_62 = arith.addi %mul3A_41, %add3A_61 : i32
      %dma_wait3A_63 = arith.constant 0 : i32
      %dma_wait3A_64 = tpu.memref_slice %arg5[%add3A_62, %dma_wait3A_63] : memref<30x128xi32, #tpu.memory_space<vmem>> -> memref<1x128xi32, #tpu.memory_space<vmem>>
      %dma_wait3A_65 = tpu.memref_squeeze %dma_wait3A_64 : memref<1x128xi32, #tpu.memory_space<vmem>> -> memref<128xi32, #tpu.memory_space<vmem>>
      %dma_wait3A_66 = arith.constant 0 : i32
      %dma_wait3A_67 = arith.constant 0 : i32
      %dma_wait3A_68 = tpu.memref_slice %arg2[%dma_wait3A_66, %dma_wait3A_67] : memref<40000x128xi32, #tpu.memory_space<hbm>> -> memref<40000x128xi32, #tpu.memory_space<hbm>>
      tpu.wait_indirect_dma semaphore(%arg10 : memref<!tpu.dma_semaphore, #tpu.memory_space<semaphore_mem>>) src(%dma_wait3A_68 : memref<40000x128xi32, #tpu.memory_space<hbm>>) dst(%arg7 : memref<128x128xi32, #tpu.memory_space<vmem>>)
      %mul3A_69 = arith.constant 128 : i32
      %mul3A_70 = arith.muli %add3A_62, %mul3A_69 : i32
      %add3A_71 = arith.addi %mul3A_2, %mul3A_70 : i32
      %dma_start3A_72 = arith.constant 0 : i32
      %dma_start3A_73 = tpu.memref_slice %arg4[%add3A_71, %dma_start3A_72] : memref<122880x128xi32, #tpu.memory_space<hbm>> -> memref<128x128xi32, #tpu.memory_space<hbm>>
      %dma_start3A_74 = arith.constant 0 : i32
      %dma_start3A_75 = tpu.memref_slice %arg4[%add3A_71, %dma_start3A_74] : memref<122880x128xi32, #tpu.memory_space<hbm>> -> memref<128x128xi32, #tpu.memory_space<hbm>>
      tpu.enqueue_dma source(%arg7 : memref<128x128xi32, #tpu.memory_space<vmem>>) target(%dma_start3A_75 : memref<128x128xi32, #tpu.memory_space<hbm>>) target_semaphore(%arg13 : memref<!tpu.dma_semaphore, #tpu.memory_space<semaphore_mem>>)
      %add3A_76 = arith.constant 3 : i32
      %add3A_77 = arith.addi %add3A_62, %add3A_76 : i32
      %lt3A_78 = arith.constant 30 : i32
      %lt3A_79 = arith.cmpi slt, %add3A_77, %lt3A_78 : i32
      %convert_element_type3A_80 = arith.extui %lt3A_79 : i1 to i32
      %cond3A_81 = arith.constant 0 : i32
      %cond3A_82 = arith.cmpi ne, %convert_element_type3A_80, %cond3A_81 : i32
      scf.if %cond3A_82 {
        %dma_wait3A_105 = arith.constant 0 : i32
        %dma_wait3A_106 = tpu.memref_slice %arg4[%mul3A_2, %dma_wait3A_105] : memref<122880x128xi32, #tpu.memory_space<hbm>> -> memref<128x128xi32, #tpu.memory_space<hbm>>
        %dma_wait3A_107 = arith.constant 0 : i32
        %dma_wait3A_108 = tpu.memref_slice %arg4[%mul3A_2, %dma_wait3A_107] : memref<122880x128xi32, #tpu.memory_space<hbm>> -> memref<128x128xi32, #tpu.memory_space<hbm>>
        tpu.wait_dma2 semaphore(%arg13 : memref<!tpu.dma_semaphore, #tpu.memory_space<semaphore_mem>>) src(%arg7 : memref<128x128xi32, #tpu.memory_space<vmem>>) dst(%dma_wait3A_108 : memref<128x128xi32, #tpu.memory_space<hbm>>)
        %add3A_109 = arith.constant 3 : i32
        %add3A_110 = arith.addi %add3A_62, %add3A_109 : i32
        %dma_start3A_111 = arith.constant 0 : i32
        %dma_start3A_112 = tpu.memref_slice %arg5[%add3A_110, %dma_start3A_111] : memref<30x128xi32, #tpu.memory_space<vmem>> -> memref<1x128xi32, #tpu.memory_space<vmem>>
        %dma_start3A_113 = tpu.memref_squeeze %dma_start3A_112 : memref<1x128xi32, #tpu.memory_space<vmem>> -> memref<128xi32, #tpu.memory_space<vmem>>
        %dma_start3A_114 = arith.constant 0 : i32
        %dma_start3A_115 = arith.constant 0 : i32
        %dma_start3A_116 = tpu.memref_slice %arg2[%dma_start3A_114, %dma_start3A_115] : memref<40000x128xi32, #tpu.memory_space<hbm>> -> memref<40000x128xi32, #tpu.memory_space<hbm>>
        tpu.enqueue_indirect_dma source(%dma_start3A_116 : memref<40000x128xi32, #tpu.memory_space<hbm>>) target(%arg7 : memref<128x128xi32, #tpu.memory_space<vmem>>) offsets(%dma_start3A_113 : memref<128xi32, #tpu.memory_space<vmem>>) semaphore(%arg10 : memref<!tpu.dma_semaphore, #tpu.memory_space<semaphore_mem>>)
      } else {
      }
      %add3A_83 = arith.constant 2 : i32
      %add3A_84 = arith.addi %mul3A_41, %add3A_83 : i32
      %dma_wait3A_85 = arith.constant 0 : i32
      %dma_wait3A_86 = tpu.memref_slice %arg5[%add3A_84, %dma_wait3A_85] : memref<30x128xi32, #tpu.memory_space<vmem>> -> memref<1x128xi32, #tpu.memory_space<vmem>>
      %dma_wait3A_87 = tpu.memref_squeeze %dma_wait3A_86 : memref<1x128xi32, #tpu.memory_space<vmem>> -> memref<128xi32, #tpu.memory_space<vmem>>
      %dma_wait3A_88 = arith.constant 0 : i32
      %dma_wait3A_89 = arith.constant 0 : i32
      %dma_wait3A_90 = tpu.memref_slice %arg2[%dma_wait3A_88, %dma_wait3A_89] : memref<40000x128xi32, #tpu.memory_space<hbm>> -> memref<40000x128xi32, #tpu.memory_space<hbm>>
      tpu.wait_indirect_dma semaphore(%arg11 : memref<!tpu.dma_semaphore, #tpu.memory_space<semaphore_mem>>) src(%dma_wait3A_90 : memref<40000x128xi32, #tpu.memory_space<hbm>>) dst(%arg8 : memref<128x128xi32, #tpu.memory_space<vmem>>)
      %mul3A_91 = arith.constant 128 : i32
      %mul3A_92 = arith.muli %add3A_84, %mul3A_91 : i32
      %add3A_93 = arith.addi %mul3A_2, %mul3A_92 : i32
      %dma_start3A_94 = arith.constant 0 : i32
      %dma_start3A_95 = tpu.memref_slice %arg4[%add3A_93, %dma_start3A_94] : memref<122880x128xi32, #tpu.memory_space<hbm>> -> memref<128x128xi32, #tpu.memory_space<hbm>>
      %dma_start3A_96 = arith.constant 0 : i32
      %dma_start3A_97 = tpu.memref_slice %arg4[%add3A_93, %dma_start3A_96] : memref<122880x128xi32, #tpu.memory_space<hbm>> -> memref<128x128xi32, #tpu.memory_space<hbm>>
      tpu.enqueue_dma source(%arg8 : memref<128x128xi32, #tpu.memory_space<vmem>>) target(%dma_start3A_97 : memref<128x128xi32, #tpu.memory_space<hbm>>) target_semaphore(%arg14 : memref<!tpu.dma_semaphore, #tpu.memory_space<semaphore_mem>>)
      %add3A_98 = arith.constant 3 : i32
      %add3A_99 = arith.addi %add3A_84, %add3A_98 : i32
      %lt3A_100 = arith.constant 30 : i32
      %lt3A_101 = arith.cmpi slt, %add3A_99, %lt3A_100 : i32
      %convert_element_type3A_102 = arith.extui %lt3A_101 : i1 to i32
      %cond3A_103 = arith.constant 0 : i32
      %cond3A_104 = arith.cmpi ne, %convert_element_type3A_102, %cond3A_103 : i32
      scf.if %cond3A_104 {
        %dma_wait3A_105 = arith.constant 0 : i32
        %dma_wait3A_106 = tpu.memref_slice %arg4[%mul3A_2, %dma_wait3A_105] : memref<122880x128xi32, #tpu.memory_space<hbm>> -> memref<128x128xi32, #tpu.memory_space<hbm>>
        %dma_wait3A_107 = arith.constant 0 : i32
        %dma_wait3A_108 = tpu.memref_slice %arg4[%mul3A_2, %dma_wait3A_107] : memref<122880x128xi32, #tpu.memory_space<hbm>> -> memref<128x128xi32, #tpu.memory_space<hbm>>
        tpu.wait_dma2 semaphore(%arg14 : memref<!tpu.dma_semaphore, #tpu.memory_space<semaphore_mem>>) src(%arg8 : memref<128x128xi32, #tpu.memory_space<vmem>>) dst(%dma_wait3A_108 : memref<128x128xi32, #tpu.memory_space<hbm>>)
        %add3A_109 = arith.constant 3 : i32
        %add3A_110 = arith.addi %add3A_84, %add3A_109 : i32
        %dma_start3A_111 = arith.constant 0 : i32
        %dma_start3A_112 = tpu.memref_slice %arg5[%add3A_110, %dma_start3A_111] : memref<30x128xi32, #tpu.memory_space<vmem>> -> memref<1x128xi32, #tpu.memory_space<vmem>>
        %dma_start3A_113 = tpu.memref_squeeze %dma_start3A_112 : memref<1x128xi32, #tpu.memory_space<vmem>> -> memref<128xi32, #tpu.memory_space<vmem>>
        %dma_start3A_114 = arith.constant 0 : i32
        %dma_start3A_115 = arith.constant 0 : i32
        %dma_start3A_116 = tpu.memref_slice %arg2[%dma_start3A_114, %dma_start3A_115] : memref<40000x128xi32, #tpu.memory_space<hbm>> -> memref<40000x128xi32, #tpu.memory_space<hbm>>
        tpu.enqueue_indirect_dma source(%dma_start3A_116 : memref<40000x128xi32, #tpu.memory_space<hbm>>) target(%arg8 : memref<128x128xi32, #tpu.memory_space<vmem>>) offsets(%dma_start3A_113 : memref<128xi32, #tpu.memory_space<vmem>>) semaphore(%arg11 : memref<!tpu.dma_semaphore, #tpu.memory_space<semaphore_mem>>)
      } else {
      }
    }
    %scan3A_27 = arith.constant 10 : i32
    %dma_wait3A = arith.constant 0 : i32
    %dma_wait3A_28 = tpu.memref_slice %arg4[%mul3A_2, %dma_wait3A] : memref<122880x128xi32, #tpu.memory_space<hbm>> -> memref<128x128xi32, #tpu.memory_space<hbm>>
    %dma_wait3A_29 = arith.constant 0 : i32
    %dma_wait3A_30 = tpu.memref_slice %arg4[%mul3A_2, %dma_wait3A_29] : memref<122880x128xi32, #tpu.memory_space<hbm>> -> memref<128x128xi32, #tpu.memory_space<hbm>>
    tpu.wait_dma2 semaphore(%arg12 : memref<!tpu.dma_semaphore, #tpu.memory_space<semaphore_mem>>) src(%arg6 : memref<128x128xi32, #tpu.memory_space<vmem>>) dst(%dma_wait3A_30 : memref<128x128xi32, #tpu.memory_space<hbm>>)
    %dma_wait3A_31 = arith.constant 0 : i32
    %dma_wait3A_32 = tpu.memref_slice %arg4[%mul3A_2, %dma_wait3A_31] : memref<122880x128xi32, #tpu.memory_space<hbm>> -> memref<128x128xi32, #tpu.memory_space<hbm>>
    %dma_wait3A_33 = arith.constant 0 : i32
    %dma_wait3A_34 = tpu.memref_slice %arg4[%mul3A_2, %dma_wait3A_33] : memref<122880x128xi32, #tpu.memory_space<hbm>> -> memref<128x128xi32, #tpu.memory_space<hbm>>
    tpu.wait_dma2 semaphore(%arg13 : memref<!tpu.dma_semaphore, #tpu.memory_space<semaphore_mem>>) src(%arg7 : memref<128x128xi32, #tpu.memory_space<vmem>>) dst(%dma_wait3A_34 : memref<128x128xi32, #tpu.memory_space<hbm>>)
    %dma_wait3A_35 = arith.constant 0 : i32
    %dma_wait3A_36 = tpu.memref_slice %arg4[%mul3A_2, %dma_wait3A_35] : memref<122880x128xi32, #tpu.memory_space<hbm>> -> memref<128x128xi32, #tpu.memory_space<hbm>>
    %dma_wait3A_37 = arith.constant 0 : i32
    %dma_wait3A_38 = tpu.memref_slice %arg4[%mul3A_2, %dma_wait3A_37] : memref<122880x128xi32, #tpu.memory_space<hbm>> -> memref<128x128xi32, #tpu.memory_space<hbm>>
    tpu.wait_dma2 semaphore(%arg14 : memref<!tpu.dma_semaphore, #tpu.memory_space<semaphore_mem>>) src(%arg8 : memref<128x128xi32, #tpu.memory_space<vmem>>) dst(%dma_wait3A_38 : memref<128x128xi32, #tpu.memory_space<hbm>>)
    return
  }
}

#map = affine_map<(d0, d1) -> (0, 0)>
#map1 = affine_map<(d0, d1) -> (0, 0, 0)>
module attributes {stable_mosaic.version = 14 : i64} {
  func.func @k(%arg0: i32, %arg1: i32, %arg2: memref<40000x128xf32, #tpu.memory_space<hbm>>, %arg3: memref<32x30x128xi32, #tpu.memory_space<hbm>>, %arg4: memref<122880x128xf32, #tpu.memory_space<hbm>>, %arg5: memref<30x128xi32, #tpu.memory_space<vmem>>, %arg6: memref<128x128xf32, #tpu.memory_space<vmem>>, %arg7: memref<128x128xf32, #tpu.memory_space<vmem>>, %arg8: memref<128x128xf32, #tpu.memory_space<vmem>>, %arg9: memref<!tpu.dma_semaphore, #tpu.memory_space<semaphore_mem>>, %arg10: memref<!tpu.dma_semaphore, #tpu.memory_space<semaphore_mem>>, %arg11: memref<!tpu.dma_semaphore, #tpu.memory_space<semaphore_mem>>, %arg12: memref<!tpu.dma_semaphore, #tpu.memory_space<semaphore_mem>>, %arg13: memref<!tpu.dma_semaphore, #tpu.memory_space<semaphore_mem>>, %arg14: memref<!tpu.dma_semaphore, #tpu.memory_space<semaphore_mem>>) attributes {dimension_semantics = [#tpu.dimension_semantics<core_parallel>, #tpu.dimension_semantics<subcore_parallel>], iteration_bounds = array<i64: 2, 16>, scalar_prefetch = 0 : i64, scratch_operands = 10 : i64, tpu.core_type = #tpu.core_type<sc_vector_subcore>, window_params = [{transform_indices = #map}, {transform_indices = #map1}, {transform_indices = #map}]} {
    %mul3A = arith.constant 2 : i32
    %mul3A_0 = arith.muli %arg1, %mul3A : i32
    %add3A = arith.addi %mul3A_0, %arg0 : i32
    %mul3A_1 = arith.constant 3840 : i32
    %mul3A_2 = arith.muli %add3A, %mul3A_1 : i32
    "tpu.region"() ({
      %run_scoped3A = tpu.sem_alloc : memref<!tpu.dma_semaphore, #tpu.memory_space<semaphore_mem>>
      %dma_start3A_39 = arith.constant 0 : i32
      %dma_start3A_40 = arith.constant 0 : i32
      %dma_start3A_41 = tpu.memref_slice %arg3[%add3A, %dma_start3A_39, %dma_start3A_40] : memref<32x30x128xi32, #tpu.memory_space<hbm>> -> memref<1x30x128xi32, #tpu.memory_space<hbm>>
      %dma_start3A_42 = tpu.memref_squeeze %dma_start3A_41 : memref<1x30x128xi32, #tpu.memory_space<hbm>> -> memref<30x128xi32, #tpu.memory_space<hbm>>
      %dma_start3A_43 = arith.constant 0 : i32
      %dma_start3A_44 = arith.constant 0 : i32
      %dma_start3A_45 = tpu.memref_slice %arg3[%add3A, %dma_start3A_43, %dma_start3A_44] : memref<32x30x128xi32, #tpu.memory_space<hbm>> -> memref<1x30x128xi32, #tpu.memory_space<hbm>>
      %dma_start3A_46 = tpu.memref_squeeze %dma_start3A_45 : memref<1x30x128xi32, #tpu.memory_space<hbm>> -> memref<30x128xi32, #tpu.memory_space<hbm>>
      tpu.enqueue_dma source(%dma_start3A_46 : memref<30x128xi32, #tpu.memory_space<hbm>>) target(%arg5 : memref<30x128xi32, #tpu.memory_space<vmem>>) target_semaphore(%run_scoped3A : memref<!tpu.dma_semaphore, #tpu.memory_space<semaphore_mem>>)
      %dma_wait3A_47 = arith.constant 0 : i32
      %dma_wait3A_48 = arith.constant 0 : i32
      %dma_wait3A_49 = tpu.memref_slice %arg3[%add3A, %dma_wait3A_47, %dma_wait3A_48] : memref<32x30x128xi32, #tpu.memory_space<hbm>> -> memref<1x30x128xi32, #tpu.memory_space<hbm>>
      %dma_wait3A_50 = tpu.memref_squeeze %dma_wait3A_49 : memref<1x30x128xi32, #tpu.memory_space<hbm>> -> memref<30x128xi32, #tpu.memory_space<hbm>>
      %dma_wait3A_51 = arith.constant 0 : i32
      %dma_wait3A_52 = arith.constant 0 : i32
      %dma_wait3A_53 = tpu.memref_slice %arg3[%add3A, %dma_wait3A_51, %dma_wait3A_52] : memref<32x30x128xi32, #tpu.memory_space<hbm>> -> memref<1x30x128xi32, #tpu.memory_space<hbm>>
      %dma_wait3A_54 = tpu.memref_squeeze %dma_wait3A_53 : memref<1x30x128xi32, #tpu.memory_space<hbm>> -> memref<30x128xi32, #tpu.memory_space<hbm>>
      tpu.wait_dma2 semaphore(%run_scoped3A : memref<!tpu.dma_semaphore, #tpu.memory_space<semaphore_mem>>) src(%dma_wait3A_54 : memref<30x128xi32, #tpu.memory_space<hbm>>) dst(%arg5 : memref<30x128xi32, #tpu.memory_space<vmem>>)
      tpu.yield
    }) : () -> ()
    %dma_start3A = arith.constant 0 : i32
    %dma_start3A_3 = arith.constant 0 : i32
    %dma_start3A_4 = tpu.memref_slice %arg5[%dma_start3A, %dma_start3A_3] : memref<30x128xi32, #tpu.memory_space<vmem>> -> memref<1x128xi32, #tpu.memory_space<vmem>>
    %dma_start3A_5 = tpu.memref_squeeze %dma_start3A_4 : memref<1x128xi32, #tpu.memory_space<vmem>> -> memref<128xi32, #tpu.memory_space<vmem>>
    %dma_start3A_6 = arith.constant 0 : i32
    %dma_start3A_7 = arith.constant 0 : i32
    %dma_start3A_8 = tpu.memref_slice %arg2[%dma_start3A_6, %dma_start3A_7] : memref<40000x128xf32, #tpu.memory_space<hbm>> -> memref<40000x128xf32, #tpu.memory_space<hbm>>
    tpu.enqueue_indirect_dma source(%dma_start3A_8 : memref<40000x128xf32, #tpu.memory_space<hbm>>) target(%arg6 : memref<128x128xf32, #tpu.memory_space<vmem>>) offsets(%dma_start3A_5 : memref<128xi32, #tpu.memory_space<vmem>>) semaphore(%arg9 : memref<!tpu.dma_semaphore, #tpu.memory_space<semaphore_mem>>)
    %dma_start3A_9 = arith.constant 1 : i32
    %dma_start3A_10 = arith.constant 0 : i32
    %dma_start3A_11 = tpu.memref_slice %arg5[%dma_start3A_9, %dma_start3A_10] : memref<30x128xi32, #tpu.memory_space<vmem>> -> memref<1x128xi32, #tpu.memory_space<vmem>>
    %dma_start3A_12 = tpu.memref_squeeze %dma_start3A_11 : memref<1x128xi32, #tpu.memory_space<vmem>> -> memref<128xi32, #tpu.memory_space<vmem>>
    %dma_start3A_13 = arith.constant 0 : i32
    %dma_start3A_14 = arith.constant 0 : i32
    %dma_start3A_15 = tpu.memref_slice %arg2[%dma_start3A_13, %dma_start3A_14] : memref<40000x128xf32, #tpu.memory_space<hbm>> -> memref<40000x128xf32, #tpu.memory_space<hbm>>
    tpu.enqueue_indirect_dma source(%dma_start3A_15 : memref<40000x128xf32, #tpu.memory_space<hbm>>) target(%arg7 : memref<128x128xf32, #tpu.memory_space<vmem>>) offsets(%dma_start3A_12 : memref<128xi32, #tpu.memory_space<vmem>>) semaphore(%arg10 : memref<!tpu.dma_semaphore, #tpu.memory_space<semaphore_mem>>)
    %dma_start3A_16 = arith.constant 2 : i32
    %dma_start3A_17 = arith.constant 0 : i32
    %dma_start3A_18 = tpu.memref_slice %arg5[%dma_start3A_16, %dma_start3A_17] : memref<30x128xi32, #tpu.memory_space<vmem>> -> memref<1x128xi32, #tpu.memory_space<vmem>>
    %dma_start3A_19 = tpu.memref_squeeze %dma_start3A_18 : memref<1x128xi32, #tpu.memory_space<vmem>> -> memref<128xi32, #tpu.memory_space<vmem>>
    %dma_start3A_20 = arith.constant 0 : i32
    %dma_start3A_21 = arith.constant 0 : i32
    %dma_start3A_22 = tpu.memref_slice %arg2[%dma_start3A_20, %dma_start3A_21] : memref<40000x128xf32, #tpu.memory_space<hbm>> -> memref<40000x128xf32, #tpu.memory_space<hbm>>
    tpu.enqueue_indirect_dma source(%dma_start3A_22 : memref<40000x128xf32, #tpu.memory_space<hbm>>) target(%arg8 : memref<128x128xf32, #tpu.memory_space<vmem>>) offsets(%dma_start3A_19 : memref<128xi32, #tpu.memory_space<vmem>>) semaphore(%arg11 : memref<!tpu.dma_semaphore, #tpu.memory_space<semaphore_mem>>)
    %scan3A = arith.constant 0 : i32
    %scan3A_23 = arith.constant 0 : i32
    %scan3A_24 = arith.constant 10 : i32
    %scan3A_25 = arith.addi %scan3A_23, %scan3A_24 : i32
    %scan3A_26 = arith.constant 1 : i32
    scf.for %scan3A_39 = %scan3A_23 to %scan3A_25 step %scan3A_26  : i32 {
      %mul3A_40 = arith.constant 3 : i32
      %mul3A_41 = arith.muli %scan3A_39, %mul3A_40 : i32
      %add3A_42 = arith.constant 0 : i32
      %add3A_43 = arith.addi %mul3A_41, %add3A_42 : i32
      %dma_wait3A_44 = arith.constant 0 : i32
      %dma_wait3A_45 = tpu.memref_slice %arg5[%add3A_43, %dma_wait3A_44] : memref<30x128xi32, #tpu.memory_space<vmem>> -> memref<1x128xi32, #tpu.memory_space<vmem>>
      %dma_wait3A_46 = tpu.memref_squeeze %dma_wait3A_45 : memref<1x128xi32, #tpu.memory_space<vmem>> -> memref<128xi32, #tpu.memory_space<vmem>>
      %dma_wait3A_47 = arith.constant 0 : i32
      %dma_wait3A_48 = arith.constant 0 : i32
      %dma_wait3A_49 = tpu.memref_slice %arg2[%dma_wait3A_47, %dma_wait3A_48] : memref<40000x128xf32, #tpu.memory_space<hbm>> -> memref<40000x128xf32, #tpu.memory_space<hbm>>
      tpu.wait_indirect_dma semaphore(%arg9 : memref<!tpu.dma_semaphore, #tpu.memory_space<semaphore_mem>>) src(%dma_wait3A_49 : memref<40000x128xf32, #tpu.memory_space<hbm>>) dst(%arg6 : memref<128x128xf32, #tpu.memory_space<vmem>>)
      %mul3A_50 = arith.constant 128 : i32
      %mul3A_51 = arith.muli %add3A_43, %mul3A_50 : i32
      %add3A_52 = arith.addi %mul3A_2, %mul3A_51 : i32
      %dma_start3A_53 = arith.constant 0 : i32
      %dma_start3A_54 = tpu.memref_slice %arg4[%add3A_52, %dma_start3A_53] : memref<122880x128xf32, #tpu.memory_space<hbm>> -> memref<128x128xf32, #tpu.memory_space<hbm>>
      %dma_start3A_55 = arith.constant 0 : i32
      %dma_start3A_56 = tpu.memref_slice %arg4[%add3A_52, %dma_start3A_55] : memref<122880x128xf32, #tpu.memory_space<hbm>> -> memref<128x128xf32, #tpu.memory_space<hbm>>
      tpu.enqueue_dma source(%arg6 : memref<128x128xf32, #tpu.memory_space<vmem>>) target(%dma_start3A_56 : memref<128x128xf32, #tpu.memory_space<hbm>>) target_semaphore(%arg12 : memref<!tpu.dma_semaphore, #tpu.memory_space<semaphore_mem>>)
      %add3A_57 = arith.constant 3 : i32
      %add3A_58 = arith.addi %add3A_43, %add3A_57 : i32
      %lt3A = arith.constant 30 : i32
      %lt3A_59 = arith.cmpi slt, %add3A_58, %lt3A : i32
      %convert_element_type3A = arith.extui %lt3A_59 : i1 to i32
      %cond3A = arith.constant 0 : i32
      %cond3A_60 = arith.cmpi ne, %convert_element_type3A, %cond3A : i32
      scf.if %cond3A_60 {
        %dma_wait3A_105 = arith.constant 0 : i32
        %dma_wait3A_106 = tpu.memref_slice %arg4[%mul3A_2, %dma_wait3A_105] : memref<122880x128xf32, #tpu.memory_space<hbm>> -> memref<128x128xf32, #tpu.memory_space<hbm>>
        %dma_wait3A_107 = arith.constant 0 : i32
        %dma_wait3A_108 = tpu.memref_slice %arg4[%mul3A_2, %dma_wait3A_107] : memref<122880x128xf32, #tpu.memory_space<hbm>> -> memref<128x128xf32, #tpu.memory_space<hbm>>
        tpu.wait_dma2 semaphore(%arg12 : memref<!tpu.dma_semaphore, #tpu.memory_space<semaphore_mem>>) src(%arg6 : memref<128x128xf32, #tpu.memory_space<vmem>>) dst(%dma_wait3A_108 : memref<128x128xf32, #tpu.memory_space<hbm>>)
        %add3A_109 = arith.constant 3 : i32
        %add3A_110 = arith.addi %add3A_43, %add3A_109 : i32
        %dma_start3A_111 = arith.constant 0 : i32
        %dma_start3A_112 = tpu.memref_slice %arg5[%add3A_110, %dma_start3A_111] : memref<30x128xi32, #tpu.memory_space<vmem>> -> memref<1x128xi32, #tpu.memory_space<vmem>>
        %dma_start3A_113 = tpu.memref_squeeze %dma_start3A_112 : memref<1x128xi32, #tpu.memory_space<vmem>> -> memref<128xi32, #tpu.memory_space<vmem>>
        %dma_start3A_114 = arith.constant 0 : i32
        %dma_start3A_115 = arith.constant 0 : i32
        %dma_start3A_116 = tpu.memref_slice %arg2[%dma_start3A_114, %dma_start3A_115] : memref<40000x128xf32, #tpu.memory_space<hbm>> -> memref<40000x128xf32, #tpu.memory_space<hbm>>
        tpu.enqueue_indirect_dma source(%dma_start3A_116 : memref<40000x128xf32, #tpu.memory_space<hbm>>) target(%arg6 : memref<128x128xf32, #tpu.memory_space<vmem>>) offsets(%dma_start3A_113 : memref<128xi32, #tpu.memory_space<vmem>>) semaphore(%arg9 : memref<!tpu.dma_semaphore, #tpu.memory_space<semaphore_mem>>)
      } else {
      }
      %add3A_61 = arith.constant 1 : i32
      %add3A_62 = arith.addi %mul3A_41, %add3A_61 : i32
      %dma_wait3A_63 = arith.constant 0 : i32
      %dma_wait3A_64 = tpu.memref_slice %arg5[%add3A_62, %dma_wait3A_63] : memref<30x128xi32, #tpu.memory_space<vmem>> -> memref<1x128xi32, #tpu.memory_space<vmem>>
      %dma_wait3A_65 = tpu.memref_squeeze %dma_wait3A_64 : memref<1x128xi32, #tpu.memory_space<vmem>> -> memref<128xi32, #tpu.memory_space<vmem>>
      %dma_wait3A_66 = arith.constant 0 : i32
      %dma_wait3A_67 = arith.constant 0 : i32
      %dma_wait3A_68 = tpu.memref_slice %arg2[%dma_wait3A_66, %dma_wait3A_67] : memref<40000x128xf32, #tpu.memory_space<hbm>> -> memref<40000x128xf32, #tpu.memory_space<hbm>>
      tpu.wait_indirect_dma semaphore(%arg10 : memref<!tpu.dma_semaphore, #tpu.memory_space<semaphore_mem>>) src(%dma_wait3A_68 : memref<40000x128xf32, #tpu.memory_space<hbm>>) dst(%arg7 : memref<128x128xf32, #tpu.memory_space<vmem>>)
      %mul3A_69 = arith.constant 128 : i32
      %mul3A_70 = arith.muli %add3A_62, %mul3A_69 : i32
      %add3A_71 = arith.addi %mul3A_2, %mul3A_70 : i32
      %dma_start3A_72 = arith.constant 0 : i32
      %dma_start3A_73 = tpu.memref_slice %arg4[%add3A_71, %dma_start3A_72] : memref<122880x128xf32, #tpu.memory_space<hbm>> -> memref<128x128xf32, #tpu.memory_space<hbm>>
      %dma_start3A_74 = arith.constant 0 : i32
      %dma_start3A_75 = tpu.memref_slice %arg4[%add3A_71, %dma_start3A_74] : memref<122880x128xf32, #tpu.memory_space<hbm>> -> memref<128x128xf32, #tpu.memory_space<hbm>>
      tpu.enqueue_dma source(%arg7 : memref<128x128xf32, #tpu.memory_space<vmem>>) target(%dma_start3A_75 : memref<128x128xf32, #tpu.memory_space<hbm>>) target_semaphore(%arg13 : memref<!tpu.dma_semaphore, #tpu.memory_space<semaphore_mem>>)
      %add3A_76 = arith.constant 3 : i32
      %add3A_77 = arith.addi %add3A_62, %add3A_76 : i32
      %lt3A_78 = arith.constant 30 : i32
      %lt3A_79 = arith.cmpi slt, %add3A_77, %lt3A_78 : i32
      %convert_element_type3A_80 = arith.extui %lt3A_79 : i1 to i32
      %cond3A_81 = arith.constant 0 : i32
      %cond3A_82 = arith.cmpi ne, %convert_element_type3A_80, %cond3A_81 : i32
      scf.if %cond3A_82 {
        %dma_wait3A_105 = arith.constant 0 : i32
        %dma_wait3A_106 = tpu.memref_slice %arg4[%mul3A_2, %dma_wait3A_105] : memref<122880x128xf32, #tpu.memory_space<hbm>> -> memref<128x128xf32, #tpu.memory_space<hbm>>
        %dma_wait3A_107 = arith.constant 0 : i32
        %dma_wait3A_108 = tpu.memref_slice %arg4[%mul3A_2, %dma_wait3A_107] : memref<122880x128xf32, #tpu.memory_space<hbm>> -> memref<128x128xf32, #tpu.memory_space<hbm>>
        tpu.wait_dma2 semaphore(%arg13 : memref<!tpu.dma_semaphore, #tpu.memory_space<semaphore_mem>>) src(%arg7 : memref<128x128xf32, #tpu.memory_space<vmem>>) dst(%dma_wait3A_108 : memref<128x128xf32, #tpu.memory_space<hbm>>)
        %add3A_109 = arith.constant 3 : i32
        %add3A_110 = arith.addi %add3A_62, %add3A_109 : i32
        %dma_start3A_111 = arith.constant 0 : i32
        %dma_start3A_112 = tpu.memref_slice %arg5[%add3A_110, %dma_start3A_111] : memref<30x128xi32, #tpu.memory_space<vmem>> -> memref<1x128xi32, #tpu.memory_space<vmem>>
        %dma_start3A_113 = tpu.memref_squeeze %dma_start3A_112 : memref<1x128xi32, #tpu.memory_space<vmem>> -> memref<128xi32, #tpu.memory_space<vmem>>
        %dma_start3A_114 = arith.constant 0 : i32
        %dma_start3A_115 = arith.constant 0 : i32
        %dma_start3A_116 = tpu.memref_slice %arg2[%dma_start3A_114, %dma_start3A_115] : memref<40000x128xf32, #tpu.memory_space<hbm>> -> memref<40000x128xf32, #tpu.memory_space<hbm>>
        tpu.enqueue_indirect_dma source(%dma_start3A_116 : memref<40000x128xf32, #tpu.memory_space<hbm>>) target(%arg7 : memref<128x128xf32, #tpu.memory_space<vmem>>) offsets(%dma_start3A_113 : memref<128xi32, #tpu.memory_space<vmem>>) semaphore(%arg10 : memref<!tpu.dma_semaphore, #tpu.memory_space<semaphore_mem>>)
      } else {
      }
      %add3A_83 = arith.constant 2 : i32
      %add3A_84 = arith.addi %mul3A_41, %add3A_83 : i32
      %dma_wait3A_85 = arith.constant 0 : i32
      %dma_wait3A_86 = tpu.memref_slice %arg5[%add3A_84, %dma_wait3A_85] : memref<30x128xi32, #tpu.memory_space<vmem>> -> memref<1x128xi32, #tpu.memory_space<vmem>>
      %dma_wait3A_87 = tpu.memref_squeeze %dma_wait3A_86 : memref<1x128xi32, #tpu.memory_space<vmem>> -> memref<128xi32, #tpu.memory_space<vmem>>
      %dma_wait3A_88 = arith.constant 0 : i32
      %dma_wait3A_89 = arith.constant 0 : i32
      %dma_wait3A_90 = tpu.memref_slice %arg2[%dma_wait3A_88, %dma_wait3A_89] : memref<40000x128xf32, #tpu.memory_space<hbm>> -> memref<40000x128xf32, #tpu.memory_space<hbm>>
      tpu.wait_indirect_dma semaphore(%arg11 : memref<!tpu.dma_semaphore, #tpu.memory_space<semaphore_mem>>) src(%dma_wait3A_90 : memref<40000x128xf32, #tpu.memory_space<hbm>>) dst(%arg8 : memref<128x128xf32, #tpu.memory_space<vmem>>)
      %mul3A_91 = arith.constant 128 : i32
      %mul3A_92 = arith.muli %add3A_84, %mul3A_91 : i32
      %add3A_93 = arith.addi %mul3A_2, %mul3A_92 : i32
      %dma_start3A_94 = arith.constant 0 : i32
      %dma_start3A_95 = tpu.memref_slice %arg4[%add3A_93, %dma_start3A_94] : memref<122880x128xf32, #tpu.memory_space<hbm>> -> memref<128x128xf32, #tpu.memory_space<hbm>>
      %dma_start3A_96 = arith.constant 0 : i32
      %dma_start3A_97 = tpu.memref_slice %arg4[%add3A_93, %dma_start3A_96] : memref<122880x128xf32, #tpu.memory_space<hbm>> -> memref<128x128xf32, #tpu.memory_space<hbm>>
      tpu.enqueue_dma source(%arg8 : memref<128x128xf32, #tpu.memory_space<vmem>>) target(%dma_start3A_97 : memref<128x128xf32, #tpu.memory_space<hbm>>) target_semaphore(%arg14 : memref<!tpu.dma_semaphore, #tpu.memory_space<semaphore_mem>>)
      %add3A_98 = arith.constant 3 : i32
      %add3A_99 = arith.addi %add3A_84, %add3A_98 : i32
      %lt3A_100 = arith.constant 30 : i32
      %lt3A_101 = arith.cmpi slt, %add3A_99, %lt3A_100 : i32
      %convert_element_type3A_102 = arith.extui %lt3A_101 : i1 to i32
      %cond3A_103 = arith.constant 0 : i32
      %cond3A_104 = arith.cmpi ne, %convert_element_type3A_102, %cond3A_103 : i32
      scf.if %cond3A_104 {
        %dma_wait3A_105 = arith.constant 0 : i32
        %dma_wait3A_106 = tpu.memref_slice %arg4[%mul3A_2, %dma_wait3A_105] : memref<122880x128xf32, #tpu.memory_space<hbm>> -> memref<128x128xf32, #tpu.memory_space<hbm>>
        %dma_wait3A_107 = arith.constant 0 : i32
        %dma_wait3A_108 = tpu.memref_slice %arg4[%mul3A_2, %dma_wait3A_107] : memref<122880x128xf32, #tpu.memory_space<hbm>> -> memref<128x128xf32, #tpu.memory_space<hbm>>
        tpu.wait_dma2 semaphore(%arg14 : memref<!tpu.dma_semaphore, #tpu.memory_space<semaphore_mem>>) src(%arg8 : memref<128x128xf32, #tpu.memory_space<vmem>>) dst(%dma_wait3A_108 : memref<128x128xf32, #tpu.memory_space<hbm>>)
        %add3A_109 = arith.constant 3 : i32
        %add3A_110 = arith.addi %add3A_84, %add3A_109 : i32
        %dma_start3A_111 = arith.constant 0 : i32
        %dma_start3A_112 = tpu.memref_slice %arg5[%add3A_110, %dma_start3A_111] : memref<30x128xi32, #tpu.memory_space<vmem>> -> memref<1x128xi32, #tpu.memory_space<vmem>>
        %dma_start3A_113 = tpu.memref_squeeze %dma_start3A_112 : memref<1x128xi32, #tpu.memory_space<vmem>> -> memref<128xi32, #tpu.memory_space<vmem>>
        %dma_start3A_114 = arith.constant 0 : i32
        %dma_start3A_115 = arith.constant 0 : i32
        %dma_start3A_116 = tpu.memref_slice %arg2[%dma_start3A_114, %dma_start3A_115] : memref<40000x128xf32, #tpu.memory_space<hbm>> -> memref<40000x128xf32, #tpu.memory_space<hbm>>
        tpu.enqueue_indirect_dma source(%dma_start3A_116 : memref<40000x128xf32, #tpu.memory_space<hbm>>) target(%arg8 : memref<128x128xf32, #tpu.memory_space<vmem>>) offsets(%dma_start3A_113 : memref<128xi32, #tpu.memory_space<vmem>>) semaphore(%arg11 : memref<!tpu.dma_semaphore, #tpu.memory_space<semaphore_mem>>)
      } else {
      }
    }
    %scan3A_27 = arith.constant 10 : i32
    %dma_wait3A = arith.constant 0 : i32
    %dma_wait3A_28 = tpu.memref_slice %arg4[%mul3A_2, %dma_wait3A] : memref<122880x128xf32, #tpu.memory_space<hbm>> -> memref<128x128xf32, #tpu.memory_space<hbm>>
    %dma_wait3A_29 = arith.constant 0 : i32
    %dma_wait3A_30 = tpu.memref_slice %arg4[%mul3A_2, %dma_wait3A_29] : memref<122880x128xf32, #tpu.memory_space<hbm>> -> memref<128x128xf32, #tpu.memory_space<hbm>>
    tpu.wait_dma2 semaphore(%arg12 : memref<!tpu.dma_semaphore, #tpu.memory_space<semaphore_mem>>) src(%arg6 : memref<128x128xf32, #tpu.memory_space<vmem>>) dst(%dma_wait3A_30 : memref<128x128xf32, #tpu.memory_space<hbm>>)
    %dma_wait3A_31 = arith.constant 0 : i32
    %dma_wait3A_32 = tpu.memref_slice %arg4[%mul3A_2, %dma_wait3A_31] : memref<122880x128xf32, #tpu.memory_space<hbm>> -> memref<128x128xf32, #tpu.memory_space<hbm>>
    %dma_wait3A_33 = arith.constant 0 : i32
    %dma_wait3A_34 = tpu.memref_slice %arg4[%mul3A_2, %dma_wait3A_33] : memref<122880x128xf32, #tpu.memory_space<hbm>> -> memref<128x128xf32, #tpu.memory_space<hbm>>
    tpu.wait_dma2 semaphore(%arg13 : memref<!tpu.dma_semaphore, #tpu.memory_space<semaphore_mem>>) src(%arg7 : memref<128x128xf32, #tpu.memory_space<vmem>>) dst(%dma_wait3A_34 : memref<128x128xf32, #tpu.memory_space<hbm>>)
    %dma_wait3A_35 = arith.constant 0 : i32
    %dma_wait3A_36 = tpu.memref_slice %arg4[%mul3A_2, %dma_wait3A_35] : memref<122880x128xf32, #tpu.memory_space<hbm>> -> memref<128x128xf32, #tpu.memory_space<hbm>>
    %dma_wait3A_37 = arith.constant 0 : i32
    %dma_wait3A_38 = tpu.memref_slice %arg4[%mul3A_2, %dma_wait3A_37] : memref<122880x128xf32, #tpu.memory_space<hbm>> -> memref<128x128xf32, #tpu.memory_space<hbm>>
    tpu.wait_dma2 semaphore(%arg14 : memref<!tpu.dma_semaphore, #tpu.memory_space<semaphore_mem>>) src(%arg8 : memref<128x128xf32, #tpu.memory_space<vmem>>) dst(%dma_wait3A_38 : memref<128x128xf32, #tpu.memory_space<hbm>>)
    return
  }
}

#map = affine_map<(d0, d1) -> (0, 0)>
#map1 = affine_map<(d0, d1) -> (0, 0, 0)>
module attributes {stable_mosaic.version = 14 : i64} {
  func.func @k(%arg0: i32, %arg1: i32, %arg2: memref<40000x128xi32, #tpu.memory_space<hbm>>, %arg3: memref<32x30x128xi32, #tpu.memory_space<hbm>>, %arg4: memref<122880x128xi32, #tpu.memory_space<hbm>>, %arg5: memref<30x128xi32, #tpu.memory_space<vmem>>, %arg6: memref<128x128xi32, #tpu.memory_space<vmem>>, %arg7: memref<128x128xi32, #tpu.memory_space<vmem>>, %arg8: memref<128x128xi32, #tpu.memory_space<vmem>>, %arg9: memref<!tpu.dma_semaphore, #tpu.memory_space<semaphore_mem>>, %arg10: memref<!tpu.dma_semaphore, #tpu.memory_space<semaphore_mem>>, %arg11: memref<!tpu.dma_semaphore, #tpu.memory_space<semaphore_mem>>, %arg12: memref<!tpu.dma_semaphore, #tpu.memory_space<semaphore_mem>>, %arg13: memref<!tpu.dma_semaphore, #tpu.memory_space<semaphore_mem>>, %arg14: memref<!tpu.dma_semaphore, #tpu.memory_space<semaphore_mem>>) attributes {dimension_semantics = [#tpu.dimension_semantics<core_parallel>, #tpu.dimension_semantics<subcore_parallel>], iteration_bounds = array<i64: 2, 16>, scalar_prefetch = 0 : i64, scratch_operands = 10 : i64, tpu.core_type = #tpu.core_type<sc_vector_subcore>, window_params = [{transform_indices = #map}, {transform_indices = #map1}, {transform_indices = #map}]} {
    %mul3A = arith.constant 2 : i32
    %mul3A_0 = arith.muli %arg1, %mul3A : i32
    %add3A = arith.addi %mul3A_0, %arg0 : i32
    %mul3A_1 = arith.constant 3840 : i32
    %mul3A_2 = arith.muli %add3A, %mul3A_1 : i32
    "tpu.region"() ({
      %run_scoped3A = tpu.sem_alloc : memref<!tpu.dma_semaphore, #tpu.memory_space<semaphore_mem>>
      %dma_start3A_39 = arith.constant 0 : i32
      %dma_start3A_40 = arith.constant 0 : i32
      %dma_start3A_41 = tpu.memref_slice %arg3[%add3A, %dma_start3A_39, %dma_start3A_40] : memref<32x30x128xi32, #tpu.memory_space<hbm>> -> memref<1x30x128xi32, #tpu.memory_space<hbm>>
      %dma_start3A_42 = tpu.memref_squeeze %dma_start3A_41 : memref<1x30x128xi32, #tpu.memory_space<hbm>> -> memref<30x128xi32, #tpu.memory_space<hbm>>
      %dma_start3A_43 = arith.constant 0 : i32
      %dma_start3A_44 = arith.constant 0 : i32
      %dma_start3A_45 = tpu.memref_slice %arg3[%add3A, %dma_start3A_43, %dma_start3A_44] : memref<32x30x128xi32, #tpu.memory_space<hbm>> -> memref<1x30x128xi32, #tpu.memory_space<hbm>>
      %dma_start3A_46 = tpu.memref_squeeze %dma_start3A_45 : memref<1x30x128xi32, #tpu.memory_space<hbm>> -> memref<30x128xi32, #tpu.memory_space<hbm>>
      tpu.enqueue_dma source(%dma_start3A_46 : memref<30x128xi32, #tpu.memory_space<hbm>>) target(%arg5 : memref<30x128xi32, #tpu.memory_space<vmem>>) target_semaphore(%run_scoped3A : memref<!tpu.dma_semaphore, #tpu.memory_space<semaphore_mem>>)
      %dma_wait3A_47 = arith.constant 0 : i32
      %dma_wait3A_48 = arith.constant 0 : i32
      %dma_wait3A_49 = tpu.memref_slice %arg3[%add3A, %dma_wait3A_47, %dma_wait3A_48] : memref<32x30x128xi32, #tpu.memory_space<hbm>> -> memref<1x30x128xi32, #tpu.memory_space<hbm>>
      %dma_wait3A_50 = tpu.memref_squeeze %dma_wait3A_49 : memref<1x30x128xi32, #tpu.memory_space<hbm>> -> memref<30x128xi32, #tpu.memory_space<hbm>>
      %dma_wait3A_51 = arith.constant 0 : i32
      %dma_wait3A_52 = arith.constant 0 : i32
      %dma_wait3A_53 = tpu.memref_slice %arg3[%add3A, %dma_wait3A_51, %dma_wait3A_52] : memref<32x30x128xi32, #tpu.memory_space<hbm>> -> memref<1x30x128xi32, #tpu.memory_space<hbm>>
      %dma_wait3A_54 = tpu.memref_squeeze %dma_wait3A_53 : memref<1x30x128xi32, #tpu.memory_space<hbm>> -> memref<30x128xi32, #tpu.memory_space<hbm>>
      tpu.wait_dma2 semaphore(%run_scoped3A : memref<!tpu.dma_semaphore, #tpu.memory_space<semaphore_mem>>) src(%dma_wait3A_54 : memref<30x128xi32, #tpu.memory_space<hbm>>) dst(%arg5 : memref<30x128xi32, #tpu.memory_space<vmem>>)
      tpu.yield
    }) : () -> ()
    %dma_start3A = arith.constant 0 : i32
    %dma_start3A_3 = arith.constant 0 : i32
    %dma_start3A_4 = tpu.memref_slice %arg5[%dma_start3A, %dma_start3A_3] : memref<30x128xi32, #tpu.memory_space<vmem>> -> memref<1x128xi32, #tpu.memory_space<vmem>>
    %dma_start3A_5 = tpu.memref_squeeze %dma_start3A_4 : memref<1x128xi32, #tpu.memory_space<vmem>> -> memref<128xi32, #tpu.memory_space<vmem>>
    %dma_start3A_6 = arith.constant 0 : i32
    %dma_start3A_7 = arith.constant 0 : i32
    %dma_start3A_8 = tpu.memref_slice %arg2[%dma_start3A_6, %dma_start3A_7] : memref<40000x128xi32, #tpu.memory_space<hbm>> -> memref<40000x128xi32, #tpu.memory_space<hbm>>
    tpu.enqueue_indirect_dma source(%dma_start3A_8 : memref<40000x128xi32, #tpu.memory_space<hbm>>) target(%arg6 : memref<128x128xi32, #tpu.memory_space<vmem>>) offsets(%dma_start3A_5 : memref<128xi32, #tpu.memory_space<vmem>>) semaphore(%arg9 : memref<!tpu.dma_semaphore, #tpu.memory_space<semaphore_mem>>)
    %dma_start3A_9 = arith.constant 1 : i32
    %dma_start3A_10 = arith.constant 0 : i32
    %dma_start3A_11 = tpu.memref_slice %arg5[%dma_start3A_9, %dma_start3A_10] : memref<30x128xi32, #tpu.memory_space<vmem>> -> memref<1x128xi32, #tpu.memory_space<vmem>>
    %dma_start3A_12 = tpu.memref_squeeze %dma_start3A_11 : memref<1x128xi32, #tpu.memory_space<vmem>> -> memref<128xi32, #tpu.memory_space<vmem>>
    %dma_start3A_13 = arith.constant 0 : i32
    %dma_start3A_14 = arith.constant 0 : i32
    %dma_start3A_15 = tpu.memref_slice %arg2[%dma_start3A_13, %dma_start3A_14] : memref<40000x128xi32, #tpu.memory_space<hbm>> -> memref<40000x128xi32, #tpu.memory_space<hbm>>
    tpu.enqueue_indirect_dma source(%dma_start3A_15 : memref<40000x128xi32, #tpu.memory_space<hbm>>) target(%arg7 : memref<128x128xi32, #tpu.memory_space<vmem>>) offsets(%dma_start3A_12 : memref<128xi32, #tpu.memory_space<vmem>>) semaphore(%arg10 : memref<!tpu.dma_semaphore, #tpu.memory_space<semaphore_mem>>)
    %dma_start3A_16 = arith.constant 2 : i32
    %dma_start3A_17 = arith.constant 0 : i32
    %dma_start3A_18 = tpu.memref_slice %arg5[%dma_start3A_16, %dma_start3A_17] : memref<30x128xi32, #tpu.memory_space<vmem>> -> memref<1x128xi32, #tpu.memory_space<vmem>>
    %dma_start3A_19 = tpu.memref_squeeze %dma_start3A_18 : memref<1x128xi32, #tpu.memory_space<vmem>> -> memref<128xi32, #tpu.memory_space<vmem>>
    %dma_start3A_20 = arith.constant 0 : i32
    %dma_start3A_21 = arith.constant 0 : i32
    %dma_start3A_22 = tpu.memref_slice %arg2[%dma_start3A_20, %dma_start3A_21] : memref<40000x128xi32, #tpu.memory_space<hbm>> -> memref<40000x128xi32, #tpu.memory_space<hbm>>
    tpu.enqueue_indirect_dma source(%dma_start3A_22 : memref<40000x128xi32, #tpu.memory_space<hbm>>) target(%arg8 : memref<128x128xi32, #tpu.memory_space<vmem>>) offsets(%dma_start3A_19 : memref<128xi32, #tpu.memory_space<vmem>>) semaphore(%arg11 : memref<!tpu.dma_semaphore, #tpu.memory_space<semaphore_mem>>)
    %scan3A = arith.constant 0 : i32
    %scan3A_23 = arith.constant 0 : i32
    %scan3A_24 = arith.constant 10 : i32
    %scan3A_25 = arith.addi %scan3A_23, %scan3A_24 : i32
    %scan3A_26 = arith.constant 1 : i32
    scf.for %scan3A_39 = %scan3A_23 to %scan3A_25 step %scan3A_26  : i32 {
      %mul3A_40 = arith.constant 3 : i32
      %mul3A_41 = arith.muli %scan3A_39, %mul3A_40 : i32
      %add3A_42 = arith.constant 0 : i32
      %add3A_43 = arith.addi %mul3A_41, %add3A_42 : i32
      %dma_wait3A_44 = arith.constant 0 : i32
      %dma_wait3A_45 = tpu.memref_slice %arg5[%add3A_43, %dma_wait3A_44] : memref<30x128xi32, #tpu.memory_space<vmem>> -> memref<1x128xi32, #tpu.memory_space<vmem>>
      %dma_wait3A_46 = tpu.memref_squeeze %dma_wait3A_45 : memref<1x128xi32, #tpu.memory_space<vmem>> -> memref<128xi32, #tpu.memory_space<vmem>>
      %dma_wait3A_47 = arith.constant 0 : i32
      %dma_wait3A_48 = arith.constant 0 : i32
      %dma_wait3A_49 = tpu.memref_slice %arg2[%dma_wait3A_47, %dma_wait3A_48] : memref<40000x128xi32, #tpu.memory_space<hbm>> -> memref<40000x128xi32, #tpu.memory_space<hbm>>
      tpu.wait_indirect_dma semaphore(%arg9 : memref<!tpu.dma_semaphore, #tpu.memory_space<semaphore_mem>>) src(%dma_wait3A_49 : memref<40000x128xi32, #tpu.memory_space<hbm>>) dst(%arg6 : memref<128x128xi32, #tpu.memory_space<vmem>>)
      %mul3A_50 = arith.constant 128 : i32
      %mul3A_51 = arith.muli %add3A_43, %mul3A_50 : i32
      %add3A_52 = arith.addi %mul3A_2, %mul3A_51 : i32
      %dma_start3A_53 = arith.constant 0 : i32
      %dma_start3A_54 = tpu.memref_slice %arg4[%add3A_52, %dma_start3A_53] : memref<122880x128xi32, #tpu.memory_space<hbm>> -> memref<128x128xi32, #tpu.memory_space<hbm>>
      %dma_start3A_55 = arith.constant 0 : i32
      %dma_start3A_56 = tpu.memref_slice %arg4[%add3A_52, %dma_start3A_55] : memref<122880x128xi32, #tpu.memory_space<hbm>> -> memref<128x128xi32, #tpu.memory_space<hbm>>
      tpu.enqueue_dma source(%arg6 : memref<128x128xi32, #tpu.memory_space<vmem>>) target(%dma_start3A_56 : memref<128x128xi32, #tpu.memory_space<hbm>>) target_semaphore(%arg12 : memref<!tpu.dma_semaphore, #tpu.memory_space<semaphore_mem>>)
      %add3A_57 = arith.constant 3 : i32
      %add3A_58 = arith.addi %add3A_43, %add3A_57 : i32
      %lt3A = arith.constant 30 : i32
      %lt3A_59 = arith.cmpi slt, %add3A_58, %lt3A : i32
      %convert_element_type3A = arith.extui %lt3A_59 : i1 to i32
      %cond3A = arith.constant 0 : i32
      %cond3A_60 = arith.cmpi ne, %convert_element_type3A, %cond3A : i32
      scf.if %cond3A_60 {
        %dma_wait3A_105 = arith.constant 0 : i32
        %dma_wait3A_106 = tpu.memref_slice %arg4[%mul3A_2, %dma_wait3A_105] : memref<122880x128xi32, #tpu.memory_space<hbm>> -> memref<128x128xi32, #tpu.memory_space<hbm>>
        %dma_wait3A_107 = arith.constant 0 : i32
        %dma_wait3A_108 = tpu.memref_slice %arg4[%mul3A_2, %dma_wait3A_107] : memref<122880x128xi32, #tpu.memory_space<hbm>> -> memref<128x128xi32, #tpu.memory_space<hbm>>
        tpu.wait_dma2 semaphore(%arg12 : memref<!tpu.dma_semaphore, #tpu.memory_space<semaphore_mem>>) src(%arg6 : memref<128x128xi32, #tpu.memory_space<vmem>>) dst(%dma_wait3A_108 : memref<128x128xi32, #tpu.memory_space<hbm>>)
        %add3A_109 = arith.constant 3 : i32
        %add3A_110 = arith.addi %add3A_43, %add3A_109 : i32
        %dma_start3A_111 = arith.constant 0 : i32
        %dma_start3A_112 = tpu.memref_slice %arg5[%add3A_110, %dma_start3A_111] : memref<30x128xi32, #tpu.memory_space<vmem>> -> memref<1x128xi32, #tpu.memory_space<vmem>>
        %dma_start3A_113 = tpu.memref_squeeze %dma_start3A_112 : memref<1x128xi32, #tpu.memory_space<vmem>> -> memref<128xi32, #tpu.memory_space<vmem>>
        %dma_start3A_114 = arith.constant 0 : i32
        %dma_start3A_115 = arith.constant 0 : i32
        %dma_start3A_116 = tpu.memref_slice %arg2[%dma_start3A_114, %dma_start3A_115] : memref<40000x128xi32, #tpu.memory_space<hbm>> -> memref<40000x128xi32, #tpu.memory_space<hbm>>
        tpu.enqueue_indirect_dma source(%dma_start3A_116 : memref<40000x128xi32, #tpu.memory_space<hbm>>) target(%arg6 : memref<128x128xi32, #tpu.memory_space<vmem>>) offsets(%dma_start3A_113 : memref<128xi32, #tpu.memory_space<vmem>>) semaphore(%arg9 : memref<!tpu.dma_semaphore, #tpu.memory_space<semaphore_mem>>)
      } else {
      }
      %add3A_61 = arith.constant 1 : i32
      %add3A_62 = arith.addi %mul3A_41, %add3A_61 : i32
      %dma_wait3A_63 = arith.constant 0 : i32
      %dma_wait3A_64 = tpu.memref_slice %arg5[%add3A_62, %dma_wait3A_63] : memref<30x128xi32, #tpu.memory_space<vmem>> -> memref<1x128xi32, #tpu.memory_space<vmem>>
      %dma_wait3A_65 = tpu.memref_squeeze %dma_wait3A_64 : memref<1x128xi32, #tpu.memory_space<vmem>> -> memref<128xi32, #tpu.memory_space<vmem>>
      %dma_wait3A_66 = arith.constant 0 : i32
      %dma_wait3A_67 = arith.constant 0 : i32
      %dma_wait3A_68 = tpu.memref_slice %arg2[%dma_wait3A_66, %dma_wait3A_67] : memref<40000x128xi32, #tpu.memory_space<hbm>> -> memref<40000x128xi32, #tpu.memory_space<hbm>>
      tpu.wait_indirect_dma semaphore(%arg10 : memref<!tpu.dma_semaphore, #tpu.memory_space<semaphore_mem>>) src(%dma_wait3A_68 : memref<40000x128xi32, #tpu.memory_space<hbm>>) dst(%arg7 : memref<128x128xi32, #tpu.memory_space<vmem>>)
      %mul3A_69 = arith.constant 128 : i32
      %mul3A_70 = arith.muli %add3A_62, %mul3A_69 : i32
      %add3A_71 = arith.addi %mul3A_2, %mul3A_70 : i32
      %dma_start3A_72 = arith.constant 0 : i32
      %dma_start3A_73 = tpu.memref_slice %arg4[%add3A_71, %dma_start3A_72] : memref<122880x128xi32, #tpu.memory_space<hbm>> -> memref<128x128xi32, #tpu.memory_space<hbm>>
      %dma_start3A_74 = arith.constant 0 : i32
      %dma_start3A_75 = tpu.memref_slice %arg4[%add3A_71, %dma_start3A_74] : memref<122880x128xi32, #tpu.memory_space<hbm>> -> memref<128x128xi32, #tpu.memory_space<hbm>>
      tpu.enqueue_dma source(%arg7 : memref<128x128xi32, #tpu.memory_space<vmem>>) target(%dma_start3A_75 : memref<128x128xi32, #tpu.memory_space<hbm>>) target_semaphore(%arg13 : memref<!tpu.dma_semaphore, #tpu.memory_space<semaphore_mem>>)
      %add3A_76 = arith.constant 3 : i32
      %add3A_77 = arith.addi %add3A_62, %add3A_76 : i32
      %lt3A_78 = arith.constant 30 : i32
      %lt3A_79 = arith.cmpi slt, %add3A_77, %lt3A_78 : i32
      %convert_element_type3A_80 = arith.extui %lt3A_79 : i1 to i32
      %cond3A_81 = arith.constant 0 : i32
      %cond3A_82 = arith.cmpi ne, %convert_element_type3A_80, %cond3A_81 : i32
      scf.if %cond3A_82 {
        %dma_wait3A_105 = arith.constant 0 : i32
        %dma_wait3A_106 = tpu.memref_slice %arg4[%mul3A_2, %dma_wait3A_105] : memref<122880x128xi32, #tpu.memory_space<hbm>> -> memref<128x128xi32, #tpu.memory_space<hbm>>
        %dma_wait3A_107 = arith.constant 0 : i32
        %dma_wait3A_108 = tpu.memref_slice %arg4[%mul3A_2, %dma_wait3A_107] : memref<122880x128xi32, #tpu.memory_space<hbm>> -> memref<128x128xi32, #tpu.memory_space<hbm>>
        tpu.wait_dma2 semaphore(%arg13 : memref<!tpu.dma_semaphore, #tpu.memory_space<semaphore_mem>>) src(%arg7 : memref<128x128xi32, #tpu.memory_space<vmem>>) dst(%dma_wait3A_108 : memref<128x128xi32, #tpu.memory_space<hbm>>)
        %add3A_109 = arith.constant 3 : i32
        %add3A_110 = arith.addi %add3A_62, %add3A_109 : i32
        %dma_start3A_111 = arith.constant 0 : i32
        %dma_start3A_112 = tpu.memref_slice %arg5[%add3A_110, %dma_start3A_111] : memref<30x128xi32, #tpu.memory_space<vmem>> -> memref<1x128xi32, #tpu.memory_space<vmem>>
        %dma_start3A_113 = tpu.memref_squeeze %dma_start3A_112 : memref<1x128xi32, #tpu.memory_space<vmem>> -> memref<128xi32, #tpu.memory_space<vmem>>
        %dma_start3A_114 = arith.constant 0 : i32
        %dma_start3A_115 = arith.constant 0 : i32
        %dma_start3A_116 = tpu.memref_slice %arg2[%dma_start3A_114, %dma_start3A_115] : memref<40000x128xi32, #tpu.memory_space<hbm>> -> memref<40000x128xi32, #tpu.memory_space<hbm>>
        tpu.enqueue_indirect_dma source(%dma_start3A_116 : memref<40000x128xi32, #tpu.memory_space<hbm>>) target(%arg7 : memref<128x128xi32, #tpu.memory_space<vmem>>) offsets(%dma_start3A_113 : memref<128xi32, #tpu.memory_space<vmem>>) semaphore(%arg10 : memref<!tpu.dma_semaphore, #tpu.memory_space<semaphore_mem>>)
      } else {
      }
      %add3A_83 = arith.constant 2 : i32
      %add3A_84 = arith.addi %mul3A_41, %add3A_83 : i32
      %dma_wait3A_85 = arith.constant 0 : i32
      %dma_wait3A_86 = tpu.memref_slice %arg5[%add3A_84, %dma_wait3A_85] : memref<30x128xi32, #tpu.memory_space<vmem>> -> memref<1x128xi32, #tpu.memory_space<vmem>>
      %dma_wait3A_87 = tpu.memref_squeeze %dma_wait3A_86 : memref<1x128xi32, #tpu.memory_space<vmem>> -> memref<128xi32, #tpu.memory_space<vmem>>
      %dma_wait3A_88 = arith.constant 0 : i32
      %dma_wait3A_89 = arith.constant 0 : i32
      %dma_wait3A_90 = tpu.memref_slice %arg2[%dma_wait3A_88, %dma_wait3A_89] : memref<40000x128xi32, #tpu.memory_space<hbm>> -> memref<40000x128xi32, #tpu.memory_space<hbm>>
      tpu.wait_indirect_dma semaphore(%arg11 : memref<!tpu.dma_semaphore, #tpu.memory_space<semaphore_mem>>) src(%dma_wait3A_90 : memref<40000x128xi32, #tpu.memory_space<hbm>>) dst(%arg8 : memref<128x128xi32, #tpu.memory_space<vmem>>)
      %mul3A_91 = arith.constant 128 : i32
      %mul3A_92 = arith.muli %add3A_84, %mul3A_91 : i32
      %add3A_93 = arith.addi %mul3A_2, %mul3A_92 : i32
      %dma_start3A_94 = arith.constant 0 : i32
      %dma_start3A_95 = tpu.memref_slice %arg4[%add3A_93, %dma_start3A_94] : memref<122880x128xi32, #tpu.memory_space<hbm>> -> memref<128x128xi32, #tpu.memory_space<hbm>>
      %dma_start3A_96 = arith.constant 0 : i32
      %dma_start3A_97 = tpu.memref_slice %arg4[%add3A_93, %dma_start3A_96] : memref<122880x128xi32, #tpu.memory_space<hbm>> -> memref<128x128xi32, #tpu.memory_space<hbm>>
      tpu.enqueue_dma source(%arg8 : memref<128x128xi32, #tpu.memory_space<vmem>>) target(%dma_start3A_97 : memref<128x128xi32, #tpu.memory_space<hbm>>) target_semaphore(%arg14 : memref<!tpu.dma_semaphore, #tpu.memory_space<semaphore_mem>>)
      %add3A_98 = arith.constant 3 : i32
      %add3A_99 = arith.addi %add3A_84, %add3A_98 : i32
      %lt3A_100 = arith.constant 30 : i32
      %lt3A_101 = arith.cmpi slt, %add3A_99, %lt3A_100 : i32
      %convert_element_type3A_102 = arith.extui %lt3A_101 : i1 to i32
      %cond3A_103 = arith.constant 0 : i32
      %cond3A_104 = arith.cmpi ne, %convert_element_type3A_102, %cond3A_103 : i32
      scf.if %cond3A_104 {
        %dma_wait3A_105 = arith.constant 0 : i32
        %dma_wait3A_106 = tpu.memref_slice %arg4[%mul3A_2, %dma_wait3A_105] : memref<122880x128xi32, #tpu.memory_space<hbm>> -> memref<128x128xi32, #tpu.memory_space<hbm>>
        %dma_wait3A_107 = arith.constant 0 : i32
        %dma_wait3A_108 = tpu.memref_slice %arg4[%mul3A_2, %dma_wait3A_107] : memref<122880x128xi32, #tpu.memory_space<hbm>> -> memref<128x128xi32, #tpu.memory_space<hbm>>
        tpu.wait_dma2 semaphore(%arg14 : memref<!tpu.dma_semaphore, #tpu.memory_space<semaphore_mem>>) src(%arg8 : memref<128x128xi32, #tpu.memory_space<vmem>>) dst(%dma_wait3A_108 : memref<128x128xi32, #tpu.memory_space<hbm>>)
        %add3A_109 = arith.constant 3 : i32
        %add3A_110 = arith.addi %add3A_84, %add3A_109 : i32
        %dma_start3A_111 = arith.constant 0 : i32
        %dma_start3A_112 = tpu.memref_slice %arg5[%add3A_110, %dma_start3A_111] : memref<30x128xi32, #tpu.memory_space<vmem>> -> memref<1x128xi32, #tpu.memory_space<vmem>>
        %dma_start3A_113 = tpu.memref_squeeze %dma_start3A_112 : memref<1x128xi32, #tpu.memory_space<vmem>> -> memref<128xi32, #tpu.memory_space<vmem>>
        %dma_start3A_114 = arith.constant 0 : i32
        %dma_start3A_115 = arith.constant 0 : i32
        %dma_start3A_116 = tpu.memref_slice %arg2[%dma_start3A_114, %dma_start3A_115] : memref<40000x128xi32, #tpu.memory_space<hbm>> -> memref<40000x128xi32, #tpu.memory_space<hbm>>
        tpu.enqueue_indirect_dma source(%dma_start3A_116 : memref<40000x128xi32, #tpu.memory_space<hbm>>) target(%arg8 : memref<128x128xi32, #tpu.memory_space<vmem>>) offsets(%dma_start3A_113 : memref<128xi32, #tpu.memory_space<vmem>>) semaphore(%arg11 : memref<!tpu.dma_semaphore, #tpu.memory_space<semaphore_mem>>)
      } else {
      }
    }
    %scan3A_27 = arith.constant 10 : i32
    %dma_wait3A = arith.constant 0 : i32
    %dma_wait3A_28 = tpu.memref_slice %arg4[%mul3A_2, %dma_wait3A] : memref<122880x128xi32, #tpu.memory_space<hbm>> -> memref<128x128xi32, #tpu.memory_space<hbm>>
    %dma_wait3A_29 = arith.constant 0 : i32
    %dma_wait3A_30 = tpu.memref_slice %arg4[%mul3A_2, %dma_wait3A_29] : memref<122880x128xi32, #tpu.memory_space<hbm>> -> memref<128x128xi32, #tpu.memory_space<hbm>>
    tpu.wait_dma2 semaphore(%arg12 : memref<!tpu.dma_semaphore, #tpu.memory_space<semaphore_mem>>) src(%arg6 : memref<128x128xi32, #tpu.memory_space<vmem>>) dst(%dma_wait3A_30 : memref<128x128xi32, #tpu.memory_space<hbm>>)
    %dma_wait3A_31 = arith.constant 0 : i32
    %dma_wait3A_32 = tpu.memref_slice %arg4[%mul3A_2, %dma_wait3A_31] : memref<122880x128xi32, #tpu.memory_space<hbm>> -> memref<128x128xi32, #tpu.memory_space<hbm>>
    %dma_wait3A_33 = arith.constant 0 : i32
    %dma_wait3A_34 = tpu.memref_slice %arg4[%mul3A_2, %dma_wait3A_33] : memref<122880x128xi32, #tpu.memory_space<hbm>> -> memref<128x128xi32, #tpu.memory_space<hbm>>
    tpu.wait_dma2 semaphore(%arg13 : memref<!tpu.dma_semaphore, #tpu.memory_space<semaphore_mem>>) src(%arg7 : memref<128x128xi32, #tpu.memory_space<vmem>>) dst(%dma_wait3A_34 : memref<128x128xi32, #tpu.memory_space<hbm>>)
    %dma_wait3A_35 = arith.constant 0 : i32
    %dma_wait3A_36 = tpu.memref_slice %arg4[%mul3A_2, %dma_wait3A_35] : memref<122880x128xi32, #tpu.memory_space<hbm>> -> memref<128x128xi32, #tpu.memory_space<hbm>>
    %dma_wait3A_37 = arith.constant 0 : i32
    %dma_wait3A_38 = tpu.memref_slice %arg4[%mul3A_2, %dma_wait3A_37] : memref<122880x128xi32, #tpu.memory_space<hbm>> -> memref<128x128xi32, #tpu.memory_space<hbm>>
    tpu.wait_dma2 semaphore(%arg14 : memref<!tpu.dma_semaphore, #tpu.memory_space<semaphore_mem>>) src(%arg8 : memref<128x128xi32, #tpu.memory_space<vmem>>) dst(%dma_wait3A_38 : memref<128x128xi32, #tpu.memory_space<hbm>>)
    return
  }
}

module attributes {stable_mosaic.version = 14 : i64} {
  func.func @_mm_stats_body(%arg0: i32, %arg1: memref<2000x16xf32, #tpu.memory_space<vmem>>, %arg2: memref<16x256xf32, #tpu.memory_space<vmem>>, %arg3: memref<2000x256xf32, #tpu.memory_space<vmem>>, %arg4: memref<2x256xf32, #tpu.memory_space<vmem>>) attributes {dimension_semantics = [#tpu.dimension_semantics<arbitrary>], iteration_bounds = array<i64: 20>, scalar_prefetch = 0 : i64, scratch_operands = 0 : i64, tpu.core_type = #tpu.core_type<tc>, window_params = [{transform_indices = @transform_0, window_bounds = array<i64: 2000, 16>}, {pipeline_mode = #tpu.pipeline_mode<synchronous>, transform_indices = @transform_1, window_bounds = array<i64: 16, 256>}, {transform_indices = @transform_2, window_bounds = array<i64: 2000, 256>}, {pipeline_mode = #tpu.pipeline_mode<synchronous>, transform_indices = @transform_3, window_bounds = array<i64: 2, 256>}]} {
    %get3A = arith.constant 0 : index
    %get3A_0 = arith.constant 0 : index
    %get3A_1 = vector.load %arg1[%get3A, %get3A_0] : memref<2000x16xf32, #tpu.memory_space<vmem>>, vector<2000x16xf32>
    %get3A_2 = arith.constant 0 : index
    %get3A_3 = arith.constant 0 : index
    %get3A_4 = vector.load %arg2[%get3A_2, %get3A_3] : memref<16x256xf32, #tpu.memory_space<vmem>>, vector<16x256xf32>
    %dot_general3A = arith.constant dense<0.000000e+00> : vector<2000x256xf32>
    %dot_general3A_5 = tpu.matmul %get3A_1, %get3A_4, %dot_general3A {dimension_numbers = #tpu.dot_dimension_numbers<[1], [0], [0], [1], [0, 0, 1, 1], [], []>, transpose_lhs_hint = false} : vector<2000x16xf32>, vector<16x256xf32>, vector<2000x256xf32> -> vector<2000x256xf32>
    %swap3A = arith.constant 0 : index
    %swap3A_6 = arith.constant 0 : index
    %swap3A_7 = vector.load %arg3[%swap3A, %swap3A_6] : memref<2000x256xf32, #tpu.memory_space<vmem>>, vector<2000x256xf32>
    tpu.vector_store %arg3[%swap3A, %swap3A_6], %dot_general3A_5 {strides = array<i32>} : memref<2000x256xf32, #tpu.memory_space<vmem>>, vector<2000x256xf32>,
    %eq3A = arith.constant 0 : i32
    %eq3A_8 = arith.cmpi eq, %arg0, %eq3A : i32
    %convert_element_type3A = arith.extui %eq3A_8 : i1 to i32
    %cond3A = arith.constant 0 : i32
    %cond3A_9 = arith.cmpi ne, %convert_element_type3A, %cond3A : i32
    scf.if %cond3A_9 {
      %broadcast_in_dim3A = arith.constant 0.000000e+00 : f32
      %broadcast_in_dim3A_21 = vector.broadcast %broadcast_in_dim3A : f32 to vector<2x256xf32>
      %swap3A_22 = arith.constant 0 : index
      %swap3A_23 = arith.constant 0 : index
      %swap3A_24 = vector.load %arg4[%swap3A_22, %swap3A_23] : memref<2x256xf32, #tpu.memory_space<vmem>>, vector<2x256xf32>
      tpu.vector_store %arg4[%swap3A_22, %swap3A_23], %broadcast_in_dim3A_21 {strides = array<i32>} : memref<2x256xf32, #tpu.memory_space<vmem>>, vector<2x256xf32>,
    } else {
    }
    %get3A_10 = arith.constant 0 : index
    %get3A_11 = arith.constant 0 : index
    %get3A_12 = vector.load %arg4[%get3A_10, %get3A_11] : memref<2x256xf32, #tpu.memory_space<vmem>>, vector<2x256xf32>
    %reduce_sum3A = arith.constant dense<0.000000e+00> : vector<256xf32>
    %reduce_sum3A_13 = vector.multi_reduction <add>, %dot_general3A_5, %reduce_sum3A [0] : vector<2000x256xf32> to vector<256xf32>
    %mul3A = arith.mulf %dot_general3A_5, %dot_general3A_5 : vector<2000x256xf32>
    %reduce_sum3A_14 = arith.constant dense<0.000000e+00> : vector<256xf32>
    %reduce_sum3A_15 = vector.multi_reduction <add>, %mul3A, %reduce_sum3A_14 [0] : vector<2000x256xf32> to vector<256xf32>
    %stack3A = vector.shape_cast %reduce_sum3A_13 : vector<256xf32> to vector<1x256xf32>
    %stack3A_16 = vector.shape_cast %reduce_sum3A_15 : vector<256xf32> to vector<1x256xf32>
    %stack3A_17 = tpu.concatenate %stack3A, %stack3A_16 in 0 : vector<1x256xf32>, vector<1x256xf32> -> vector<2x256xf32>
    %add3A = arith.addf %get3A_12, %stack3A_17 : vector<2x256xf32>
    %swap3A_18 = arith.constant 0 : index
    %swap3A_19 = arith.constant 0 : index
    %swap3A_20 = vector.load %arg4[%swap3A_18, %swap3A_19] : memref<2x256xf32, #tpu.memory_space<vmem>>, vector<2x256xf32>
    tpu.vector_store %arg4[%swap3A_18, %swap3A_19], %add3A {strides = array<i32>} : memref<2x256xf32, #tpu.memory_space<vmem>>, vector<2x256xf32>,
    return
  }
  func.func @transform_0(%arg0: i32) -> (i32, i32) {
    %c0_i32 = arith.constant 0 : i32
    %c0_i32_0 = arith.constant 0 : i32
    return %arg0, %c0_i32 : i32, i32
  }
  func.func @transform_1(%arg0: i32) -> (i32, i32) {
    %c0_i32 = arith.constant 0 : i32
    %c0_i32_0 = arith.constant 0 : i32
    %c0_i32_1 = arith.constant 0 : i32
    return %c0_i32, %c0_i32_0 : i32, i32
  }
  func.func @transform_2(%arg0: i32) -> (i32, i32) {
    %c0_i32 = arith.constant 0 : i32
    %c0_i32_0 = arith.constant 0 : i32
    return %arg0, %c0_i32 : i32, i32
  }
  func.func @transform_3(%arg0: i32) -> (i32, i32) {
    %c0_i32 = arith.constant 0 : i32
    %c0_i32_0 = arith.constant 0 : i32
    %c0_i32_1 = arith.constant 0 : i32
    return %c0_i32, %c0_i32_0 : i32, i32
  }
}

module attributes {stable_mosaic.version = 14 : i64} {
  func.func @_norm_mm_body(%arg0: i32, %arg1: memref<2000x256xf32, #tpu.memory_space<vmem>>, %arg2: memref<2x256xf32, #tpu.memory_space<vmem>>, %arg3: memref<256x128xf32, #tpu.memory_space<vmem>>, %arg4: memref<2000x128xf32, #tpu.memory_space<vmem>>, %arg5: memref<2x128xf32, #tpu.memory_space<vmem>>) attributes {dimension_semantics = [#tpu.dimension_semantics<arbitrary>], iteration_bounds = array<i64: 20>, scalar_prefetch = 0 : i64, scratch_operands = 0 : i64, tpu.core_type = #tpu.core_type<tc>, window_params = [{transform_indices = @transform_0, window_bounds = array<i64: 2000, 256>}, {pipeline_mode = #tpu.pipeline_mode<synchronous>, transform_indices = @transform_1, window_bounds = array<i64: 2, 256>}, {pipeline_mode = #tpu.pipeline_mode<synchronous>, transform_indices = @transform_2, window_bounds = array<i64: 256, 128>}, {transform_indices = @transform_3, window_bounds = array<i64: 2000, 128>}, {pipeline_mode = #tpu.pipeline_mode<synchronous>, transform_indices = @transform_4, window_bounds = array<i64: 2, 128>}]} {
    %get3A = arith.constant 0 : index
    %get3A_0 = arith.constant 0 : index
    %get3A_1 = vector.load %arg2[%get3A, %get3A_0] : memref<2x256xf32, #tpu.memory_space<vmem>>, vector<2x256xf32>
    %slice3A = vector.extract_strided_slice %get3A_1 {offsets = [0, 0], sizes = [1, 256], strides = [1, 1]} : vector<2x256xf32> to vector<1x256xf32>
    %squeeze3A = vector.shape_cast %slice3A : vector<1x256xf32> to vector<256xf32>
    %mul3A = arith.constant 2.500000e-05 : f32
    %mul3A_2 = vector.broadcast %mul3A : f32 to vector<256xf32>
    %mul3A_3 = arith.mulf %squeeze3A, %mul3A_2 : vector<256xf32>
    %slice3A_4 = vector.extract_strided_slice %get3A_1 {offsets = [1, 0], sizes = [1, 256], strides = [1, 1]} : vector<2x256xf32> to vector<1x256xf32>
    %squeeze3A_5 = vector.shape_cast %slice3A_4 : vector<1x256xf32> to vector<256xf32>
    %mul3A_6 = arith.constant 2.500000e-05 : f32
    %mul3A_7 = vector.broadcast %mul3A_6 : f32 to vector<256xf32>
    %mul3A_8 = arith.mulf %squeeze3A_5, %mul3A_7 : vector<256xf32>
    %mul3A_9 = arith.mulf %mul3A_3, %mul3A_3 : vector<256xf32>
    %sub3A = arith.subf %mul3A_8, %mul3A_9 : vector<256xf32>
    %add3A = arith.constant 9.99999974E-6 : f32
    %add3A_10 = vector.broadcast %add3A : f32 to vector<256xf32>
    %add3A_11 = arith.addf %sub3A, %add3A_10 : vector<256xf32>
    %rsqrt3A = math.rsqrt %add3A_11 : vector<256xf32>
    %get3A_12 = arith.constant 0 : index
    %get3A_13 = arith.constant 0 : index
    %get3A_14 = vector.load %arg1[%get3A_12, %get3A_13] : memref<2000x256xf32, #tpu.memory_space<vmem>>, vector<2000x256xf32>
    %broadcast_in_dim3A = vector.shape_cast %mul3A_3 : vector<256xf32> to vector<1x256xf32>
    %sub3A_15 = vector.broadcast %broadcast_in_dim3A : vector<1x256xf32> to vector<2000x256xf32>
    %sub3A_16 = arith.subf %get3A_14, %sub3A_15 : vector<2000x256xf32>
    %broadcast_in_dim3A_17 = vector.shape_cast %rsqrt3A : vector<256xf32> to vector<1x256xf32>
    %mul3A_18 = vector.broadcast %broadcast_in_dim3A_17 : vector<1x256xf32> to vector<2000x256xf32>
    %mul3A_19 = arith.mulf %sub3A_16, %mul3A_18 : vector<2000x256xf32>
    %max3A = arith.constant 0.000000e+00 : f32
    %max3A_20 = vector.broadcast %max3A : f32 to vector<2000x256xf32>
    %max3A_21 = arith.maximumf %mul3A_19, %max3A_20 : vector<2000x256xf32>
    %get3A_22 = arith.constant 0 : index
    %get3A_23 = arith.constant 0 : index
    %get3A_24 = vector.load %arg3[%get3A_22, %get3A_23] : memref<256x128xf32, #tpu.memory_space<vmem>>, vector<256x128xf32>
    %dot_general3A = arith.constant dense<0.000000e+00> : vector<2000x128xf32>
    %dot_general3A_25 = tpu.matmul %max3A_21, %get3A_24, %dot_general3A {dimension_numbers = #tpu.dot_dimension_numbers<[1], [0], [0], [1], [0, 0, 1, 1], [], []>, transpose_lhs_hint = false} : vector<2000x256xf32>, vector<256x128xf32>, vector<2000x128xf32> -> vector<2000x128xf32>
    %swap3A = arith.constant 0 : index
    %swap3A_26 = arith.constant 0 : index
    %swap3A_27 = vector.load %arg4[%swap3A, %swap3A_26] : memref<2000x128xf32, #tpu.memory_space<vmem>>, vector<2000x128xf32>
    tpu.vector_store %arg4[%swap3A, %swap3A_26], %dot_general3A_25 {strides = array<i32>} : memref<2000x128xf32, #tpu.memory_space<vmem>>, vector<2000x128xf32>,
    %eq3A = arith.constant 0 : i32
    %eq3A_28 = arith.cmpi eq, %arg0, %eq3A : i32
    %convert_element_type3A = arith.extui %eq3A_28 : i1 to i32
    %cond3A = arith.constant 0 : i32
    %cond3A_29 = arith.cmpi ne, %convert_element_type3A, %cond3A : i32
    scf.if %cond3A_29 {
      %broadcast_in_dim3A_43 = arith.constant 0.000000e+00 : f32
      %broadcast_in_dim3A_44 = vector.broadcast %broadcast_in_dim3A_43 : f32 to vector<2x128xf32>
      %swap3A_45 = arith.constant 0 : index
      %swap3A_46 = arith.constant 0 : index
      %swap3A_47 = vector.load %arg5[%swap3A_45, %swap3A_46] : memref<2x128xf32, #tpu.memory_space<vmem>>, vector<2x128xf32>
      tpu.vector_store %arg5[%swap3A_45, %swap3A_46], %broadcast_in_dim3A_44 {strides = array<i32>} : memref<2x128xf32, #tpu.memory_space<vmem>>, vector<2x128xf32>,
    } else {
    }
    %get3A_30 = arith.constant 0 : index
    %get3A_31 = arith.constant 0 : index
    %get3A_32 = vector.load %arg5[%get3A_30, %get3A_31] : memref<2x128xf32, #tpu.memory_space<vmem>>, vector<2x128xf32>
    %reduce_sum3A = arith.constant dense<0.000000e+00> : vector<128xf32>
    %reduce_sum3A_33 = vector.multi_reduction <add>, %dot_general3A_25, %reduce_sum3A [0] : vector<2000x128xf32> to vector<128xf32>
    %mul3A_34 = arith.mulf %dot_general3A_25, %dot_general3A_25 : vector<2000x128xf32>
    %reduce_sum3A_35 = arith.constant dense<0.000000e+00> : vector<128xf32>
    %reduce_sum3A_36 = vector.multi_reduction <add>, %mul3A_34, %reduce_sum3A_35 [0] : vector<2000x128xf32> to vector<128xf32>
    %stack3A = vector.shape_cast %reduce_sum3A_33 : vector<128xf32> to vector<1x128xf32>
    %stack3A_37 = vector.shape_cast %reduce_sum3A_36 : vector<128xf32> to vector<1x128xf32>
    %stack3A_38 = tpu.concatenate %stack3A, %stack3A_37 in 0 : vector<1x128xf32>, vector<1x128xf32> -> vector<2x128xf32>
    %add3A_39 = arith.addf %get3A_32, %stack3A_38 : vector<2x128xf32>
    %swap3A_40 = arith.constant 0 : index
    %swap3A_41 = arith.constant 0 : index
    %swap3A_42 = vector.load %arg5[%swap3A_40, %swap3A_41] : memref<2x128xf32, #tpu.memory_space<vmem>>, vector<2x128xf32>
    tpu.vector_store %arg5[%swap3A_40, %swap3A_41], %add3A_39 {strides = array<i32>} : memref<2x128xf32, #tpu.memory_space<vmem>>, vector<2x128xf32>,
    return
  }
  func.func @transform_0(%arg0: i32) -> (i32, i32) {
    %c0_i32 = arith.constant 0 : i32
    %c0_i32_0 = arith.constant 0 : i32
    return %arg0, %c0_i32 : i32, i32
  }
  func.func @transform_1(%arg0: i32) -> (i32, i32) {
    %c0_i32 = arith.constant 0 : i32
    %c0_i32_0 = arith.constant 0 : i32
    %c0_i32_1 = arith.constant 0 : i32
    return %c0_i32, %c0_i32_0 : i32, i32
  }
  func.func @transform_2(%arg0: i32) -> (i32, i32) {
    %c0_i32 = arith.constant 0 : i32
    %c0_i32_0 = arith.constant 0 : i32
    %c0_i32_1 = arith.constant 0 : i32
    return %c0_i32, %c0_i32_0 : i32, i32
  }
  func.func @transform_3(%arg0: i32) -> (i32, i32) {
    %c0_i32 = arith.constant 0 : i32
    %c0_i32_0 = arith.constant 0 : i32
    return %arg0, %c0_i32 : i32, i32
  }
  func.func @transform_4(%arg0: i32) -> (i32, i32) {
    %c0_i32 = arith.constant 0 : i32
    %c0_i32_0 = arith.constant 0 : i32
    %c0_i32_1 = arith.constant 0 : i32
    return %c0_i32, %c0_i32_0 : i32, i32
  }
}

module attributes {stable_mosaic.version = 14 : i64} {
  func.func @_mesh_norm_body(%arg0: i32, %arg1: memref<2000x128xf32, #tpu.memory_space<vmem>>, %arg2: memref<2000x128xf32, #tpu.memory_space<vmem>>, %arg3: memref<2000x128xf32, #tpu.memory_space<vmem>>, %arg4: memref<2000x128xf32, #tpu.memory_space<vmem>>, %arg5: memref<2x128xf32, #tpu.memory_space<vmem>>, %arg6: memref<512x128xf32, #tpu.memory_space<vmem>>, %arg7: memref<2000x128xf32, #tpu.memory_space<vmem>>, %arg8: memref<2x128xf32, #tpu.memory_space<vmem>>) attributes {dimension_semantics = [#tpu.dimension_semantics<arbitrary>], iteration_bounds = array<i64: 20>, scalar_prefetch = 0 : i64, scratch_operands = 0 : i64, tpu.core_type = #tpu.core_type<tc>, window_params = [{transform_indices = @transform_0, window_bounds = array<i64: 2000, 128>}, {transform_indices = @transform_1, window_bounds = array<i64: 2000, 128>}, {transform_indices = @transform_2, window_bounds = array<i64: 2000, 128>}, {transform_indices = @transform_3, window_bounds = array<i64: 2000, 128>}, {pipeline_mode = #tpu.pipeline_mode<synchronous>, transform_indices = @transform_4, window_bounds = array<i64: 2, 128>}, {pipeline_mode = #tpu.pipeline_mode<synchronous>, transform_indices = @transform_5, window_bounds = array<i64: 512, 128>}, {transform_indices = @transform_6, window_bounds = array<i64: 2000, 128>}, {pipeline_mode = #tpu.pipeline_mode<synchronous>, transform_indices = @transform_7, window_bounds = array<i64: 2, 128>}]} {
    %get3A = arith.constant 0 : index
    %get3A_0 = arith.constant 0 : index
    %get3A_1 = vector.load %arg5[%get3A, %get3A_0] : memref<2x128xf32, #tpu.memory_space<vmem>>, vector<2x128xf32>
    %slice3A = vector.extract_strided_slice %get3A_1 {offsets = [0, 0], sizes = [1, 128], strides = [1, 1]} : vector<2x128xf32> to vector<1x128xf32>
    %squeeze3A = vector.shape_cast %slice3A : vector<1x128xf32> to vector<128xf32>
    %mul3A = arith.constant 2.500000e-05 : f32
    %mul3A_2 = vector.broadcast %mul3A : f32 to vector<128xf32>
    %mul3A_3 = arith.mulf %squeeze3A, %mul3A_2 : vector<128xf32>
    %slice3A_4 = vector.extract_strided_slice %get3A_1 {offsets = [1, 0], sizes = [1, 128], strides = [1, 1]} : vector<2x128xf32> to vector<1x128xf32>
    %squeeze3A_5 = vector.shape_cast %slice3A_4 : vector<1x128xf32> to vector<128xf32>
    %mul3A_6 = arith.constant 2.500000e-05 : f32
    %mul3A_7 = vector.broadcast %mul3A_6 : f32 to vector<128xf32>
    %mul3A_8 = arith.mulf %squeeze3A_5, %mul3A_7 : vector<128xf32>
    %mul3A_9 = arith.mulf %mul3A_3, %mul3A_3 : vector<128xf32>
    %sub3A = arith.subf %mul3A_8, %mul3A_9 : vector<128xf32>
    %add3A = arith.constant 9.99999974E-6 : f32
    %add3A_10 = vector.broadcast %add3A : f32 to vector<128xf32>
    %add3A_11 = arith.addf %sub3A, %add3A_10 : vector<128xf32>
    %rsqrt3A = math.rsqrt %add3A_11 : vector<128xf32>
    %get3A_12 = arith.constant 0 : index
    %get3A_13 = arith.constant 0 : index
    %get3A_14 = vector.load %arg1[%get3A_12, %get3A_13] : memref<2000x128xf32, #tpu.memory_space<vmem>>, vector<2000x128xf32>
    %broadcast_in_dim3A = vector.shape_cast %mul3A_3 : vector<128xf32> to vector<1x128xf32>
    %sub3A_15 = vector.broadcast %broadcast_in_dim3A : vector<1x128xf32> to vector<2000x128xf32>
    %sub3A_16 = arith.subf %get3A_14, %sub3A_15 : vector<2000x128xf32>
    %broadcast_in_dim3A_17 = vector.shape_cast %rsqrt3A : vector<128xf32> to vector<1x128xf32>
    %mul3A_18 = vector.broadcast %broadcast_in_dim3A_17 : vector<1x128xf32> to vector<2000x128xf32>
    %mul3A_19 = arith.mulf %sub3A_16, %mul3A_18 : vector<2000x128xf32>
    %max3A = arith.constant 0.000000e+00 : f32
    %max3A_20 = vector.broadcast %max3A : f32 to vector<2000x128xf32>
    %max3A_21 = arith.maximumf %mul3A_19, %max3A_20 : vector<2000x128xf32>
    %get3A_22 = arith.constant 0 : index
    %get3A_23 = arith.constant 0 : index
    %get3A_24 = vector.load %arg2[%get3A_22, %get3A_23] : memref<2000x128xf32, #tpu.memory_space<vmem>>, vector<2000x128xf32>
    %broadcast_in_dim3A_25 = vector.shape_cast %mul3A_3 : vector<128xf32> to vector<1x128xf32>
    %sub3A_26 = vector.broadcast %broadcast_in_dim3A_25 : vector<1x128xf32> to vector<2000x128xf32>
    %sub3A_27 = arith.subf %get3A_24, %sub3A_26 : vector<2000x128xf32>
    %broadcast_in_dim3A_28 = vector.shape_cast %rsqrt3A : vector<128xf32> to vector<1x128xf32>
    %mul3A_29 = vector.broadcast %broadcast_in_dim3A_28 : vector<1x128xf32> to vector<2000x128xf32>
    %mul3A_30 = arith.mulf %sub3A_27, %mul3A_29 : vector<2000x128xf32>
    %max3A_31 = arith.constant 0.000000e+00 : f32
    %max3A_32 = vector.broadcast %max3A_31 : f32 to vector<2000x128xf32>
    %max3A_33 = arith.maximumf %mul3A_30, %max3A_32 : vector<2000x128xf32>
    %get3A_34 = arith.constant 0 : index
    %get3A_35 = arith.constant 0 : index
    %get3A_36 = vector.load %arg3[%get3A_34, %get3A_35] : memref<2000x128xf32, #tpu.memory_space<vmem>>, vector<2000x128xf32>
    %broadcast_in_dim3A_37 = vector.shape_cast %mul3A_3 : vector<128xf32> to vector<1x128xf32>
    %sub3A_38 = vector.broadcast %broadcast_in_dim3A_37 : vector<1x128xf32> to vector<2000x128xf32>
    %sub3A_39 = arith.subf %get3A_36, %sub3A_38 : vector<2000x128xf32>
    %broadcast_in_dim3A_40 = vector.shape_cast %rsqrt3A : vector<128xf32> to vector<1x128xf32>
    %mul3A_41 = vector.broadcast %broadcast_in_dim3A_40 : vector<1x128xf32> to vector<2000x128xf32>
    %mul3A_42 = arith.mulf %sub3A_39, %mul3A_41 : vector<2000x128xf32>
    %max3A_43 = arith.constant 0.000000e+00 : f32
    %max3A_44 = vector.broadcast %max3A_43 : f32 to vector<2000x128xf32>
    %max3A_45 = arith.maximumf %mul3A_42, %max3A_44 : vector<2000x128xf32>
    %get3A_46 = arith.constant 0 : index
    %get3A_47 = arith.constant 0 : index
    %get3A_48 = vector.load %arg4[%get3A_46, %get3A_47] : memref<2000x128xf32, #tpu.memory_space<vmem>>, vector<2000x128xf32>
    %broadcast_in_dim3A_49 = vector.shape_cast %mul3A_3 : vector<128xf32> to vector<1x128xf32>
    %sub3A_50 = vector.broadcast %broadcast_in_dim3A_49 : vector<1x128xf32> to vector<2000x128xf32>
    %sub3A_51 = arith.subf %get3A_48, %sub3A_50 : vector<2000x128xf32>
    %broadcast_in_dim3A_52 = vector.shape_cast %rsqrt3A : vector<128xf32> to vector<1x128xf32>
    %mul3A_53 = vector.broadcast %broadcast_in_dim3A_52 : vector<1x128xf32> to vector<2000x128xf32>
    %mul3A_54 = arith.mulf %sub3A_51, %mul3A_53 : vector<2000x128xf32>
    %max3A_55 = arith.constant 0.000000e+00 : f32
    %max3A_56 = vector.broadcast %max3A_55 : f32 to vector<2000x128xf32>
    %max3A_57 = arith.maximumf %mul3A_54, %max3A_56 : vector<2000x128xf32>
    %concatenate3A = tpu.concatenate %max3A_21, %max3A_33, %max3A_45, %max3A_57 in 1 : vector<2000x128xf32>, vector<2000x128xf32>, vector<2000x128xf32>, vector<2000x128xf32> -> vector<2000x512xf32>
    %get3A_58 = arith.constant 0 : index
    %get3A_59 = arith.constant 0 : index
    %get3A_60 = vector.load %arg6[%get3A_58, %get3A_59] : memref<512x128xf32, #tpu.memory_space<vmem>>, vector<512x128xf32>
    %dot_general3A = arith.constant dense<0.000000e+00> : vector<2000x128xf32>
    %dot_general3A_61 = tpu.matmul %concatenate3A, %get3A_60, %dot_general3A {dimension_numbers = #tpu.dot_dimension_numbers<[1], [0], [0], [1], [0, 0, 1, 1], [], []>, transpose_lhs_hint = false} : vector<2000x512xf32>, vector<512x128xf32>, vector<2000x128xf32> -> vector<2000x128xf32>
    %swap3A = arith.constant 0 : index
    %swap3A_62 = arith.constant 0 : index
    %swap3A_63 = vector.load %arg7[%swap3A, %swap3A_62] : memref<2000x128xf32, #tpu.memory_space<vmem>>, vector<2000x128xf32>
    tpu.vector_store %arg7[%swap3A, %swap3A_62], %dot_general3A_61 {strides = array<i32>} : memref<2000x128xf32, #tpu.memory_space<vmem>>, vector<2000x128xf32>,
    %eq3A = arith.constant 0 : i32
    %eq3A_64 = arith.cmpi eq, %arg0, %eq3A : i32
    %convert_element_type3A = arith.extui %eq3A_64 : i1 to i32
    %cond3A = arith.constant 0 : i32
    %cond3A_65 = arith.cmpi ne, %convert_element_type3A, %cond3A : i32
    scf.if %cond3A_65 {
      %broadcast_in_dim3A_79 = arith.constant 0.000000e+00 : f32
      %broadcast_in_dim3A_80 = vector.broadcast %broadcast_in_dim3A_79 : f32 to vector<2x128xf32>
      %swap3A_81 = arith.constant 0 : index
      %swap3A_82 = arith.constant 0 : index
      %swap3A_83 = vector.load %arg8[%swap3A_81, %swap3A_82] : memref<2x128xf32, #tpu.memory_space<vmem>>, vector<2x128xf32>
      tpu.vector_store %arg8[%swap3A_81, %swap3A_82], %broadcast_in_dim3A_80 {strides = array<i32>} : memref<2x128xf32, #tpu.memory_space<vmem>>, vector<2x128xf32>,
    } else {
    }
    %get3A_66 = arith.constant 0 : index
    %get3A_67 = arith.constant 0 : index
    %get3A_68 = vector.load %arg8[%get3A_66, %get3A_67] : memref<2x128xf32, #tpu.memory_space<vmem>>, vector<2x128xf32>
    %reduce_sum3A = arith.constant dense<0.000000e+00> : vector<128xf32>
    %reduce_sum3A_69 = vector.multi_reduction <add>, %dot_general3A_61, %reduce_sum3A [0] : vector<2000x128xf32> to vector<128xf32>
    %mul3A_70 = arith.mulf %dot_general3A_61, %dot_general3A_61 : vector<2000x128xf32>
    %reduce_sum3A_71 = arith.constant dense<0.000000e+00> : vector<128xf32>
    %reduce_sum3A_72 = vector.multi_reduction <add>, %mul3A_70, %reduce_sum3A_71 [0] : vector<2000x128xf32> to vector<128xf32>
    %stack3A = vector.shape_cast %reduce_sum3A_69 : vector<128xf32> to vector<1x128xf32>
    %stack3A_73 = vector.shape_cast %reduce_sum3A_72 : vector<128xf32> to vector<1x128xf32>
    %stack3A_74 = tpu.concatenate %stack3A, %stack3A_73 in 0 : vector<1x128xf32>, vector<1x128xf32> -> vector<2x128xf32>
    %add3A_75 = arith.addf %get3A_68, %stack3A_74 : vector<2x128xf32>
    %swap3A_76 = arith.constant 0 : index
    %swap3A_77 = arith.constant 0 : index
    %swap3A_78 = vector.load %arg8[%swap3A_76, %swap3A_77] : memref<2x128xf32, #tpu.memory_space<vmem>>, vector<2x128xf32>
    tpu.vector_store %arg8[%swap3A_76, %swap3A_77], %add3A_75 {strides = array<i32>} : memref<2x128xf32, #tpu.memory_space<vmem>>, vector<2x128xf32>,
    return
  }
  func.func @transform_0(%arg0: i32) -> (i32, i32) {
    %c0_i32 = arith.constant 0 : i32
    %c0_i32_0 = arith.constant 0 : i32
    return %arg0, %c0_i32 : i32, i32
  }
  func.func @transform_1(%arg0: i32) -> (i32, i32) {
    %c0_i32 = arith.constant 0 : i32
    %c0_i32_0 = arith.constant 0 : i32
    return %arg0, %c0_i32 : i32, i32
  }
  func.func @transform_2(%arg0: i32) -> (i32, i32) {
    %add3A = arith.constant 20 : i32
    %add3A_0 = arith.addi %arg0, %add3A : i32
    %c0_i32 = arith.constant 0 : i32
    %c0_i32_1 = arith.constant 0 : i32
    return %add3A_0, %c0_i32 : i32, i32
  }
  func.func @transform_3(%arg0: i32) -> (i32, i32) {
    %add3A = arith.constant 40 : i32
    %add3A_0 = arith.addi %arg0, %add3A : i32
    %c0_i32 = arith.constant 0 : i32
    %c0_i32_1 = arith.constant 0 : i32
    return %add3A_0, %c0_i32 : i32, i32
  }
  func.func @transform_4(%arg0: i32) -> (i32, i32) {
    %c0_i32 = arith.constant 0 : i32
    %c0_i32_0 = arith.constant 0 : i32
    %c0_i32_1 = arith.constant 0 : i32
    return %c0_i32, %c0_i32_0 : i32, i32
  }
  func.func @transform_5(%arg0: i32) -> (i32, i32) {
    %c0_i32 = arith.constant 0 : i32
    %c0_i32_0 = arith.constant 0 : i32
    %c0_i32_1 = arith.constant 0 : i32
    return %c0_i32, %c0_i32_0 : i32, i32
  }
  func.func @transform_6(%arg0: i32) -> (i32, i32) {
    %c0_i32 = arith.constant 0 : i32
    %c0_i32_0 = arith.constant 0 : i32
    return %arg0, %c0_i32 : i32, i32
  }
  func.func @transform_7(%arg0: i32) -> (i32, i32) {
    %c0_i32 = arith.constant 0 : i32
    %c0_i32_0 = arith.constant 0 : i32
    %c0_i32_1 = arith.constant 0 : i32
    return %c0_i32, %c0_i32_0 : i32, i32
  }
}

module attributes {stable_mosaic.version = 14 : i64} {
  func.func @_mesh_norm_body(%arg0: i32, %arg1: memref<2000x128xf32, #tpu.memory_space<vmem>>, %arg2: memref<2000x128xf32, #tpu.memory_space<vmem>>, %arg3: memref<2000x128xf32, #tpu.memory_space<vmem>>, %arg4: memref<2000x128xf32, #tpu.memory_space<vmem>>, %arg5: memref<2x128xf32, #tpu.memory_space<vmem>>, %arg6: memref<512x256xf32, #tpu.memory_space<vmem>>, %arg7: memref<2000x256xf32, #tpu.memory_space<vmem>>, %arg8: memref<2x256xf32, #tpu.memory_space<vmem>>) attributes {dimension_semantics = [#tpu.dimension_semantics<arbitrary>], iteration_bounds = array<i64: 20>, scalar_prefetch = 0 : i64, scratch_operands = 0 : i64, tpu.core_type = #tpu.core_type<tc>, window_params = [{transform_indices = @transform_0, window_bounds = array<i64: 2000, 128>}, {transform_indices = @transform_1, window_bounds = array<i64: 2000, 128>}, {transform_indices = @transform_2, window_bounds = array<i64: 2000, 128>}, {transform_indices = @transform_3, window_bounds = array<i64: 2000, 128>}, {pipeline_mode = #tpu.pipeline_mode<synchronous>, transform_indices = @transform_4, window_bounds = array<i64: 2, 128>}, {pipeline_mode = #tpu.pipeline_mode<synchronous>, transform_indices = @transform_5, window_bounds = array<i64: 512, 256>}, {transform_indices = @transform_6, window_bounds = array<i64: 2000, 256>}, {pipeline_mode = #tpu.pipeline_mode<synchronous>, transform_indices = @transform_7, window_bounds = array<i64: 2, 256>}]} {
    %get3A = arith.constant 0 : index
    %get3A_0 = arith.constant 0 : index
    %get3A_1 = vector.load %arg5[%get3A, %get3A_0] : memref<2x128xf32, #tpu.memory_space<vmem>>, vector<2x128xf32>
    %slice3A = vector.extract_strided_slice %get3A_1 {offsets = [0, 0], sizes = [1, 128], strides = [1, 1]} : vector<2x128xf32> to vector<1x128xf32>
    %squeeze3A = vector.shape_cast %slice3A : vector<1x128xf32> to vector<128xf32>
    %mul3A = arith.constant 2.500000e-05 : f32
    %mul3A_2 = vector.broadcast %mul3A : f32 to vector<128xf32>
    %mul3A_3 = arith.mulf %squeeze3A, %mul3A_2 : vector<128xf32>
    %slice3A_4 = vector.extract_strided_slice %get3A_1 {offsets = [1, 0], sizes = [1, 128], strides = [1, 1]} : vector<2x128xf32> to vector<1x128xf32>
    %squeeze3A_5 = vector.shape_cast %slice3A_4 : vector<1x128xf32> to vector<128xf32>
    %mul3A_6 = arith.constant 2.500000e-05 : f32
    %mul3A_7 = vector.broadcast %mul3A_6 : f32 to vector<128xf32>
    %mul3A_8 = arith.mulf %squeeze3A_5, %mul3A_7 : vector<128xf32>
    %mul3A_9 = arith.mulf %mul3A_3, %mul3A_3 : vector<128xf32>
    %sub3A = arith.subf %mul3A_8, %mul3A_9 : vector<128xf32>
    %add3A = arith.constant 9.99999974E-6 : f32
    %add3A_10 = vector.broadcast %add3A : f32 to vector<128xf32>
    %add3A_11 = arith.addf %sub3A, %add3A_10 : vector<128xf32>
    %rsqrt3A = math.rsqrt %add3A_11 : vector<128xf32>
    %get3A_12 = arith.constant 0 : index
    %get3A_13 = arith.constant 0 : index
    %get3A_14 = vector.load %arg1[%get3A_12, %get3A_13] : memref<2000x128xf32, #tpu.memory_space<vmem>>, vector<2000x128xf32>
    %broadcast_in_dim3A = vector.shape_cast %mul3A_3 : vector<128xf32> to vector<1x128xf32>
    %sub3A_15 = vector.broadcast %broadcast_in_dim3A : vector<1x128xf32> to vector<2000x128xf32>
    %sub3A_16 = arith.subf %get3A_14, %sub3A_15 : vector<2000x128xf32>
    %broadcast_in_dim3A_17 = vector.shape_cast %rsqrt3A : vector<128xf32> to vector<1x128xf32>
    %mul3A_18 = vector.broadcast %broadcast_in_dim3A_17 : vector<1x128xf32> to vector<2000x128xf32>
    %mul3A_19 = arith.mulf %sub3A_16, %mul3A_18 : vector<2000x128xf32>
    %max3A = arith.constant 0.000000e+00 : f32
    %max3A_20 = vector.broadcast %max3A : f32 to vector<2000x128xf32>
    %max3A_21 = arith.maximumf %mul3A_19, %max3A_20 : vector<2000x128xf32>
    %get3A_22 = arith.constant 0 : index
    %get3A_23 = arith.constant 0 : index
    %get3A_24 = vector.load %arg2[%get3A_22, %get3A_23] : memref<2000x128xf32, #tpu.memory_space<vmem>>, vector<2000x128xf32>
    %broadcast_in_dim3A_25 = vector.shape_cast %mul3A_3 : vector<128xf32> to vector<1x128xf32>
    %sub3A_26 = vector.broadcast %broadcast_in_dim3A_25 : vector<1x128xf32> to vector<2000x128xf32>
    %sub3A_27 = arith.subf %get3A_24, %sub3A_26 : vector<2000x128xf32>
    %broadcast_in_dim3A_28 = vector.shape_cast %rsqrt3A : vector<128xf32> to vector<1x128xf32>
    %mul3A_29 = vector.broadcast %broadcast_in_dim3A_28 : vector<1x128xf32> to vector<2000x128xf32>
    %mul3A_30 = arith.mulf %sub3A_27, %mul3A_29 : vector<2000x128xf32>
    %max3A_31 = arith.constant 0.000000e+00 : f32
    %max3A_32 = vector.broadcast %max3A_31 : f32 to vector<2000x128xf32>
    %max3A_33 = arith.maximumf %mul3A_30, %max3A_32 : vector<2000x128xf32>
    %get3A_34 = arith.constant 0 : index
    %get3A_35 = arith.constant 0 : index
    %get3A_36 = vector.load %arg3[%get3A_34, %get3A_35] : memref<2000x128xf32, #tpu.memory_space<vmem>>, vector<2000x128xf32>
    %broadcast_in_dim3A_37 = vector.shape_cast %mul3A_3 : vector<128xf32> to vector<1x128xf32>
    %sub3A_38 = vector.broadcast %broadcast_in_dim3A_37 : vector<1x128xf32> to vector<2000x128xf32>
    %sub3A_39 = arith.subf %get3A_36, %sub3A_38 : vector<2000x128xf32>
    %broadcast_in_dim3A_40 = vector.shape_cast %rsqrt3A : vector<128xf32> to vector<1x128xf32>
    %mul3A_41 = vector.broadcast %broadcast_in_dim3A_40 : vector<1x128xf32> to vector<2000x128xf32>
    %mul3A_42 = arith.mulf %sub3A_39, %mul3A_41 : vector<2000x128xf32>
    %max3A_43 = arith.constant 0.000000e+00 : f32
    %max3A_44 = vector.broadcast %max3A_43 : f32 to vector<2000x128xf32>
    %max3A_45 = arith.maximumf %mul3A_42, %max3A_44 : vector<2000x128xf32>
    %get3A_46 = arith.constant 0 : index
    %get3A_47 = arith.constant 0 : index
    %get3A_48 = vector.load %arg4[%get3A_46, %get3A_47] : memref<2000x128xf32, #tpu.memory_space<vmem>>, vector<2000x128xf32>
    %broadcast_in_dim3A_49 = vector.shape_cast %mul3A_3 : vector<128xf32> to vector<1x128xf32>
    %sub3A_50 = vector.broadcast %broadcast_in_dim3A_49 : vector<1x128xf32> to vector<2000x128xf32>
    %sub3A_51 = arith.subf %get3A_48, %sub3A_50 : vector<2000x128xf32>
    %broadcast_in_dim3A_52 = vector.shape_cast %rsqrt3A : vector<128xf32> to vector<1x128xf32>
    %mul3A_53 = vector.broadcast %broadcast_in_dim3A_52 : vector<1x128xf32> to vector<2000x128xf32>
    %mul3A_54 = arith.mulf %sub3A_51, %mul3A_53 : vector<2000x128xf32>
    %max3A_55 = arith.constant 0.000000e+00 : f32
    %max3A_56 = vector.broadcast %max3A_55 : f32 to vector<2000x128xf32>
    %max3A_57 = arith.maximumf %mul3A_54, %max3A_56 : vector<2000x128xf32>
    %concatenate3A = tpu.concatenate %max3A_21, %max3A_33, %max3A_45, %max3A_57 in 1 : vector<2000x128xf32>, vector<2000x128xf32>, vector<2000x128xf32>, vector<2000x128xf32> -> vector<2000x512xf32>
    %get3A_58 = arith.constant 0 : index
    %get3A_59 = arith.constant 0 : index
    %get3A_60 = vector.load %arg6[%get3A_58, %get3A_59] : memref<512x256xf32, #tpu.memory_space<vmem>>, vector<512x256xf32>
    %dot_general3A = arith.constant dense<0.000000e+00> : vector<2000x256xf32>
    %dot_general3A_61 = tpu.matmul %concatenate3A, %get3A_60, %dot_general3A {dimension_numbers = #tpu.dot_dimension_numbers<[1], [0], [0], [1], [0, 0, 1, 1], [], []>, transpose_lhs_hint = false} : vector<2000x512xf32>, vector<512x256xf32>, vector<2000x256xf32> -> vector<2000x256xf32>
    %swap3A = arith.constant 0 : index
    %swap3A_62 = arith.constant 0 : index
    %swap3A_63 = vector.load %arg7[%swap3A, %swap3A_62] : memref<2000x256xf32, #tpu.memory_space<vmem>>, vector<2000x256xf32>
    tpu.vector_store %arg7[%swap3A, %swap3A_62], %dot_general3A_61 {strides = array<i32>} : memref<2000x256xf32, #tpu.memory_space<vmem>>, vector<2000x256xf32>,
    %eq3A = arith.constant 0 : i32
    %eq3A_64 = arith.cmpi eq, %arg0, %eq3A : i32
    %convert_element_type3A = arith.extui %eq3A_64 : i1 to i32
    %cond3A = arith.constant 0 : i32
    %cond3A_65 = arith.cmpi ne, %convert_element_type3A, %cond3A : i32
    scf.if %cond3A_65 {
      %broadcast_in_dim3A_79 = arith.constant 0.000000e+00 : f32
      %broadcast_in_dim3A_80 = vector.broadcast %broadcast_in_dim3A_79 : f32 to vector<2x256xf32>
      %swap3A_81 = arith.constant 0 : index
      %swap3A_82 = arith.constant 0 : index
      %swap3A_83 = vector.load %arg8[%swap3A_81, %swap3A_82] : memref<2x256xf32, #tpu.memory_space<vmem>>, vector<2x256xf32>
      tpu.vector_store %arg8[%swap3A_81, %swap3A_82], %broadcast_in_dim3A_80 {strides = array<i32>} : memref<2x256xf32, #tpu.memory_space<vmem>>, vector<2x256xf32>,
    } else {
    }
    %get3A_66 = arith.constant 0 : index
    %get3A_67 = arith.constant 0 : index
    %get3A_68 = vector.load %arg8[%get3A_66, %get3A_67] : memref<2x256xf32, #tpu.memory_space<vmem>>, vector<2x256xf32>
    %reduce_sum3A = arith.constant dense<0.000000e+00> : vector<256xf32>
    %reduce_sum3A_69 = vector.multi_reduction <add>, %dot_general3A_61, %reduce_sum3A [0] : vector<2000x256xf32> to vector<256xf32>
    %mul3A_70 = arith.mulf %dot_general3A_61, %dot_general3A_61 : vector<2000x256xf32>
    %reduce_sum3A_71 = arith.constant dense<0.000000e+00> : vector<256xf32>
    %reduce_sum3A_72 = vector.multi_reduction <add>, %mul3A_70, %reduce_sum3A_71 [0] : vector<2000x256xf32> to vector<256xf32>
    %stack3A = vector.shape_cast %reduce_sum3A_69 : vector<256xf32> to vector<1x256xf32>
    %stack3A_73 = vector.shape_cast %reduce_sum3A_72 : vector<256xf32> to vector<1x256xf32>
    %stack3A_74 = tpu.concatenate %stack3A, %stack3A_73 in 0 : vector<1x256xf32>, vector<1x256xf32> -> vector<2x256xf32>
    %add3A_75 = arith.addf %get3A_68, %stack3A_74 : vector<2x256xf32>
    %swap3A_76 = arith.constant 0 : index
    %swap3A_77 = arith.constant 0 : index
    %swap3A_78 = vector.load %arg8[%swap3A_76, %swap3A_77] : memref<2x256xf32, #tpu.memory_space<vmem>>, vector<2x256xf32>
    tpu.vector_store %arg8[%swap3A_76, %swap3A_77], %add3A_75 {strides = array<i32>} : memref<2x256xf32, #tpu.memory_space<vmem>>, vector<2x256xf32>,
    return
  }
  func.func @transform_0(%arg0: i32) -> (i32, i32) {
    %c0_i32 = arith.constant 0 : i32
    %c0_i32_0 = arith.constant 0 : i32
    return %arg0, %c0_i32 : i32, i32
  }
  func.func @transform_1(%arg0: i32) -> (i32, i32) {
    %c0_i32 = arith.constant 0 : i32
    %c0_i32_0 = arith.constant 0 : i32
    return %arg0, %c0_i32 : i32, i32
  }
  func.func @transform_2(%arg0: i32) -> (i32, i32) {
    %add3A = arith.constant 20 : i32
    %add3A_0 = arith.addi %arg0, %add3A : i32
    %c0_i32 = arith.constant 0 : i32
    %c0_i32_1 = arith.constant 0 : i32
    return %add3A_0, %c0_i32 : i32, i32
  }
  func.func @transform_3(%arg0: i32) -> (i32, i32) {
    %add3A = arith.constant 40 : i32
    %add3A_0 = arith.addi %arg0, %add3A : i32
    %c0_i32 = arith.constant 0 : i32
    %c0_i32_1 = arith.constant 0 : i32
    return %add3A_0, %c0_i32 : i32, i32
  }
  func.func @transform_4(%arg0: i32) -> (i32, i32) {
    %c0_i32 = arith.constant 0 : i32
    %c0_i32_0 = arith.constant 0 : i32
    %c0_i32_1 = arith.constant 0 : i32
    return %c0_i32, %c0_i32_0 : i32, i32
  }
  func.func @transform_5(%arg0: i32) -> (i32, i32) {
    %c0_i32 = arith.constant 0 : i32
    %c0_i32_0 = arith.constant 0 : i32
    %c0_i32_1 = arith.constant 0 : i32
    return %c0_i32, %c0_i32_0 : i32, i32
  }
  func.func @transform_6(%arg0: i32) -> (i32, i32) {
    %c0_i32 = arith.constant 0 : i32
    %c0_i32_0 = arith.constant 0 : i32
    return %arg0, %c0_i32 : i32, i32
  }
  func.func @transform_7(%arg0: i32) -> (i32, i32) {
    %c0_i32 = arith.constant 0 : i32
    %c0_i32_0 = arith.constant 0 : i32
    %c0_i32_1 = arith.constant 0 : i32
    return %c0_i32, %c0_i32_0 : i32, i32
  }
}

module attributes {stable_mosaic.version = 14 : i64} {
  func.func @_pack_body(%arg0: i32, %arg1: memref<2000x256xf32, #tpu.memory_space<vmem>>, %arg2: memref<2x256xf32, #tpu.memory_space<vmem>>, %arg3: memref<2000x128xi32, #tpu.memory_space<vmem>>) attributes {dimension_semantics = [#tpu.dimension_semantics<arbitrary>], iteration_bounds = array<i64: 20>, scalar_prefetch = 0 : i64, scratch_operands = 0 : i64, tpu.core_type = #tpu.core_type<tc>, window_params = [{transform_indices = @transform_0, window_bounds = array<i64: 2000, 256>}, {pipeline_mode = #tpu.pipeline_mode<synchronous>, transform_indices = @transform_1, window_bounds = array<i64: 2, 256>}, {transform_indices = @transform_2, window_bounds = array<i64: 2000, 128>}]} {
    %get3A = arith.constant 0 : index
    %get3A_0 = arith.constant 0 : index
    %get3A_1 = vector.load %arg2[%get3A, %get3A_0] : memref<2x256xf32, #tpu.memory_space<vmem>>, vector<2x256xf32>
    %slice3A = vector.extract_strided_slice %get3A_1 {offsets = [0, 0], sizes = [1, 256], strides = [1, 1]} : vector<2x256xf32> to vector<1x256xf32>
    %squeeze3A = vector.shape_cast %slice3A : vector<1x256xf32> to vector<256xf32>
    %mul3A = arith.constant 2.500000e-05 : f32
    %mul3A_2 = vector.broadcast %mul3A : f32 to vector<256xf32>
    %mul3A_3 = arith.mulf %squeeze3A, %mul3A_2 : vector<256xf32>
    %slice3A_4 = vector.extract_strided_slice %get3A_1 {offsets = [1, 0], sizes = [1, 256], strides = [1, 1]} : vector<2x256xf32> to vector<1x256xf32>
    %squeeze3A_5 = vector.shape_cast %slice3A_4 : vector<1x256xf32> to vector<256xf32>
    %mul3A_6 = arith.constant 2.500000e-05 : f32
    %mul3A_7 = vector.broadcast %mul3A_6 : f32 to vector<256xf32>
    %mul3A_8 = arith.mulf %squeeze3A_5, %mul3A_7 : vector<256xf32>
    %mul3A_9 = arith.mulf %mul3A_3, %mul3A_3 : vector<256xf32>
    %sub3A = arith.subf %mul3A_8, %mul3A_9 : vector<256xf32>
    %add3A = arith.constant 9.99999974E-6 : f32
    %add3A_10 = vector.broadcast %add3A : f32 to vector<256xf32>
    %add3A_11 = arith.addf %sub3A, %add3A_10 : vector<256xf32>
    %rsqrt3A = math.rsqrt %add3A_11 : vector<256xf32>
    %get3A_12 = arith.constant 0 : index
    %get3A_13 = arith.constant 0 : index
    %get3A_14 = vector.load %arg1[%get3A_12, %get3A_13] : memref<2000x256xf32, #tpu.memory_space<vmem>>, vector<2000x256xf32>
    %broadcast_in_dim3A = vector.shape_cast %mul3A_3 : vector<256xf32> to vector<1x256xf32>
    %sub3A_15 = vector.broadcast %broadcast_in_dim3A : vector<1x256xf32> to vector<2000x256xf32>
    %sub3A_16 = arith.subf %get3A_14, %sub3A_15 : vector<2000x256xf32>
    %broadcast_in_dim3A_17 = vector.shape_cast %rsqrt3A : vector<256xf32> to vector<1x256xf32>
    %mul3A_18 = vector.broadcast %broadcast_in_dim3A_17 : vector<1x256xf32> to vector<2000x256xf32>
    %mul3A_19 = arith.mulf %sub3A_16, %mul3A_18 : vector<2000x256xf32>
    %max3A = arith.constant 0.000000e+00 : f32
    %max3A_20 = vector.broadcast %max3A : f32 to vector<2000x256xf32>
    %max3A_21 = arith.maximumf %mul3A_19, %max3A_20 : vector<2000x256xf32>
    %slice3A_22 = vector.extract_strided_slice %max3A_21 {offsets = [0, 0], sizes = [2000, 128], strides = [1, 1]} : vector<2000x256xf32> to vector<2000x128xf32>
    %bitcast_convert_type3A = tpu.bitcast %slice3A_22 : vector<2000x128xf32> -> vector<2000x128xi32>
    %add3A_23 = arith.constant -939520000 : i32
    %add3A_24 = vector.broadcast %add3A_23 : i32 to vector<2000x128xi32>
    %add3A_25 = arith.addi %bitcast_convert_type3A, %add3A_24 : vector<2000x128xi32>
    %shift_right_arithmetic3A = arith.constant 13 : i32
    %shift_right_arithmetic3A_26 = vector.broadcast %shift_right_arithmetic3A : i32 to vector<2000x128xi32>
    %shift_right_arithmetic3A_27 = arith.shrsi %add3A_25, %shift_right_arithmetic3A_26 : vector<2000x128xi32>
    %lt3A = arith.constant 947912704 : i32
    %lt3A_28 = vector.broadcast %lt3A : i32 to vector<2000x128xi32>
    %lt3A_29 = arith.cmpi slt, %bitcast_convert_type3A, %lt3A_28 : vector<2000x128xi32>
    %jit3A = arith.constant 0 : i32
    %broadcast_in_dim3A_30 = vector.broadcast %jit3A : i32 to vector<2000x128xi32>
    %select_n3A = arith.select %lt3A_29, %broadcast_in_dim3A_30, %shift_right_arithmetic3A_27 : vector<2000x128xi1>, vector<2000x128xi32>
    %slice3A_31 = vector.extract_strided_slice %max3A_21 {offsets = [0, 128], sizes = [2000, 128], strides = [1, 1]} : vector<2000x256xf32> to vector<2000x128xf32>
    %bitcast_convert_type3A_32 = tpu.bitcast %slice3A_31 : vector<2000x128xf32> -> vector<2000x128xi32>
    %add3A_33 = arith.constant -939520000 : i32
    %add3A_34 = vector.broadcast %add3A_33 : i32 to vector<2000x128xi32>
    %add3A_35 = arith.addi %bitcast_convert_type3A_32, %add3A_34 : vector<2000x128xi32>
    %shift_right_arithmetic3A_36 = arith.constant 13 : i32
    %shift_right_arithmetic3A_37 = vector.broadcast %shift_right_arithmetic3A_36 : i32 to vector<2000x128xi32>
    %shift_right_arithmetic3A_38 = arith.shrsi %add3A_35, %shift_right_arithmetic3A_37 : vector<2000x128xi32>
    %lt3A_39 = arith.constant 947912704 : i32
    %lt3A_40 = vector.broadcast %lt3A_39 : i32 to vector<2000x128xi32>
    %lt3A_41 = arith.cmpi slt, %bitcast_convert_type3A_32, %lt3A_40 : vector<2000x128xi32>
    %jit3A_42 = arith.constant 0 : i32
    %broadcast_in_dim3A_43 = vector.broadcast %jit3A_42 : i32 to vector<2000x128xi32>
    %select_n3A_44 = arith.select %lt3A_41, %broadcast_in_dim3A_43, %shift_right_arithmetic3A_38 : vector<2000x128xi1>, vector<2000x128xi32>
    %shift_left3A = arith.constant 16 : i32
    %shift_left3A_45 = vector.broadcast %shift_left3A : i32 to vector<2000x128xi32>
    %shift_left3A_46 = arith.shli %select_n3A_44, %shift_left3A_45 : vector<2000x128xi32>
    %or3A = arith.ori %select_n3A, %shift_left3A_46 : vector<2000x128xi32>
    %swap3A = arith.constant 0 : index
    %swap3A_47 = arith.constant 0 : index
    %swap3A_48 = vector.load %arg3[%swap3A, %swap3A_47] : memref<2000x128xi32, #tpu.memory_space<vmem>>, vector<2000x128xi32>
    tpu.vector_store %arg3[%swap3A, %swap3A_47], %or3A {strides = array<i32>} : memref<2000x128xi32, #tpu.memory_space<vmem>>, vector<2000x128xi32>,
    return
  }
  func.func @transform_0(%arg0: i32) -> (i32, i32) {
    %c0_i32 = arith.constant 0 : i32
    %c0_i32_0 = arith.constant 0 : i32
    return %arg0, %c0_i32 : i32, i32
  }
  func.func @transform_1(%arg0: i32) -> (i32, i32) {
    %c0_i32 = arith.constant 0 : i32
    %c0_i32_0 = arith.constant 0 : i32
    %c0_i32_1 = arith.constant 0 : i32
    return %c0_i32, %c0_i32_0 : i32, i32
  }
  func.func @transform_2(%arg0: i32) -> (i32, i32) {
    %c0_i32 = arith.constant 0 : i32
    %c0_i32_0 = arith.constant 0 : i32
    return %arg0, %c0_i32 : i32, i32
  }
}

module attributes {stable_mosaic.version = 14 : i64} {
  func.func @_mesh_packed_body(%arg0: i32, %arg1: memref<2000x128xi32, #tpu.memory_space<vmem>>, %arg2: memref<2000x128xi32, #tpu.memory_space<vmem>>, %arg3: memref<2000x128xi32, #tpu.memory_space<vmem>>, %arg4: memref<2000x128xi32, #tpu.memory_space<vmem>>, %arg5: memref<1024x256xf32, #tpu.memory_space<vmem>>, %arg6: memref<2000x256xf32, #tpu.memory_space<vmem>>, %arg7: memref<2x256xf32, #tpu.memory_space<vmem>>) attributes {dimension_semantics = [#tpu.dimension_semantics<arbitrary>], iteration_bounds = array<i64: 20>, scalar_prefetch = 0 : i64, scratch_operands = 0 : i64, tpu.core_type = #tpu.core_type<tc>, window_params = [{transform_indices = @transform_0, window_bounds = array<i64: 2000, 128>}, {transform_indices = @transform_1, window_bounds = array<i64: 2000, 128>}, {transform_indices = @transform_2, window_bounds = array<i64: 2000, 128>}, {transform_indices = @transform_3, window_bounds = array<i64: 2000, 128>}, {pipeline_mode = #tpu.pipeline_mode<synchronous>, transform_indices = @transform_4, window_bounds = array<i64: 1024, 256>}, {transform_indices = @transform_5, window_bounds = array<i64: 2000, 256>}, {pipeline_mode = #tpu.pipeline_mode<synchronous>, transform_indices = @transform_6, window_bounds = array<i64: 2, 256>}]} {
    %get3A = arith.constant 0 : index
    %get3A_0 = arith.constant 0 : index
    %get3A_1 = vector.load %arg1[%get3A, %get3A_0] : memref<2000x128xi32, #tpu.memory_space<vmem>>, vector<2000x128xi32>
    %and3A = arith.constant 65535 : i32
    %and3A_2 = vector.broadcast %and3A : i32 to vector<2000x128xi32>
    %and3A_3 = arith.andi %get3A_1, %and3A_2 : vector<2000x128xi32>
    %shift_left3A = arith.constant 13 : i32
    %shift_left3A_4 = vector.broadcast %shift_left3A : i32 to vector<2000x128xi32>
    %shift_left3A_5 = arith.shli %and3A_3, %shift_left3A_4 : vector<2000x128xi32>
    %add3A = arith.constant 939524096 : i32
    %add3A_6 = vector.broadcast %add3A : i32 to vector<2000x128xi32>
    %add3A_7 = arith.addi %shift_left3A_5, %add3A_6 : vector<2000x128xi32>
    %bitcast_convert_type3A = tpu.bitcast %add3A_7 : vector<2000x128xi32> -> vector<2000x128xf32>
    %eq3A = arith.constant 0 : i32
    %eq3A_8 = vector.broadcast %eq3A : i32 to vector<2000x128xi32>
    %eq3A_9 = arith.cmpi eq, %and3A_3, %eq3A_8 : vector<2000x128xi32>
    %jit3A = arith.constant 0.000000e+00 : f32
    %broadcast_in_dim3A = vector.broadcast %jit3A : f32 to vector<2000x128xf32>
    %select_n3A = arith.select %eq3A_9, %broadcast_in_dim3A, %bitcast_convert_type3A : vector<2000x128xi1>, vector<2000x128xf32>
    %shift_right_arithmetic3A = arith.constant 16 : i32
    %shift_right_arithmetic3A_10 = vector.broadcast %shift_right_arithmetic3A : i32 to vector<2000x128xi32>
    %shift_right_arithmetic3A_11 = arith.shrsi %get3A_1, %shift_right_arithmetic3A_10 : vector<2000x128xi32>
    %shift_left3A_12 = arith.constant 13 : i32
    %shift_left3A_13 = vector.broadcast %shift_left3A_12 : i32 to vector<2000x128xi32>
    %shift_left3A_14 = arith.shli %shift_right_arithmetic3A_11, %shift_left3A_13 : vector<2000x128xi32>
    %add3A_15 = arith.constant 939524096 : i32
    %add3A_16 = vector.broadcast %add3A_15 : i32 to vector<2000x128xi32>
    %add3A_17 = arith.addi %shift_left3A_14, %add3A_16 : vector<2000x128xi32>
    %bitcast_convert_type3A_18 = tpu.bitcast %add3A_17 : vector<2000x128xi32> -> vector<2000x128xf32>
    %eq3A_19 = arith.constant 0 : i32
    %eq3A_20 = vector.broadcast %eq3A_19 : i32 to vector<2000x128xi32>
    %eq3A_21 = arith.cmpi eq, %shift_right_arithmetic3A_11, %eq3A_20 : vector<2000x128xi32>
    %jit3A_22 = arith.constant 0.000000e+00 : f32
    %broadcast_in_dim3A_23 = vector.broadcast %jit3A_22 : f32 to vector<2000x128xf32>
    %select_n3A_24 = arith.select %eq3A_21, %broadcast_in_dim3A_23, %bitcast_convert_type3A_18 : vector<2000x128xi1>, vector<2000x128xf32>
    %concatenate3A = tpu.concatenate %select_n3A, %select_n3A_24 in 1 : vector<2000x128xf32>, vector<2000x128xf32> -> vector<2000x256xf32>
    %get3A_25 = arith.constant 0 : index
    %get3A_26 = arith.constant 0 : index
    %get3A_27 = vector.load %arg2[%get3A_25, %get3A_26] : memref<2000x128xi32, #tpu.memory_space<vmem>>, vector<2000x128xi32>
    %and3A_28 = arith.constant 65535 : i32
    %and3A_29 = vector.broadcast %and3A_28 : i32 to vector<2000x128xi32>
    %and3A_30 = arith.andi %get3A_27, %and3A_29 : vector<2000x128xi32>
    %shift_left3A_31 = arith.constant 13 : i32
    %shift_left3A_32 = vector.broadcast %shift_left3A_31 : i32 to vector<2000x128xi32>
    %shift_left3A_33 = arith.shli %and3A_30, %shift_left3A_32 : vector<2000x128xi32>
    %add3A_34 = arith.constant 939524096 : i32
    %add3A_35 = vector.broadcast %add3A_34 : i32 to vector<2000x128xi32>
    %add3A_36 = arith.addi %shift_left3A_33, %add3A_35 : vector<2000x128xi32>
    %bitcast_convert_type3A_37 = tpu.bitcast %add3A_36 : vector<2000x128xi32> -> vector<2000x128xf32>
    %eq3A_38 = arith.constant 0 : i32
    %eq3A_39 = vector.broadcast %eq3A_38 : i32 to vector<2000x128xi32>
    %eq3A_40 = arith.cmpi eq, %and3A_30, %eq3A_39 : vector<2000x128xi32>
    %jit3A_41 = arith.constant 0.000000e+00 : f32
    %broadcast_in_dim3A_42 = vector.broadcast %jit3A_41 : f32 to vector<2000x128xf32>
    %select_n3A_43 = arith.select %eq3A_40, %broadcast_in_dim3A_42, %bitcast_convert_type3A_37 : vector<2000x128xi1>, vector<2000x128xf32>
    %shift_right_arithmetic3A_44 = arith.constant 16 : i32
    %shift_right_arithmetic3A_45 = vector.broadcast %shift_right_arithmetic3A_44 : i32 to vector<2000x128xi32>
    %shift_right_arithmetic3A_46 = arith.shrsi %get3A_27, %shift_right_arithmetic3A_45 : vector<2000x128xi32>
    %shift_left3A_47 = arith.constant 13 : i32
    %shift_left3A_48 = vector.broadcast %shift_left3A_47 : i32 to vector<2000x128xi32>
    %shift_left3A_49 = arith.shli %shift_right_arithmetic3A_46, %shift_left3A_48 : vector<2000x128xi32>
    %add3A_50 = arith.constant 939524096 : i32
    %add3A_51 = vector.broadcast %add3A_50 : i32 to vector<2000x128xi32>
    %add3A_52 = arith.addi %shift_left3A_49, %add3A_51 : vector<2000x128xi32>
    %bitcast_convert_type3A_53 = tpu.bitcast %add3A_52 : vector<2000x128xi32> -> vector<2000x128xf32>
    %eq3A_54 = arith.constant 0 : i32
    %eq3A_55 = vector.broadcast %eq3A_54 : i32 to vector<2000x128xi32>
    %eq3A_56 = arith.cmpi eq, %shift_right_arithmetic3A_46, %eq3A_55 : vector<2000x128xi32>
    %jit3A_57 = arith.constant 0.000000e+00 : f32
    %broadcast_in_dim3A_58 = vector.broadcast %jit3A_57 : f32 to vector<2000x128xf32>
    %select_n3A_59 = arith.select %eq3A_56, %broadcast_in_dim3A_58, %bitcast_convert_type3A_53 : vector<2000x128xi1>, vector<2000x128xf32>
    %concatenate3A_60 = tpu.concatenate %select_n3A_43, %select_n3A_59 in 1 : vector<2000x128xf32>, vector<2000x128xf32> -> vector<2000x256xf32>
    %get3A_61 = arith.constant 0 : index
    %get3A_62 = arith.constant 0 : index
    %get3A_63 = vector.load %arg3[%get3A_61, %get3A_62] : memref<2000x128xi32, #tpu.memory_space<vmem>>, vector<2000x128xi32>
    %and3A_64 = arith.constant 65535 : i32
    %and3A_65 = vector.broadcast %and3A_64 : i32 to vector<2000x128xi32>
    %and3A_66 = arith.andi %get3A_63, %and3A_65 : vector<2000x128xi32>
    %shift_left3A_67 = arith.constant 13 : i32
    %shift_left3A_68 = vector.broadcast %shift_left3A_67 : i32 to vector<2000x128xi32>
    %shift_left3A_69 = arith.shli %and3A_66, %shift_left3A_68 : vector<2000x128xi32>
    %add3A_70 = arith.constant 939524096 : i32
    %add3A_71 = vector.broadcast %add3A_70 : i32 to vector<2000x128xi32>
    %add3A_72 = arith.addi %shift_left3A_69, %add3A_71 : vector<2000x128xi32>
    %bitcast_convert_type3A_73 = tpu.bitcast %add3A_72 : vector<2000x128xi32> -> vector<2000x128xf32>
    %eq3A_74 = arith.constant 0 : i32
    %eq3A_75 = vector.broadcast %eq3A_74 : i32 to vector<2000x128xi32>
    %eq3A_76 = arith.cmpi eq, %and3A_66, %eq3A_75 : vector<2000x128xi32>
    %jit3A_77 = arith.constant 0.000000e+00 : f32
    %broadcast_in_dim3A_78 = vector.broadcast %jit3A_77 : f32 to vector<2000x128xf32>
    %select_n3A_79 = arith.select %eq3A_76, %broadcast_in_dim3A_78, %bitcast_convert_type3A_73 : vector<2000x128xi1>, vector<2000x128xf32>
    %shift_right_arithmetic3A_80 = arith.constant 16 : i32
    %shift_right_arithmetic3A_81 = vector.broadcast %shift_right_arithmetic3A_80 : i32 to vector<2000x128xi32>
    %shift_right_arithmetic3A_82 = arith.shrsi %get3A_63, %shift_right_arithmetic3A_81 : vector<2000x128xi32>
    %shift_left3A_83 = arith.constant 13 : i32
    %shift_left3A_84 = vector.broadcast %shift_left3A_83 : i32 to vector<2000x128xi32>
    %shift_left3A_85 = arith.shli %shift_right_arithmetic3A_82, %shift_left3A_84 : vector<2000x128xi32>
    %add3A_86 = arith.constant 939524096 : i32
    %add3A_87 = vector.broadcast %add3A_86 : i32 to vector<2000x128xi32>
    %add3A_88 = arith.addi %shift_left3A_85, %add3A_87 : vector<2000x128xi32>
    %bitcast_convert_type3A_89 = tpu.bitcast %add3A_88 : vector<2000x128xi32> -> vector<2000x128xf32>
    %eq3A_90 = arith.constant 0 : i32
    %eq3A_91 = vector.broadcast %eq3A_90 : i32 to vector<2000x128xi32>
    %eq3A_92 = arith.cmpi eq, %shift_right_arithmetic3A_82, %eq3A_91 : vector<2000x128xi32>
    %jit3A_93 = arith.constant 0.000000e+00 : f32
    %broadcast_in_dim3A_94 = vector.broadcast %jit3A_93 : f32 to vector<2000x128xf32>
    %select_n3A_95 = arith.select %eq3A_92, %broadcast_in_dim3A_94, %bitcast_convert_type3A_89 : vector<2000x128xi1>, vector<2000x128xf32>
    %concatenate3A_96 = tpu.concatenate %select_n3A_79, %select_n3A_95 in 1 : vector<2000x128xf32>, vector<2000x128xf32> -> vector<2000x256xf32>
    %get3A_97 = arith.constant 0 : index
    %get3A_98 = arith.constant 0 : index
    %get3A_99 = vector.load %arg4[%get3A_97, %get3A_98] : memref<2000x128xi32, #tpu.memory_space<vmem>>, vector<2000x128xi32>
    %and3A_100 = arith.constant 65535 : i32
    %and3A_101 = vector.broadcast %and3A_100 : i32 to vector<2000x128xi32>
    %and3A_102 = arith.andi %get3A_99, %and3A_101 : vector<2000x128xi32>
    %shift_left3A_103 = arith.constant 13 : i32
    %shift_left3A_104 = vector.broadcast %shift_left3A_103 : i32 to vector<2000x128xi32>
    %shift_left3A_105 = arith.shli %and3A_102, %shift_left3A_104 : vector<2000x128xi32>
    %add3A_106 = arith.constant 939524096 : i32
    %add3A_107 = vector.broadcast %add3A_106 : i32 to vector<2000x128xi32>
    %add3A_108 = arith.addi %shift_left3A_105, %add3A_107 : vector<2000x128xi32>
    %bitcast_convert_type3A_109 = tpu.bitcast %add3A_108 : vector<2000x128xi32> -> vector<2000x128xf32>
    %eq3A_110 = arith.constant 0 : i32
    %eq3A_111 = vector.broadcast %eq3A_110 : i32 to vector<2000x128xi32>
    %eq3A_112 = arith.cmpi eq, %and3A_102, %eq3A_111 : vector<2000x128xi32>
    %jit3A_113 = arith.constant 0.000000e+00 : f32
    %broadcast_in_dim3A_114 = vector.broadcast %jit3A_113 : f32 to vector<2000x128xf32>
    %select_n3A_115 = arith.select %eq3A_112, %broadcast_in_dim3A_114, %bitcast_convert_type3A_109 : vector<2000x128xi1>, vector<2000x128xf32>
    %shift_right_arithmetic3A_116 = arith.constant 16 : i32
    %shift_right_arithmetic3A_117 = vector.broadcast %shift_right_arithmetic3A_116 : i32 to vector<2000x128xi32>
    %shift_right_arithmetic3A_118 = arith.shrsi %get3A_99, %shift_right_arithmetic3A_117 : vector<2000x128xi32>
    %shift_left3A_119 = arith.constant 13 : i32
    %shift_left3A_120 = vector.broadcast %shift_left3A_119 : i32 to vector<2000x128xi32>
    %shift_left3A_121 = arith.shli %shift_right_arithmetic3A_118, %shift_left3A_120 : vector<2000x128xi32>
    %add3A_122 = arith.constant 939524096 : i32
    %add3A_123 = vector.broadcast %add3A_122 : i32 to vector<2000x128xi32>
    %add3A_124 = arith.addi %shift_left3A_121, %add3A_123 : vector<2000x128xi32>
    %bitcast_convert_type3A_125 = tpu.bitcast %add3A_124 : vector<2000x128xi32> -> vector<2000x128xf32>
    %eq3A_126 = arith.constant 0 : i32
    %eq3A_127 = vector.broadcast %eq3A_126 : i32 to vector<2000x128xi32>
    %eq3A_128 = arith.cmpi eq, %shift_right_arithmetic3A_118, %eq3A_127 : vector<2000x128xi32>
    %jit3A_129 = arith.constant 0.000000e+00 : f32
    %broadcast_in_dim3A_130 = vector.broadcast %jit3A_129 : f32 to vector<2000x128xf32>
    %select_n3A_131 = arith.select %eq3A_128, %broadcast_in_dim3A_130, %bitcast_convert_type3A_125 : vector<2000x128xi1>, vector<2000x128xf32>
    %concatenate3A_132 = tpu.concatenate %select_n3A_115, %select_n3A_131 in 1 : vector<2000x128xf32>, vector<2000x128xf32> -> vector<2000x256xf32>
    %concatenate3A_133 = tpu.concatenate %concatenate3A, %concatenate3A_60, %concatenate3A_96, %concatenate3A_132 in 1 : vector<2000x256xf32>, vector<2000x256xf32>, vector<2000x256xf32>, vector<2000x256xf32> -> vector<2000x1024xf32>
    %get3A_134 = arith.constant 0 : index
    %get3A_135 = arith.constant 0 : index
    %get3A_136 = vector.load %arg5[%get3A_134, %get3A_135] : memref<1024x256xf32, #tpu.memory_space<vmem>>, vector<1024x256xf32>
    %dot_general3A = arith.constant dense<0.000000e+00> : vector<2000x256xf32>
    %dot_general3A_137 = tpu.matmul %concatenate3A_133, %get3A_136, %dot_general3A {dimension_numbers = #tpu.dot_dimension_numbers<[1], [0], [0], [1], [0, 0, 1, 1], [], []>, transpose_lhs_hint = false} : vector<2000x1024xf32>, vector<1024x256xf32>, vector<2000x256xf32> -> vector<2000x256xf32>
    %swap3A = arith.constant 0 : index
    %swap3A_138 = arith.constant 0 : index
    %swap3A_139 = vector.load %arg6[%swap3A, %swap3A_138] : memref<2000x256xf32, #tpu.memory_space<vmem>>, vector<2000x256xf32>
    tpu.vector_store %arg6[%swap3A, %swap3A_138], %dot_general3A_137 {strides = array<i32>} : memref<2000x256xf32, #tpu.memory_space<vmem>>, vector<2000x256xf32>,
    %eq3A_140 = arith.constant 0 : i32
    %eq3A_141 = arith.cmpi eq, %arg0, %eq3A_140 : i32
    %convert_element_type3A = arith.extui %eq3A_141 : i1 to i32
    %cond3A = arith.constant 0 : i32
    %cond3A_142 = arith.cmpi ne, %convert_element_type3A, %cond3A : i32
    scf.if %cond3A_142 {
      %broadcast_in_dim3A_155 = arith.constant 0.000000e+00 : f32
      %broadcast_in_dim3A_156 = vector.broadcast %broadcast_in_dim3A_155 : f32 to vector<2x256xf32>
      %swap3A_157 = arith.constant 0 : index
      %swap3A_158 = arith.constant 0 : index
      %swap3A_159 = vector.load %arg7[%swap3A_157, %swap3A_158] : memref<2x256xf32, #tpu.memory_space<vmem>>, vector<2x256xf32>
      tpu.vector_store %arg7[%swap3A_157, %swap3A_158], %broadcast_in_dim3A_156 {strides = array<i32>} : memref<2x256xf32, #tpu.memory_space<vmem>>, vector<2x256xf32>,
    } else {
    }
    %get3A_143 = arith.constant 0 : index
    %get3A_144 = arith.constant 0 : index
    %get3A_145 = vector.load %arg7[%get3A_143, %get3A_144] : memref<2x256xf32, #tpu.memory_space<vmem>>, vector<2x256xf32>
    %reduce_sum3A = arith.constant dense<0.000000e+00> : vector<256xf32>
    %reduce_sum3A_146 = vector.multi_reduction <add>, %dot_general3A_137, %reduce_sum3A [0] : vector<2000x256xf32> to vector<256xf32>
    %mul3A = arith.mulf %dot_general3A_137, %dot_general3A_137 : vector<2000x256xf32>
    %reduce_sum3A_147 = arith.constant dense<0.000000e+00> : vector<256xf32>
    %reduce_sum3A_148 = vector.multi_reduction <add>, %mul3A, %reduce_sum3A_147 [0] : vector<2000x256xf32> to vector<256xf32>
    %stack3A = vector.shape_cast %reduce_sum3A_146 : vector<256xf32> to vector<1x256xf32>
    %stack3A_149 = vector.shape_cast %reduce_sum3A_148 : vector<256xf32> to vector<1x256xf32>
    %stack3A_150 = tpu.concatenate %stack3A, %stack3A_149 in 0 : vector<1x256xf32>, vector<1x256xf32> -> vector<2x256xf32>
    %add3A_151 = arith.addf %get3A_145, %stack3A_150 : vector<2x256xf32>
    %swap3A_152 = arith.constant 0 : index
    %swap3A_153 = arith.constant 0 : index
    %swap3A_154 = vector.load %arg7[%swap3A_152, %swap3A_153] : memref<2x256xf32, #tpu.memory_space<vmem>>, vector<2x256xf32>
    tpu.vector_store %arg7[%swap3A_152, %swap3A_153], %add3A_151 {strides = array<i32>} : memref<2x256xf32, #tpu.memory_space<vmem>>, vector<2x256xf32>,
    return
  }
  func.func @transform_0(%arg0: i32) -> (i32, i32) {
    %c0_i32 = arith.constant 0 : i32
    %c0_i32_0 = arith.constant 0 : i32
    return %arg0, %c0_i32 : i32, i32
  }
  func.func @transform_1(%arg0: i32) -> (i32, i32) {
    %c0_i32 = arith.constant 0 : i32
    %c0_i32_0 = arith.constant 0 : i32
    return %arg0, %c0_i32 : i32, i32
  }
  func.func @transform_2(%arg0: i32) -> (i32, i32) {
    %add3A = arith.constant 20 : i32
    %add3A_0 = arith.addi %arg0, %add3A : i32
    %c0_i32 = arith.constant 0 : i32
    %c0_i32_1 = arith.constant 0 : i32
    return %add3A_0, %c0_i32 : i32, i32
  }
  func.func @transform_3(%arg0: i32) -> (i32, i32) {
    %add3A = arith.constant 40 : i32
    %add3A_0 = arith.addi %arg0, %add3A : i32
    %c0_i32 = arith.constant 0 : i32
    %c0_i32_1 = arith.constant 0 : i32
    return %add3A_0, %c0_i32 : i32, i32
  }
  func.func @transform_4(%arg0: i32) -> (i32, i32) {
    %c0_i32 = arith.constant 0 : i32
    %c0_i32_0 = arith.constant 0 : i32
    %c0_i32_1 = arith.constant 0 : i32
    return %c0_i32, %c0_i32_0 : i32, i32
  }
  func.func @transform_5(%arg0: i32) -> (i32, i32) {
    %c0_i32 = arith.constant 0 : i32
    %c0_i32_0 = arith.constant 0 : i32
    return %arg0, %c0_i32 : i32, i32
  }
  func.func @transform_6(%arg0: i32) -> (i32, i32) {
    %c0_i32 = arith.constant 0 : i32
    %c0_i32_0 = arith.constant 0 : i32
    %c0_i32_1 = arith.constant 0 : i32
    return %c0_i32, %c0_i32_0 : i32, i32
  }
}

module attributes {stable_mosaic.version = 14 : i64} {
  func.func @_mesh_packed_body(%arg0: i32, %arg1: memref<2000x128xi32, #tpu.memory_space<vmem>>, %arg2: memref<2000x128xi32, #tpu.memory_space<vmem>>, %arg3: memref<2000x128xi32, #tpu.memory_space<vmem>>, %arg4: memref<2000x128xi32, #tpu.memory_space<vmem>>, %arg5: memref<1024x512xf32, #tpu.memory_space<vmem>>, %arg6: memref<2000x512xf32, #tpu.memory_space<vmem>>, %arg7: memref<2x512xf32, #tpu.memory_space<vmem>>) attributes {dimension_semantics = [#tpu.dimension_semantics<arbitrary>], iteration_bounds = array<i64: 20>, scalar_prefetch = 0 : i64, scratch_operands = 0 : i64, tpu.core_type = #tpu.core_type<tc>, window_params = [{transform_indices = @transform_0, window_bounds = array<i64: 2000, 128>}, {transform_indices = @transform_1, window_bounds = array<i64: 2000, 128>}, {transform_indices = @transform_2, window_bounds = array<i64: 2000, 128>}, {transform_indices = @transform_3, window_bounds = array<i64: 2000, 128>}, {pipeline_mode = #tpu.pipeline_mode<synchronous>, transform_indices = @transform_4, window_bounds = array<i64: 1024, 512>}, {transform_indices = @transform_5, window_bounds = array<i64: 2000, 512>}, {pipeline_mode = #tpu.pipeline_mode<synchronous>, transform_indices = @transform_6, window_bounds = array<i64: 2, 512>}]} {
    %get3A = arith.constant 0 : index
    %get3A_0 = arith.constant 0 : index
    %get3A_1 = vector.load %arg1[%get3A, %get3A_0] : memref<2000x128xi32, #tpu.memory_space<vmem>>, vector<2000x128xi32>
    %and3A = arith.constant 65535 : i32
    %and3A_2 = vector.broadcast %and3A : i32 to vector<2000x128xi32>
    %and3A_3 = arith.andi %get3A_1, %and3A_2 : vector<2000x128xi32>
    %shift_left3A = arith.constant 13 : i32
    %shift_left3A_4 = vector.broadcast %shift_left3A : i32 to vector<2000x128xi32>
    %shift_left3A_5 = arith.shli %and3A_3, %shift_left3A_4 : vector<2000x128xi32>
    %add3A = arith.constant 939524096 : i32
    %add3A_6 = vector.broadcast %add3A : i32 to vector<2000x128xi32>
    %add3A_7 = arith.addi %shift_left3A_5, %add3A_6 : vector<2000x128xi32>
    %bitcast_convert_type3A = tpu.bitcast %add3A_7 : vector<2000x128xi32> -> vector<2000x128xf32>
    %eq3A = arith.constant 0 : i32
    %eq3A_8 = vector.broadcast %eq3A : i32 to vector<2000x128xi32>
    %eq3A_9 = arith.cmpi eq, %and3A_3, %eq3A_8 : vector<2000x128xi32>
    %jit3A = arith.constant 0.000000e+00 : f32
    %broadcast_in_dim3A = vector.broadcast %jit3A : f32 to vector<2000x128xf32>
    %select_n3A = arith.select %eq3A_9, %broadcast_in_dim3A, %bitcast_convert_type3A : vector<2000x128xi1>, vector<2000x128xf32>
    %shift_right_arithmetic3A = arith.constant 16 : i32
    %shift_right_arithmetic3A_10 = vector.broadcast %shift_right_arithmetic3A : i32 to vector<2000x128xi32>
    %shift_right_arithmetic3A_11 = arith.shrsi %get3A_1, %shift_right_arithmetic3A_10 : vector<2000x128xi32>
    %shift_left3A_12 = arith.constant 13 : i32
    %shift_left3A_13 = vector.broadcast %shift_left3A_12 : i32 to vector<2000x128xi32>
    %shift_left3A_14 = arith.shli %shift_right_arithmetic3A_11, %shift_left3A_13 : vector<2000x128xi32>
    %add3A_15 = arith.constant 939524096 : i32
    %add3A_16 = vector.broadcast %add3A_15 : i32 to vector<2000x128xi32>
    %add3A_17 = arith.addi %shift_left3A_14, %add3A_16 : vector<2000x128xi32>
    %bitcast_convert_type3A_18 = tpu.bitcast %add3A_17 : vector<2000x128xi32> -> vector<2000x128xf32>
    %eq3A_19 = arith.constant 0 : i32
    %eq3A_20 = vector.broadcast %eq3A_19 : i32 to vector<2000x128xi32>
    %eq3A_21 = arith.cmpi eq, %shift_right_arithmetic3A_11, %eq3A_20 : vector<2000x128xi32>
    %jit3A_22 = arith.constant 0.000000e+00 : f32
    %broadcast_in_dim3A_23 = vector.broadcast %jit3A_22 : f32 to vector<2000x128xf32>
    %select_n3A_24 = arith.select %eq3A_21, %broadcast_in_dim3A_23, %bitcast_convert_type3A_18 : vector<2000x128xi1>, vector<2000x128xf32>
    %concatenate3A = tpu.concatenate %select_n3A, %select_n3A_24 in 1 : vector<2000x128xf32>, vector<2000x128xf32> -> vector<2000x256xf32>
    %get3A_25 = arith.constant 0 : index
    %get3A_26 = arith.constant 0 : index
    %get3A_27 = vector.load %arg2[%get3A_25, %get3A_26] : memref<2000x128xi32, #tpu.memory_space<vmem>>, vector<2000x128xi32>
    %and3A_28 = arith.constant 65535 : i32
    %and3A_29 = vector.broadcast %and3A_28 : i32 to vector<2000x128xi32>
    %and3A_30 = arith.andi %get3A_27, %and3A_29 : vector<2000x128xi32>
    %shift_left3A_31 = arith.constant 13 : i32
    %shift_left3A_32 = vector.broadcast %shift_left3A_31 : i32 to vector<2000x128xi32>
    %shift_left3A_33 = arith.shli %and3A_30, %shift_left3A_32 : vector<2000x128xi32>
    %add3A_34 = arith.constant 939524096 : i32
    %add3A_35 = vector.broadcast %add3A_34 : i32 to vector<2000x128xi32>
    %add3A_36 = arith.addi %shift_left3A_33, %add3A_35 : vector<2000x128xi32>
    %bitcast_convert_type3A_37 = tpu.bitcast %add3A_36 : vector<2000x128xi32> -> vector<2000x128xf32>
    %eq3A_38 = arith.constant 0 : i32
    %eq3A_39 = vector.broadcast %eq3A_38 : i32 to vector<2000x128xi32>
    %eq3A_40 = arith.cmpi eq, %and3A_30, %eq3A_39 : vector<2000x128xi32>
    %jit3A_41 = arith.constant 0.000000e+00 : f32
    %broadcast_in_dim3A_42 = vector.broadcast %jit3A_41 : f32 to vector<2000x128xf32>
    %select_n3A_43 = arith.select %eq3A_40, %broadcast_in_dim3A_42, %bitcast_convert_type3A_37 : vector<2000x128xi1>, vector<2000x128xf32>
    %shift_right_arithmetic3A_44 = arith.constant 16 : i32
    %shift_right_arithmetic3A_45 = vector.broadcast %shift_right_arithmetic3A_44 : i32 to vector<2000x128xi32>
    %shift_right_arithmetic3A_46 = arith.shrsi %get3A_27, %shift_right_arithmetic3A_45 : vector<2000x128xi32>
    %shift_left3A_47 = arith.constant 13 : i32
    %shift_left3A_48 = vector.broadcast %shift_left3A_47 : i32 to vector<2000x128xi32>
    %shift_left3A_49 = arith.shli %shift_right_arithmetic3A_46, %shift_left3A_48 : vector<2000x128xi32>
    %add3A_50 = arith.constant 939524096 : i32
    %add3A_51 = vector.broadcast %add3A_50 : i32 to vector<2000x128xi32>
    %add3A_52 = arith.addi %shift_left3A_49, %add3A_51 : vector<2000x128xi32>
    %bitcast_convert_type3A_53 = tpu.bitcast %add3A_52 : vector<2000x128xi32> -> vector<2000x128xf32>
    %eq3A_54 = arith.constant 0 : i32
    %eq3A_55 = vector.broadcast %eq3A_54 : i32 to vector<2000x128xi32>
    %eq3A_56 = arith.cmpi eq, %shift_right_arithmetic3A_46, %eq3A_55 : vector<2000x128xi32>
    %jit3A_57 = arith.constant 0.000000e+00 : f32
    %broadcast_in_dim3A_58 = vector.broadcast %jit3A_57 : f32 to vector<2000x128xf32>
    %select_n3A_59 = arith.select %eq3A_56, %broadcast_in_dim3A_58, %bitcast_convert_type3A_53 : vector<2000x128xi1>, vector<2000x128xf32>
    %concatenate3A_60 = tpu.concatenate %select_n3A_43, %select_n3A_59 in 1 : vector<2000x128xf32>, vector<2000x128xf32> -> vector<2000x256xf32>
    %get3A_61 = arith.constant 0 : index
    %get3A_62 = arith.constant 0 : index
    %get3A_63 = vector.load %arg3[%get3A_61, %get3A_62] : memref<2000x128xi32, #tpu.memory_space<vmem>>, vector<2000x128xi32>
    %and3A_64 = arith.constant 65535 : i32
    %and3A_65 = vector.broadcast %and3A_64 : i32 to vector<2000x128xi32>
    %and3A_66 = arith.andi %get3A_63, %and3A_65 : vector<2000x128xi32>
    %shift_left3A_67 = arith.constant 13 : i32
    %shift_left3A_68 = vector.broadcast %shift_left3A_67 : i32 to vector<2000x128xi32>
    %shift_left3A_69 = arith.shli %and3A_66, %shift_left3A_68 : vector<2000x128xi32>
    %add3A_70 = arith.constant 939524096 : i32
    %add3A_71 = vector.broadcast %add3A_70 : i32 to vector<2000x128xi32>
    %add3A_72 = arith.addi %shift_left3A_69, %add3A_71 : vector<2000x128xi32>
    %bitcast_convert_type3A_73 = tpu.bitcast %add3A_72 : vector<2000x128xi32> -> vector<2000x128xf32>
    %eq3A_74 = arith.constant 0 : i32
    %eq3A_75 = vector.broadcast %eq3A_74 : i32 to vector<2000x128xi32>
    %eq3A_76 = arith.cmpi eq, %and3A_66, %eq3A_75 : vector<2000x128xi32>
    %jit3A_77 = arith.constant 0.000000e+00 : f32
    %broadcast_in_dim3A_78 = vector.broadcast %jit3A_77 : f32 to vector<2000x128xf32>
    %select_n3A_79 = arith.select %eq3A_76, %broadcast_in_dim3A_78, %bitcast_convert_type3A_73 : vector<2000x128xi1>, vector<2000x128xf32>
    %shift_right_arithmetic3A_80 = arith.constant 16 : i32
    %shift_right_arithmetic3A_81 = vector.broadcast %shift_right_arithmetic3A_80 : i32 to vector<2000x128xi32>
    %shift_right_arithmetic3A_82 = arith.shrsi %get3A_63, %shift_right_arithmetic3A_81 : vector<2000x128xi32>
    %shift_left3A_83 = arith.constant 13 : i32
    %shift_left3A_84 = vector.broadcast %shift_left3A_83 : i32 to vector<2000x128xi32>
    %shift_left3A_85 = arith.shli %shift_right_arithmetic3A_82, %shift_left3A_84 : vector<2000x128xi32>
    %add3A_86 = arith.constant 939524096 : i32
    %add3A_87 = vector.broadcast %add3A_86 : i32 to vector<2000x128xi32>
    %add3A_88 = arith.addi %shift_left3A_85, %add3A_87 : vector<2000x128xi32>
    %bitcast_convert_type3A_89 = tpu.bitcast %add3A_88 : vector<2000x128xi32> -> vector<2000x128xf32>
    %eq3A_90 = arith.constant 0 : i32
    %eq3A_91 = vector.broadcast %eq3A_90 : i32 to vector<2000x128xi32>
    %eq3A_92 = arith.cmpi eq, %shift_right_arithmetic3A_82, %eq3A_91 : vector<2000x128xi32>
    %jit3A_93 = arith.constant 0.000000e+00 : f32
    %broadcast_in_dim3A_94 = vector.broadcast %jit3A_93 : f32 to vector<2000x128xf32>
    %select_n3A_95 = arith.select %eq3A_92, %broadcast_in_dim3A_94, %bitcast_convert_type3A_89 : vector<2000x128xi1>, vector<2000x128xf32>
    %concatenate3A_96 = tpu.concatenate %select_n3A_79, %select_n3A_95 in 1 : vector<2000x128xf32>, vector<2000x128xf32> -> vector<2000x256xf32>
    %get3A_97 = arith.constant 0 : index
    %get3A_98 = arith.constant 0 : index
    %get3A_99 = vector.load %arg4[%get3A_97, %get3A_98] : memref<2000x128xi32, #tpu.memory_space<vmem>>, vector<2000x128xi32>
    %and3A_100 = arith.constant 65535 : i32
    %and3A_101 = vector.broadcast %and3A_100 : i32 to vector<2000x128xi32>
    %and3A_102 = arith.andi %get3A_99, %and3A_101 : vector<2000x128xi32>
    %shift_left3A_103 = arith.constant 13 : i32
    %shift_left3A_104 = vector.broadcast %shift_left3A_103 : i32 to vector<2000x128xi32>
    %shift_left3A_105 = arith.shli %and3A_102, %shift_left3A_104 : vector<2000x128xi32>
    %add3A_106 = arith.constant 939524096 : i32
    %add3A_107 = vector.broadcast %add3A_106 : i32 to vector<2000x128xi32>
    %add3A_108 = arith.addi %shift_left3A_105, %add3A_107 : vector<2000x128xi32>
    %bitcast_convert_type3A_109 = tpu.bitcast %add3A_108 : vector<2000x128xi32> -> vector<2000x128xf32>
    %eq3A_110 = arith.constant 0 : i32
    %eq3A_111 = vector.broadcast %eq3A_110 : i32 to vector<2000x128xi32>
    %eq3A_112 = arith.cmpi eq, %and3A_102, %eq3A_111 : vector<2000x128xi32>
    %jit3A_113 = arith.constant 0.000000e+00 : f32
    %broadcast_in_dim3A_114 = vector.broadcast %jit3A_113 : f32 to vector<2000x128xf32>
    %select_n3A_115 = arith.select %eq3A_112, %broadcast_in_dim3A_114, %bitcast_convert_type3A_109 : vector<2000x128xi1>, vector<2000x128xf32>
    %shift_right_arithmetic3A_116 = arith.constant 16 : i32
    %shift_right_arithmetic3A_117 = vector.broadcast %shift_right_arithmetic3A_116 : i32 to vector<2000x128xi32>
    %shift_right_arithmetic3A_118 = arith.shrsi %get3A_99, %shift_right_arithmetic3A_117 : vector<2000x128xi32>
    %shift_left3A_119 = arith.constant 13 : i32
    %shift_left3A_120 = vector.broadcast %shift_left3A_119 : i32 to vector<2000x128xi32>
    %shift_left3A_121 = arith.shli %shift_right_arithmetic3A_118, %shift_left3A_120 : vector<2000x128xi32>
    %add3A_122 = arith.constant 939524096 : i32
    %add3A_123 = vector.broadcast %add3A_122 : i32 to vector<2000x128xi32>
    %add3A_124 = arith.addi %shift_left3A_121, %add3A_123 : vector<2000x128xi32>
    %bitcast_convert_type3A_125 = tpu.bitcast %add3A_124 : vector<2000x128xi32> -> vector<2000x128xf32>
    %eq3A_126 = arith.constant 0 : i32
    %eq3A_127 = vector.broadcast %eq3A_126 : i32 to vector<2000x128xi32>
    %eq3A_128 = arith.cmpi eq, %shift_right_arithmetic3A_118, %eq3A_127 : vector<2000x128xi32>
    %jit3A_129 = arith.constant 0.000000e+00 : f32
    %broadcast_in_dim3A_130 = vector.broadcast %jit3A_129 : f32 to vector<2000x128xf32>
    %select_n3A_131 = arith.select %eq3A_128, %broadcast_in_dim3A_130, %bitcast_convert_type3A_125 : vector<2000x128xi1>, vector<2000x128xf32>
    %concatenate3A_132 = tpu.concatenate %select_n3A_115, %select_n3A_131 in 1 : vector<2000x128xf32>, vector<2000x128xf32> -> vector<2000x256xf32>
    %concatenate3A_133 = tpu.concatenate %concatenate3A, %concatenate3A_60, %concatenate3A_96, %concatenate3A_132 in 1 : vector<2000x256xf32>, vector<2000x256xf32>, vector<2000x256xf32>, vector<2000x256xf32> -> vector<2000x1024xf32>
    %get3A_134 = arith.constant 0 : index
    %get3A_135 = arith.constant 0 : index
    %get3A_136 = vector.load %arg5[%get3A_134, %get3A_135] : memref<1024x512xf32, #tpu.memory_space<vmem>>, vector<1024x512xf32>
    %dot_general3A = arith.constant dense<0.000000e+00> : vector<2000x512xf32>
    %dot_general3A_137 = tpu.matmul %concatenate3A_133, %get3A_136, %dot_general3A {dimension_numbers = #tpu.dot_dimension_numbers<[1], [0], [0], [1], [0, 0, 1, 1], [], []>, transpose_lhs_hint = false} : vector<2000x1024xf32>, vector<1024x512xf32>, vector<2000x512xf32> -> vector<2000x512xf32>
    %swap3A = arith.constant 0 : index
    %swap3A_138 = arith.constant 0 : index
    %swap3A_139 = vector.load %arg6[%swap3A, %swap3A_138] : memref<2000x512xf32, #tpu.memory_space<vmem>>, vector<2000x512xf32>
    tpu.vector_store %arg6[%swap3A, %swap3A_138], %dot_general3A_137 {strides = array<i32>} : memref<2000x512xf32, #tpu.memory_space<vmem>>, vector<2000x512xf32>,
    %eq3A_140 = arith.constant 0 : i32
    %eq3A_141 = arith.cmpi eq, %arg0, %eq3A_140 : i32
    %convert_element_type3A = arith.extui %eq3A_141 : i1 to i32
    %cond3A = arith.constant 0 : i32
    %cond3A_142 = arith.cmpi ne, %convert_element_type3A, %cond3A : i32
    scf.if %cond3A_142 {
      %broadcast_in_dim3A_155 = arith.constant 0.000000e+00 : f32
      %broadcast_in_dim3A_156 = vector.broadcast %broadcast_in_dim3A_155 : f32 to vector<2x512xf32>
      %swap3A_157 = arith.constant 0 : index
      %swap3A_158 = arith.constant 0 : index
      %swap3A_159 = vector.load %arg7[%swap3A_157, %swap3A_158] : memref<2x512xf32, #tpu.memory_space<vmem>>, vector<2x512xf32>
      tpu.vector_store %arg7[%swap3A_157, %swap3A_158], %broadcast_in_dim3A_156 {strides = array<i32>} : memref<2x512xf32, #tpu.memory_space<vmem>>, vector<2x512xf32>,
    } else {
    }
    %get3A_143 = arith.constant 0 : index
    %get3A_144 = arith.constant 0 : index
    %get3A_145 = vector.load %arg7[%get3A_143, %get3A_144] : memref<2x512xf32, #tpu.memory_space<vmem>>, vector<2x512xf32>
    %reduce_sum3A = arith.constant dense<0.000000e+00> : vector<512xf32>
    %reduce_sum3A_146 = vector.multi_reduction <add>, %dot_general3A_137, %reduce_sum3A [0] : vector<2000x512xf32> to vector<512xf32>
    %mul3A = arith.mulf %dot_general3A_137, %dot_general3A_137 : vector<2000x512xf32>
    %reduce_sum3A_147 = arith.constant dense<0.000000e+00> : vector<512xf32>
    %reduce_sum3A_148 = vector.multi_reduction <add>, %mul3A, %reduce_sum3A_147 [0] : vector<2000x512xf32> to vector<512xf32>
    %stack3A = vector.shape_cast %reduce_sum3A_146 : vector<512xf32> to vector<1x512xf32>
    %stack3A_149 = vector.shape_cast %reduce_sum3A_148 : vector<512xf32> to vector<1x512xf32>
    %stack3A_150 = tpu.concatenate %stack3A, %stack3A_149 in 0 : vector<1x512xf32>, vector<1x512xf32> -> vector<2x512xf32>
    %add3A_151 = arith.addf %get3A_145, %stack3A_150 : vector<2x512xf32>
    %swap3A_152 = arith.constant 0 : index
    %swap3A_153 = arith.constant 0 : index
    %swap3A_154 = vector.load %arg7[%swap3A_152, %swap3A_153] : memref<2x512xf32, #tpu.memory_space<vmem>>, vector<2x512xf32>
    tpu.vector_store %arg7[%swap3A_152, %swap3A_153], %add3A_151 {strides = array<i32>} : memref<2x512xf32, #tpu.memory_space<vmem>>, vector<2x512xf32>,
    return
  }
  func.func @transform_0(%arg0: i32) -> (i32, i32) {
    %c0_i32 = arith.constant 0 : i32
    %c0_i32_0 = arith.constant 0 : i32
    return %arg0, %c0_i32 : i32, i32
  }
  func.func @transform_1(%arg0: i32) -> (i32, i32) {
    %c0_i32 = arith.constant 0 : i32
    %c0_i32_0 = arith.constant 0 : i32
    return %arg0, %c0_i32 : i32, i32
  }
  func.func @transform_2(%arg0: i32) -> (i32, i32) {
    %add3A = arith.constant 20 : i32
    %add3A_0 = arith.addi %arg0, %add3A : i32
    %c0_i32 = arith.constant 0 : i32
    %c0_i32_1 = arith.constant 0 : i32
    return %add3A_0, %c0_i32 : i32, i32
  }
  func.func @transform_3(%arg0: i32) -> (i32, i32) {
    %add3A = arith.constant 40 : i32
    %add3A_0 = arith.addi %arg0, %add3A : i32
    %c0_i32 = arith.constant 0 : i32
    %c0_i32_1 = arith.constant 0 : i32
    return %add3A_0, %c0_i32 : i32, i32
  }
  func.func @transform_4(%arg0: i32) -> (i32, i32) {
    %c0_i32 = arith.constant 0 : i32
    %c0_i32_0 = arith.constant 0 : i32
    %c0_i32_1 = arith.constant 0 : i32
    return %c0_i32, %c0_i32_0 : i32, i32
  }
  func.func @transform_5(%arg0: i32) -> (i32, i32) {
    %c0_i32 = arith.constant 0 : i32
    %c0_i32_0 = arith.constant 0 : i32
    return %arg0, %c0_i32 : i32, i32
  }
  func.func @transform_6(%arg0: i32) -> (i32, i32) {
    %c0_i32 = arith.constant 0 : i32
    %c0_i32_0 = arith.constant 0 : i32
    %c0_i32_1 = arith.constant 0 : i32
    return %c0_i32, %c0_i32_0 : i32, i32
  }
}

module attributes {stable_mosaic.version = 14 : i64} {
  func.func @_head_body(%arg0: i32, %arg1: memref<2000x512xf32, #tpu.memory_space<vmem>>, %arg2: memref<2x512xf32, #tpu.memory_space<vmem>>, %arg3: memref<512x9xf32, #tpu.memory_space<vmem>>, %arg4: memref<2x9xf32, #tpu.memory_space<vmem>>, %arg5: memref<2x9xf32, #tpu.memory_space<vmem>>, %arg6: memref<1x9xf32, #tpu.memory_space<vmem>>) attributes {dimension_semantics = [#tpu.dimension_semantics<arbitrary>], iteration_bounds = array<i64: 20>, scalar_prefetch = 0 : i64, scratch_operands = 2 : i64, tpu.core_type = #tpu.core_type<tc>, window_params = [{transform_indices = @transform_0, window_bounds = array<i64: 2000, 512>}, {pipeline_mode = #tpu.pipeline_mode<synchronous>, transform_indices = @transform_1, window_bounds = array<i64: 2, 512>}, {pipeline_mode = #tpu.pipeline_mode<synchronous>, transform_indices = @transform_2, window_bounds = array<i64: 512, 9>}, {pipeline_mode = #tpu.pipeline_mode<synchronous>, transform_indices = @transform_3, window_bounds = array<i64: 2, 9>}]} {
    %get3A = arith.constant 0 : index
    %get3A_0 = arith.constant 0 : index
    %get3A_1 = vector.load %arg2[%get3A, %get3A_0] : memref<2x512xf32, #tpu.memory_space<vmem>>, vector<2x512xf32>
    %slice3A = vector.extract_strided_slice %get3A_1 {offsets = [0, 0], sizes = [1, 512], strides = [1, 1]} : vector<2x512xf32> to vector<1x512xf32>
    %squeeze3A = vector.shape_cast %slice3A : vector<1x512xf32> to vector<512xf32>
    %mul3A = arith.constant 2.500000e-05 : f32
    %mul3A_2 = vector.broadcast %mul3A : f32 to vector<512xf32>
    %mul3A_3 = arith.mulf %squeeze3A, %mul3A_2 : vector<512xf32>
    %slice3A_4 = vector.extract_strided_slice %get3A_1 {offsets = [1, 0], sizes = [1, 512], strides = [1, 1]} : vector<2x512xf32> to vector<1x512xf32>
    %squeeze3A_5 = vector.shape_cast %slice3A_4 : vector<1x512xf32> to vector<512xf32>
    %mul3A_6 = arith.constant 2.500000e-05 : f32
    %mul3A_7 = vector.broadcast %mul3A_6 : f32 to vector<512xf32>
    %mul3A_8 = arith.mulf %squeeze3A_5, %mul3A_7 : vector<512xf32>
    %mul3A_9 = arith.mulf %mul3A_3, %mul3A_3 : vector<512xf32>
    %sub3A = arith.subf %mul3A_8, %mul3A_9 : vector<512xf32>
    %add3A = arith.constant 9.99999974E-6 : f32
    %add3A_10 = vector.broadcast %add3A : f32 to vector<512xf32>
    %add3A_11 = arith.addf %sub3A, %add3A_10 : vector<512xf32>
    %rsqrt3A = math.rsqrt %add3A_11 : vector<512xf32>
    %get3A_12 = arith.constant 0 : index
    %get3A_13 = arith.constant 0 : index
    %get3A_14 = vector.load %arg1[%get3A_12, %get3A_13] : memref<2000x512xf32, #tpu.memory_space<vmem>>, vector<2000x512xf32>
    %broadcast_in_dim3A = vector.shape_cast %mul3A_3 : vector<512xf32> to vector<1x512xf32>
    %sub3A_15 = vector.broadcast %broadcast_in_dim3A : vector<1x512xf32> to vector<2000x512xf32>
    %sub3A_16 = arith.subf %get3A_14, %sub3A_15 : vector<2000x512xf32>
    %broadcast_in_dim3A_17 = vector.shape_cast %rsqrt3A : vector<512xf32> to vector<1x512xf32>
    %mul3A_18 = vector.broadcast %broadcast_in_dim3A_17 : vector<1x512xf32> to vector<2000x512xf32>
    %mul3A_19 = arith.mulf %sub3A_16, %mul3A_18 : vector<2000x512xf32>
    %max3A = arith.constant 0.000000e+00 : f32
    %max3A_20 = vector.broadcast %max3A : f32 to vector<2000x512xf32>
    %max3A_21 = arith.maximumf %mul3A_19, %max3A_20 : vector<2000x512xf32>
    %get3A_22 = arith.constant 0 : index
    %get3A_23 = arith.constant 0 : index
    %get3A_24 = vector.load %arg3[%get3A_22, %get3A_23] : memref<512x9xf32, #tpu.memory_space<vmem>>, vector<512x9xf32>
    %dot_general3A = arith.constant dense<0.000000e+00> : vector<2000x9xf32>
    %dot_general3A_25 = tpu.matmul %max3A_21, %get3A_24, %dot_general3A {dimension_numbers = #tpu.dot_dimension_numbers<[1], [0], [0], [1], [0, 0, 1, 1], [], []>, transpose_lhs_hint = false} : vector<2000x512xf32>, vector<512x9xf32>, vector<2000x9xf32> -> vector<2000x9xf32>
    %eq3A = arith.constant 0 : i32
    %eq3A_26 = arith.cmpi eq, %arg0, %eq3A : i32
    %convert_element_type3A = arith.extui %eq3A_26 : i1 to i32
    %cond3A = arith.constant 0 : i32
    %cond3A_27 = arith.cmpi ne, %convert_element_type3A, %cond3A : i32
    scf.if %cond3A_27 {
      %broadcast_in_dim3A_76 = arith.constant 0.000000e+00 : f32
      %broadcast_in_dim3A_77 = vector.broadcast %broadcast_in_dim3A_76 : f32 to vector<2x9xf32>
      %swap3A_78 = arith.constant 0 : index
      %swap3A_79 = arith.constant 0 : index
      %swap3A_80 = vector.load %arg5[%swap3A_78, %swap3A_79] : memref<2x9xf32, #tpu.memory_space<vmem>>, vector<2x9xf32>
      tpu.vector_store %arg5[%swap3A_78, %swap3A_79], %broadcast_in_dim3A_77 {strides = array<i32>} : memref<2x9xf32, #tpu.memory_space<vmem>>, vector<2x9xf32>,
      %broadcast_in_dim3A_81 = arith.constant 0.000000e+00 : f32
      %broadcast_in_dim3A_82 = vector.broadcast %broadcast_in_dim3A_81 : f32 to vector<1x9xf32>
      %swap3A_83 = arith.constant 0 : index
      %swap3A_84 = arith.constant 0 : index
      %swap3A_85 = vector.load %arg6[%swap3A_83, %swap3A_84] : memref<1x9xf32, #tpu.memory_space<vmem>>, vector<1x9xf32>
      tpu.vector_store %arg6[%swap3A_83, %swap3A_84], %broadcast_in_dim3A_82 {strides = array<i32>} : memref<1x9xf32, #tpu.memory_space<vmem>>, vector<1x9xf32>,
    } else {
    }
    %jit3A = arith.constant 10 : i32
    %div3A = arith.divsi %arg0, %jit3A : i32
    %sign3A = arith.constant 0 : i32
    %sign3A_28 = arith.cmpi sgt, %arg0, %sign3A : i32
    %sign3A_29 = arith.extui %sign3A_28 : i1 to i32
    %sign3A_30 = arith.constant 0 : i32
    %sign3A_31 = arith.cmpi slt, %arg0, %sign3A_30 : i32
    %sign3A_32 = arith.extui %sign3A_31 : i1 to i32
    %sign3A_33 = arith.subi %sign3A_29, %sign3A_32 : i32
    %sign3A_34 = arith.constant 0 : i32
    %sign3A_35 = arith.cmpi sgt, %jit3A, %sign3A_34 : i32
    %sign3A_36 = arith.extui %sign3A_35 : i1 to i32
    %sign3A_37 = arith.constant 0 : i32
    %sign3A_38 = arith.cmpi slt, %jit3A, %sign3A_37 : i32
    %sign3A_39 = arith.extui %sign3A_38 : i1 to i32
    %sign3A_40 = arith.subi %sign3A_36, %sign3A_39 : i32
    %ne3A = arith.cmpi ne, %sign3A_33, %sign3A_40 : i32
    %rem3A = arith.remsi %arg0, %jit3A : i32
    %ne3A_41 = arith.constant 0 : i32
    %ne3A_42 = arith.cmpi ne, %rem3A, %ne3A_41 : i32
    %and3A = arith.andi %ne3A, %ne3A_42 : i1
    %sub3A_43 = arith.constant 1 : i32
    %sub3A_44 = arith.subi %div3A, %sub3A_43 : i32
    %select_n3A = arith.select %and3A, %sub3A_44, %div3A : i32
    %iota3A = tpu.iota {dimensions = array<i32: 0>} : vector<2x9xi32>
    %get3A_45 = arith.constant 0 : index
    %get3A_46 = arith.constant 0 : index
    %get3A_47 = vector.load %arg5[%get3A_45, %get3A_46] : memref<2x9xf32, #tpu.memory_space<vmem>>, vector<2x9xf32>
    %eq3A_48 = vector.broadcast %select_n3A : i32 to vector<2x9xi32>
    %eq3A_49 = arith.cmpi eq, %iota3A, %eq3A_48 : vector<2x9xi32>
    %reduce_sum3A = arith.constant dense<0.000000e+00> : vector<9xf32>
    %reduce_sum3A_50 = vector.multi_reduction <add>, %dot_general3A_25, %reduce_sum3A [0] : vector<2000x9xf32> to vector<9xf32>
    %broadcast_in_dim3A_51 = vector.shape_cast %reduce_sum3A_50 : vector<9xf32> to vector<1x9xf32>
    %jit3A_52 = arith.constant 0.000000e+00 : f32
    %broadcast_in_dim3A_53 = vector.shape_cast %broadcast_in_dim3A_51 : vector<1x9xf32> to vector<1x9xf32>
    %broadcast_in_dim3A_54 = vector.broadcast %broadcast_in_dim3A_53 : vector<1x9xf32> to vector<2x9xf32>
    %broadcast_in_dim3A_55 = vector.broadcast %jit3A_52 : f32 to vector<2x9xf32>
    %select_n3A_56 = arith.select %eq3A_49, %broadcast_in_dim3A_54, %broadcast_in_dim3A_55 : vector<2x9xi1>, vector<2x9xf32>
    %add3A_57 = arith.addf %get3A_47, %select_n3A_56 : vector<2x9xf32>
    %swap3A = arith.constant 0 : index
    %swap3A_58 = arith.constant 0 : index
    %swap3A_59 = vector.load %arg5[%swap3A, %swap3A_58] : memref<2x9xf32, #tpu.memory_space<vmem>>, vector<2x9xf32>
    tpu.vector_store %arg5[%swap3A, %swap3A_58], %add3A_57 {strides = array<i32>} : memref<2x9xf32, #tpu.memory_space<vmem>>, vector<2x9xf32>,
    %get3A_60 = arith.constant 0 : index
    %get3A_61 = arith.constant 0 : index
    %get3A_62 = vector.load %arg6[%get3A_60, %get3A_61] : memref<1x9xf32, #tpu.memory_space<vmem>>, vector<1x9xf32>
    %mul3A_63 = arith.mulf %dot_general3A_25, %dot_general3A_25 : vector<2000x9xf32>
    %reduce_sum3A_64 = arith.constant dense<0.000000e+00> : vector<9xf32>
    %reduce_sum3A_65 = vector.multi_reduction <add>, %mul3A_63, %reduce_sum3A_64 [0] : vector<2000x9xf32> to vector<9xf32>
    %broadcast_in_dim3A_66 = vector.shape_cast %reduce_sum3A_65 : vector<9xf32> to vector<1x9xf32>
    %add3A_67 = arith.addf %get3A_62, %broadcast_in_dim3A_66 : vector<1x9xf32>
    %swap3A_68 = arith.constant 0 : index
    %swap3A_69 = arith.constant 0 : index
    %swap3A_70 = vector.load %arg6[%swap3A_68, %swap3A_69] : memref<1x9xf32, #tpu.memory_space<vmem>>, vector<1x9xf32>
    tpu.vector_store %arg6[%swap3A_68, %swap3A_69], %add3A_67 {strides = array<i32>} : memref<1x9xf32, #tpu.memory_space<vmem>>, vector<1x9xf32>,
    %eq3A_71 = arith.constant 19 : i32
    %eq3A_72 = arith.cmpi eq, %arg0, %eq3A_71 : i32
    %convert_element_type3A_73 = arith.extui %eq3A_72 : i1 to i32
    %cond3A_74 = arith.constant 0 : i32
    %cond3A_75 = arith.cmpi ne, %convert_element_type3A_73, %cond3A_74 : i32
    scf.if %cond3A_75 {
      %get3A_76 = arith.constant 0 : index
      %get3A_77 = arith.constant 0 : index
      %get3A_78 = vector.load %arg5[%get3A_76, %get3A_77] : memref<2x9xf32, #tpu.memory_space<vmem>>, vector<2x9xf32>
      %mul3A_79 = arith.constant 5.000000e-05 : f32
      %mul3A_80 = vector.broadcast %mul3A_79 : f32 to vector<2x9xf32>
      %mul3A_81 = arith.mulf %get3A_78, %mul3A_80 : vector<2x9xf32>
      %slice3A_82 = vector.extract_strided_slice %mul3A_81 {offsets = [0, 0], sizes = [1, 9], strides = [1, 1]} : vector<2x9xf32> to vector<1x9xf32>
      %squeeze3A_83 = vector.shape_cast %slice3A_82 : vector<1x9xf32> to vector<9xf32>
      %slice3A_84 = vector.extract_strided_slice %mul3A_81 {offsets = [1, 0], sizes = [1, 9], strides = [1, 1]} : vector<2x9xf32> to vector<1x9xf32>
      %squeeze3A_85 = vector.shape_cast %slice3A_84 : vector<1x9xf32> to vector<9xf32>
      %add3A_86 = arith.addf %squeeze3A_83, %squeeze3A_85 : vector<9xf32>
      %mul3A_87 = arith.constant 5.000000e-01 : f32
      %mul3A_88 = vector.broadcast %mul3A_87 : f32 to vector<9xf32>
      %mul3A_89 = arith.mulf %add3A_86, %mul3A_88 : vector<9xf32>
      %get3A_90 = arith.constant 0 : index
      %get3A_91 = arith.constant 0 : index
      %get3A_92 = vector.load %arg6[%get3A_90, %get3A_91] : memref<1x9xf32, #tpu.memory_space<vmem>>, vector<1x9xf32>
      %mul3A_93 = arith.constant 2.500000e-05 : f32
      %mul3A_94 = vector.broadcast %mul3A_93 : f32 to vector<1x9xf32>
      %mul3A_95 = arith.mulf %get3A_92, %mul3A_94 : vector<1x9xf32>
      %mul3A_96 = arith.mulf %mul3A_89, %mul3A_89 : vector<9xf32>
      %broadcast_in_dim3A_97 = vector.shape_cast %mul3A_96 : vector<9xf32> to vector<1x9xf32>
      %sub3A_98 = arith.subf %mul3A_95, %broadcast_in_dim3A_97 : vector<1x9xf32>
      %add3A_99 = arith.constant 9.99999974E-6 : f32
      %add3A_100 = vector.broadcast %add3A_99 : f32 to vector<1x9xf32>
      %add3A_101 = arith.addf %sub3A_98, %add3A_100 : vector<1x9xf32>
      %rsqrt3A_102 = math.rsqrt %add3A_101 : vector<1x9xf32>
      %broadcast_in_dim3A_103 = vector.shape_cast %mul3A_89 : vector<9xf32> to vector<1x9xf32>
      %sub3A_104 = vector.broadcast %broadcast_in_dim3A_103 : vector<1x9xf32> to vector<2x9xf32>
      %sub3A_105 = arith.subf %mul3A_81, %sub3A_104 : vector<2x9xf32>
      %mul3A_106 = vector.broadcast %rsqrt3A_102 : vector<1x9xf32> to vector<2x9xf32>
      %mul3A_107 = arith.mulf %sub3A_105, %mul3A_106 : vector<2x9xf32>
      %swap3A_108 = arith.constant 0 : index
      %swap3A_109 = arith.constant 0 : index
      %swap3A_110 = vector.load %arg4[%swap3A_108, %swap3A_109] : memref<2x9xf32, #tpu.memory_space<vmem>>, vector<2x9xf32>
      tpu.vector_store %arg4[%swap3A_108, %swap3A_109], %mul3A_107 {strides = array<i32>} : memref<2x9xf32, #tpu.memory_space<vmem>>, vector<2x9xf32>,
    } else {
    }
    return
  }
  func.func @transform_0(%arg0: i32) -> (i32, i32) {
    %c0_i32 = arith.constant 0 : i32
    %c0_i32_0 = arith.constant 0 : i32
    return %arg0, %c0_i32 : i32, i32
  }
  func.func @transform_1(%arg0: i32) -> (i32, i32) {
    %c0_i32 = arith.constant 0 : i32
    %c0_i32_0 = arith.constant 0 : i32
    %c0_i32_1 = arith.constant 0 : i32
    return %c0_i32, %c0_i32_0 : i32, i32
  }
  func.func @transform_2(%arg0: i32) -> (i32, i32) {
    %c0_i32 = arith.constant 0 : i32
    %c0_i32_0 = arith.constant 0 : i32
    %c0_i32_1 = arith.constant 0 : i32
    return %c0_i32, %c0_i32_0 : i32, i32
  }
  func.func @transform_3(%arg0: i32) -> (i32, i32) {
    %c0_i32 = arith.constant 0 : i32
    %c0_i32_0 = arith.constant 0 : i32
    %c0_i32_1 = arith.constant 0 : i32
    return %c0_i32, %c0_i32_0 : i32, i32
  }
}

</mosaic_0001>

<sc_bundles>
// kernel: kernel.15.cloned.1.call-start
scs
__scs_entry_jumppad:
0x0: {  	(pc) =	sbr.rel $0x88, $3  }
0x1: {  	(tag) =	ssettag $0x0;
	lr =	simm.s32 $0x1  }
0x2: {  	[smem:$0x3F95] =	sst lr;
	_ =	strace $0xD0000000  }
0x3: {  	_ = 	snop  }
0x4: {  	_ = 	snop  }
0x5: {  	_ = 	snop  }
0x6: {  	_ = 	snop  }
0x7: {  	_ = 	snop  }
__scs_overlays_trampoline_lowered:
0x8: {  	[smem:$0x3FA4] =	sst s0  }
0x9: {  	[smem:$0x3FA5] =	sst s1  }
0xa: {  	[smem:$0x3FA6] =	sst s2  }
0xb: {  	[smem:$0x3FA7] =	sst s3  }
0xc: {  	[smem:$0x3FA8] =	sst s4  }
0xd: {  	[smem:$0x3FA9] =	sst s5  }
0xe: {  	[smem:$0x3FAA] =	sst s6  }
0xf: {  	[smem:$0x3FAB] =	sst s7  }
0x10: {  	[smem:$0x3FAC] =	sst s8  }
0x11: {  	[smem:$0x3FAD] =	sst s9;
	s0 =	simm.s32 @!p0 $0x0  }
0x12: {  	s1 =	sld [smem:$0x3F93];
	s0 =	simm.s32 @p0 $0x1  }
0x13: {  	[smem:$0x3FAE] =	sst s0;
	s0 =	simm.s32 @!p1 $0x0  }
0x14: {  	s2 =	sld [smem:$0x3F92];
	s0 =	simm.s32 @p1 $0x1  }
0x15: {  	[smem:$0x3FAF] =	sst s0;
	s0 =	simm.s32 @!p2 $0x0  }
0x16: {  	s3 =	sld [smem:$0x3FDB];
	s0 =	simm.s32 @p2 $0x1  }
0x17: {  	s4 =	simm.s32 $0x1BF5;
	[smem:$0x3FB1] =	sst s0  }
0x18: {  	s0 =	sld [smem:$0x3F94];
	_ =	swait.ge [sflag:s4], $0x0  }
0x19: {  	s7 =	sld [smem:$0x3F95]  }
0x1a: {  	s8 =	sadd.s32 $0xFFFFE003, lr  }
0x1b: {  	s9 =	sadd.s32 $0xFFFFFEF7, lr;
	s5 =	simm.s32 $0xFFFFFFFF;
	p2 =	slt.u32 s8, $0xFFFFF086  }
0x1c: {  	p1 =	slt.u32 s9, $0xF7A;
	s5 =	simm.s32 @!p2 $0x0  }
0x1d: {  	s5 =	simm.s32 @p1 $0x1;
	p0 =	seq.s32 s7, s2  }
0x1e: {  	s7 =	smul.u32 @!p0 $0xF7A, s2;
	p2 =	seq.s32 @!p0 s5, $0x0  }
0x1f: {  	s9 =	smul.u32 $0xF7A, s1;
	s8 =	simm.s32 @!p0 $0x1BF5;
	p2 =	por !p2, p0  }
0x20: {  	[sflag:s8] =	ssyncset.s32 @!p0 $0xFFFFF086;
	s6 =	sadd.s32 @!p0 s3, s7;
	s7 =	simm.s32 @!p0 $0x108  }
0x21: {  	s3 =	sadd.s32 s3, s9;
	s6 =	sadd.s32 @!p0 $0x88, s6;
	s7 =	simm.s32 @p2 $0x1082  }
0x22: {  	[simem:s7], [sflag:s8] =	dma.local @!p0 [hbm:s6], $0xF7A  }
0x23: {  	s9 =	sor.u32 $0xD0000000, s2;
	s6 =	simm.s32 $0x108;
	_ =	swait.ge @!p0 [sflag:s8], $0x0  }
0x24: {  	s3 =	sadd.s32 $0x88, s3;
	s6 =	simm.s32 @!p1 $0x1082;
	[sflag:s4] =	ssyncset.s32 $0xFFFFF086  }
0x25: {  	[simem:s6], [sflag:s4] =	dma.local [hbm:s3], $0xF7A  }
0x26: {  	[smem:$0x3F95] =	sst s1;
	(tag) =	ssettag s2;
	_ =	strace s9  }
0x27: {  	s1 =	sld [smem:$0x3FA5]  }
0x28: {  	s2 =	sld [smem:$0x3FA6]  }
0x29: {  	s4 =	sld [smem:$0x3FA8]  }
0x2a: {  	p0 =	seq.s32 s5, $0x0;
	s5 =	sld [smem:$0x3FA9]  }
0x2b: {  	s6 =	sld [smem:$0x3FAA]  }
0x2c: {  	s7 =	sld [smem:$0x3FAB]  }
0x2d: {  	s3 =	simm.s32 $0x108;
	s8 =	sld [smem:$0x3FAC]  }
0x2e: {  	s3 =	simm.s32 @!p0 $0x1082;
	s9 =	sld [smem:$0x3FAD]  }
0x2f: {  	lr =	sadd.s32 s0, s3;
	s0 =	sld [smem:$0x3FA4]  }
0x30: {  	s3 =	sld [smem:$0x3FA7]  }
0x31: {  	[smem:$0x3FB0] =	sst s10  }
0x32: {  	s10 =	sld [smem:$0x3FAE];
	_ =	sdelay $0x3  }
0x33: {  	p0 =	seq.s32 s10, $0x1;
	s10 =	sld [smem:$0x3FB0];
	_ =	sdelay $0x3  }
0x34: {  	[smem:$0x3FB0] =	sst s10  }
0x35: {  	s10 =	sld [smem:$0x3FAF];
	_ =	sdelay $0x3  }
0x36: {  	p1 =	seq.s32 s10, $0x1;
	s10 =	sld [smem:$0x3FB0];
	_ =	sdelay $0x3  }
0x37: {  	[smem:$0x3FB0] =	sst s10  }
0x38: {  	s10 =	sld [smem:$0x3FB1]  }
0x39: {  	_ = 	snop;
	(pc) =	sbr.ind lr, $3  }
0x3a: {  	_ = 	snop  }
0x3b: {  	_ = 	snop  }
0x3c: {  	p2 =	seq.s32 s10, $0x1;
	s10 =	sld [smem:$0x3FB0]  }
0x3d: {  	_ =	shalt  }
0x3e: {  	_ =	shalt  }
0x3f: {  	_ =	shalt  }
0x40: {  	_ =	shalt  }
0x41: {  	_ =	shalt  }
0x42: {  	_ =	shalt  }
0x43: {  	_ =	shalt  }
0x44: {  	_ =	shalt  }
0x45: {  	_ =	shalt  }
0x46: {  	_ =	shalt  }
0x47: {  	_ =	shalt  }
0x48: {  	_ =	shalt  }
0x49: {  	_ =	shalt  }
0x4a: {  	_ =	shalt  }
0x4b: {  	_ =	shalt  }
0x4c: {  	_ =	shalt  }
0x4d: {  	_ =	shalt  }
0x4e: {  	_ =	shalt  }
0x4f: {  	_ =	shalt  }
0x50: {  	_ =	shalt  }
0x51: {  	_ =	shalt  }
0x52: {  	_ =	shalt  }
0x53: {  	_ =	shalt  }
0x54: {  	_ =	shalt  }
0x55: {  	_ =	shalt  }
0x56: {  	_ =	shalt  }
0x57: {  	_ =	shalt  }
0x58: {  	_ =	shalt  }
0x59: {  	_ =	shalt  }
0x5a: {  	_ =	shalt  }
0x5b: {  	_ =	shalt  }
0x5c: {  	_ =	shalt  }
0x5d: {  	_ =	shalt  }
0x5e: {  	_ =	shalt  }
0x5f: {  	_ =	shalt  }
0x60: {  	_ =	shalt  }
0x61: {  	_ =	shalt  }
0x62: {  	_ =	shalt  }
0x63: {  	_ =	shalt  }
0x64: {  	_ =	shalt  }
0x65: {  	_ =	shalt  }
0x66: {  	_ =	shalt  }
0x67: {  	_ =	shalt  }
0x68: {  	_ =	shalt  }
0x69: {  	_ =	shalt  }
0x6a: {  	_ =	shalt  }
0x6b: {  	_ =	shalt  }
0x6c: {  	_ =	shalt  }
0x6d: {  	_ =	shalt  }
0x6e: {  	_ =	shalt  }
0x6f: {  	_ =	shalt  }
0x70: {  	_ =	shalt  }
0x71: {  	_ =	shalt  }
0x72: {  	_ =	shalt  }
0x73: {  	_ =	shalt  }
0x74: {  	_ =	shalt  }
0x75: {  	_ =	shalt  }
0x76: {  	_ =	shalt  }
0x77: {  	_ =	shalt  }
0x78: {  	_ =	shalt  }
0x79: {  	_ =	shalt  }
0x7a: {  	_ =	shalt  }
0x7b: {  	_ =	shalt  }
0x7c: {  	_ =	shalt  }
0x7d: {  	_ =	shalt  }
0x7e: {  	_ =	shalt  }
0x7f: {  	_ =	shalt  }
0x80: {  	_ =	shalt  }
0x81: {  	_ =	shalt  }
0x82: {  	_ =	shalt  }
0x83: {  	_ =	shalt  }
0x84: {  	_ =	shalt  }
0x85: {  	_ =	shalt  }
0x86: {  	_ =	shalt  }
0x87: {  	_ =	shalt  }
.Lfunc_end0:
.L_simem_size_0:
called_computation_lowered:
.L_overlay_start_0:
0x88: {  	s2 =	sld [smem:$0x3FD9]  }
0x89: {  	s3 =	sld [smem:$0x3FFE];
	_ =	sdelay $0x1  }
0x8a: {  	s1 =	srdreg.scid  }
0x8b: {  	s0 =	sand.u32 $0x1, s1  }
0x8c: {  	s16 =	sshll.u32 s0, $0xA;
	s2 =	sadd.s32 s3, s2  }
0x8d: {  	s2 =	sadd.s32 s2, s16  }
0x8e: {  	[smem:$0x3FBC] =	sst s2  }
0x8f: {  	_ = 	snop  }
0x90: {  	(tm) =	ssettm $0x1  }
0x91: {  	s17 =	sld [smem:$0x3FFB];
	_ =	sdelay $0x3  }
0x92: {  	_ =	strace s17  }
0x93: {  	s2 =	sld [smem:$0x3FFC];
	_ =	sdelay $0x3  }
0x94: {  	_ =	strace s2  }
0x95: {  	s2 =	sld [smem:$0x3FFD];
	_ =	sdelay $0x3  }
0x96: {  	_ =	strace s2  }
0x97: {  	_ =	strace $0x8FFFFFFF  }
0x98: {  	s18 =	sld [smem:$0x3FDB];
	_ =	sdelay $0x1  }
0x99: {  	s19 =	simm.s32 $_scs_section_size  }
0x9a: {  	s4 =	simm.s32 $_size__tile_overlayer_lowered;
	s5 =	simm.s32 $_tile_overlayer_lowered  }
0x9b: {  	s22 =	simm.s32 $0x1BFF;
	s21 =	sshll.u32 s5, $0x1;
	s2 =	sadd.s32 s19, s18  }
0x9c: {  	s6 =	simm.s32 $0x0;
	s20 =	sshll.u32 s4, $0x1;
	s4 =	sadd.s32 s21, s2  }
0x9d: {  	[timem:s6], [sflag:s22] =	dma.local [hbm:s4], s20  }
0x9e: {  	_ =	swait.ge [sflag:s22], s20  }
0x9f: {  	s3 =	ssub.s32 $0x0, s20;
	[sflag:s22] =	ssyncset.done $0x0  }
0xa0: {  	[sflag:s22] =	ssyncadd.s32 s3;
	_ =	sdelay $0x1  }
0xa1: {  	s23 =	simm.s32 $0x1B8B  }
0xa2: {  	_ =	swait.ge [sflag:s23], $0x1  }
0xa3: {  	[sflag:s23] =	ssyncset.done $0x0  }
0xa4: {  	s25 =	simm.s32 $0x1B8E;
	s24 =	sld [smem:$0x3FFE];
	[sflag:s23] =	ssyncadd.s32 $0xFFFFFFFF  }
0xa5: {  	s26 =	simm.s32 $execute0_lowered;
	[smem:$0x3FD2] =	sst s25  }
0xa6: {  	s4 =	sshll.u32 s26, $0x1;
	_ =	strace $0x80000046;
	[dreg:$0x1] =	wrdreg $0xFFFFFFFF  }
0xa7: {  	s28 =	simm.s32 $_size_execute0_lowered;
	s2 =	sadd.s32 s2, s4;
	[dreg:$0x0] =	wrdreg $0x0  }
0xa8: {  	s4 =	sshll.u32 s28, $0x1;
	[dreg:$0x2] =	wrdreg s2  }
0xa9: {  	[dreg:$0x3] =	wrdreg s4  }
0xaa: {  	[dreg:$0x4] =	wrdreg $0xC0  }
0xab: {  	_ =	task [dreg:s6], $0x5FFFF  }
0xac: {  	[dreg:$0x1] =	wrdreg $0xFFFFFFFF  }
0xad: {  	[dreg:$0x0] =	wrdreg $0x60  }
0xae: {  	[dreg:$0x2] =	wrdreg s24  }
0xaf: {  	[dreg:$0x3] =	wrdreg $0x9  }
0xb0: {  	_ =	task.clear_ibuf [dreg:s6], $0x4FFFF;
	_ =	strace $0x90000046  }
0xb1: {  	s29 =	simm.s32 $0x9;
	_ =	strace $0x80000048  }
0xb2: {  	_ =	swait.ge [sflag:s29], $0x1  }
0xb3: {  	[sflag:s29] =	ssyncadd.s32 $0xFFFFFFFF  }
0xb4: {  	_ =	strace $0x90000048  }
0xb5: {  	_ =	sfence  }
0xb6: {  	s30 =	sld [smem:$0x0];
	_ =	sdelay $0x2  }
0xb7: {  	s31 =	sshll.u32 s1, $0xD;
	s1 =	sshrl.u32 s1, $0x2  }
0xb8: {  	s3 =	sand.u32 $0x4000, s31;
	s1 =	sadd.s32 s1, s30  }
0xb9: {  	s0 =	sor.u32 s3, s0;
	s1 =	sshll.u32 s1, $0x11  }
0xba: {  	s0 =	sor.u32 s1, s0  }
0xbb: {  	s0 =	sadd.s32 $0x8F2B, s0  }
0xbc: {  	[sflag:s0] =	ssyncadd.remote.s32 $0x1  }
0xbd: {  	_ =	sfence.sel $0xFFFF  }
0xbe: {  	[dreg:$0x0] =	wrdreg $0xFFFFFFFF;
	(pc) =	sbr.abs _section_cstart, $3  }
0xbf: {  	[dreg:$0x1] =	wrdreg $0xFFFFFFFF  }
0xc0: {  	_ =	task.clear_ibuf [dreg:s6], $0x2FFFF;
	_ =	strace $0x9FFFFFFF  }
0xc1: {  	(tm) =	ssettm $0x7FFFFFFF  }
tec
execute0_lowered:
.L_overlay_start_1:
0x0: {  	(tag) =	ssettag $0x1  }
0x1: {  	s4 =	rddreg [dreg:$0x0]  }
0x2: {  	s0 =	rddreg [dreg:$0x1]  }
0x3: {  	s3 =	srdreg.scid;
	s1 =	stileid.u32;
	s2 =	simm.s32 $0x0  }
0x4: {  	s12 =	simm.s32 $0x1000;
	s13 =	simm.s32 $0x5000;
	s14 =	simm.s32 $0x100  }
0x5: {  	s15 =	simm.s32 $0x9000;
	s16 =	simm.s32 $0x1;
	s17 =	simm.s32 $0x4  }
0x6: {  	s18 =	simm.s32 $0x2;
	s19 =	simm.s32 $0x5;
	s20 =	simm.s32 $0x3  }
0x7: {  	s21 =	simm.s32 $0x6;
	s22 =	simm.s32 $0x0;
	s6 =	sand.u32 $0x1, s3  }
0x8: {  	s28 =	sshll.u32 s1, $0x1;
	[smem:$0x7FF] =	sst s2;
	s3 =	sadd.s32 $0x9200, s4  }
0x9: {  	s9 =	sadd.s32 $0xA5600, s4;
	s31 =	smul.u32 $0x1E000, s1;
	s5 =	sor.u32 s6, s28  }
0xa: {  	_ =	strace $0x80000047;
	s8 =	ssub.s32 $0x2, s6;
	s7 =	sshll.u32 s5, $0x9  }
0xb: {  	s29 =	sshrl.u32 s8, $0x1;
	s10 =	smul.u32 $0xF000, s5;
	s7 =	sadd.s32 s7, s4  }
0xc: {  	s11 =	smul.u32 $0xF000, s6;
	s30 =	ssub.s32 s8, s29;
	s4 =	sadd.s32 $0x5200, s7  }
0xd: {  	s5 =	smax.u32 s30, $0x1;
	s10 =	sadd.s32 s9, s10;
	s9 =	sadd.s32 s31, s9  }
0xe: {  	s6 =	sadd.s32 $0xD800, s10;
	s7 =	sadd.s32 $0xE000, s10;
	s8 =	sadd.s32 $0xE800, s10  }
0xf: {  	s9 =	sadd.s32 s11, s9;
	s10 =	simm.s32 $0x7;
	s11 =	simm.s32 $0x80  }
.LBB2_1:
0x10: {  	[tilespmem:s2], [sflag:$0x7] =	stream.linear.gather [hbm4b:s4+s2], $0xF00, $0x38;
	[tilespmem:$0xD000] =	vst v63  }
0x11: {  	_ =	swait.ge [sflag:s10], $0xF00  }
0x12: {  	[sflag:s10] =	ssyncset.done $0x0  }
0x13: {  	[sflag:s10] =	ssyncadd.s32 $0xFFFFF100  }
0x14: {  	[tilespmem:s12], [sflag:$0x1] =	stream.indirect.gather [hbm4b:s3+s11], $0x80, s2, s11, $0xb8;
	[tilespmem:$0xD000] =	vst v63  }
0x15: {  	_ = 	snop  }
0x16: {  	[tilespmem:s13], [sflag:$0x2] =	stream.indirect.gather [hbm4b:s3+s11], $0x80, s11, s11, $0xb8;
	[tilespmem:$0xD000] =	vst v63  }
0x17: {  	_ = 	snop  }
0x18: {  	[tilespmem:s15], [sflag:$0x3] =	stream.indirect.gather [hbm4b:s3+s11], $0x80, s14, s11, $0xb8;
	[tilespmem:$0xD000] =	vst v63  }
0x19: {  	_ =	swait.ge [sflag:s16], $0x4000  }
0x1a: {  	[sflag:s16] =	ssyncset.done $0x0  }
0x1b: {  	s23 =	sadd.s32 $0x0, s9;
	[sflag:s16] =	ssyncadd.s32 $0xFFFFC000  }
0x1c: {  	[hbm4b:s23+s2] =	stream.linear.scatter [tilespmem:s12], [sflag:$0x4], $0x4000, $0x38;
	[tilespmem:$0xD000] =	vst v63  }
0x1d: {  	_ =	swait.ge [sflag:s17], $0x4000  }
0x1e: {  	[sflag:s17] =	ssyncset.done $0x0  }
0x1f: {  	s24 =	simm.s32 $0x180;
	[sflag:s17] =	ssyncadd.s32 $0xFFFFC000  }
0x20: {  	[tilespmem:s12], [sflag:$0x1] =	stream.indirect.gather [hbm4b:s3+s11], $0x80, s24, s11, $0xb8;
	[tilespmem:$0xD000] =	vst v63  }
0x21: {  	_ =	swait.ge [sflag:s18], $0x4000  }
0x22: {  	[sflag:s18] =	ssyncset.done $0x0  }
0x23: {  	s30 =	sadd.s32 $0x800, s23;
	[sflag:s18] =	ssyncadd.s32 $0xFFFFC000  }
0x24: {  	[hbm4b:s30+s2] =	stream.linear.scatter [tilespmem:s13], [sflag:$0x5], $0x4000, $0x38;
	[tilespmem:$0xD000] =	vst v63  }
0x25: {  	_ =	swait.ge [sflag:s19], $0x4000  }
0x26: {  	[sflag:s19] =	ssyncset.done $0x0  }
0x27: {  	s31 =	simm.s32 $0x200;
	[sflag:s19] =	ssyncadd.s32 $0xFFFFC000  }
0x28: {  	[tilespmem:s13], [sflag:$0x2] =	stream.indirect.gather [hbm4b:s3+s11], $0x80, s31, s11, $0xb8;
	[tilespmem:$0xD000] =	vst v63  }
0x29: {  	_ =	swait.ge [sflag:s20], $0x4000  }
0x2a: {  	[sflag:s20] =	ssyncset.done $0x0  }
0x2b: {  	s23 =	sadd.s32 $0x1000, s23;
	[sflag:s20] =	ssyncadd.s32 $0xFFFFC000  }
0x2c: {  	[hbm4b:s23+s2] =	stream.linear.scatter [tilespmem:s15], [sflag:$0x6], $0x4000, $0x38;
	[tilespmem:$0xD000] =	vst v63  }
0x2d: {  	_ =	swait.ge [sflag:s21], $0x4000  }
0x2e: {  	s25 =	simm.s32 $0x400;
	[sflag:s21] =	ssyncset.done $0x0  }
0x2f: {  	s24 =	simm.s32 $0x1800;
	s23 =	simm.s32 $0x280;
	[sflag:s21] =	ssyncadd.s32 $0xFFFFC000  }
.LBB2_2:
0x30: {  	[tilespmem:s15], [sflag:$0x3] =	stream.indirect.gather [hbm4b:s3+s11], $0x80, s23, s11, $0xb8;
	[tilespmem:$0xD000] =	vst v63  }
0x31: {  	s26 =	smov.u32 s24;
	s23 =	smov.u32 s25  }
0x32: {  	p0 =	sne.s32 s24, $0xC000;
	s24 =	sadd.s32 $0x1800, s24;
	_ =	swait.ge [sflag:s16], $0x4000  }
0x33: {  	[sflag:s16] =	ssyncset.done $0x0  }
0x34: {  	s26 =	sadd.s32 s26, s9;
	[sflag:s16] =	ssyncadd.s32 $0xFFFFC000  }
0x35: {  	[hbm4b:s26+s2] =	stream.linear.scatter [tilespmem:s12], [sflag:$0x4], $0x4000, $0x38;
	[tilespmem:$0xD000] =	vst v63  }
0x36: {  	_ =	swait.ge [sflag:s17], $0x4000  }
0x37: {  	[sflag:s17] =	ssyncset.done $0x0  }
0x38: {  	s28 =	sadd.s32 $0xFFFFFF00, s25;
	[sflag:s17] =	ssyncadd.s32 $0xFFFFC000  }
0x39: {  	[tilespmem:s12], [sflag:$0x1] =	stream.indirect.gather [hbm4b:s3+s11], $0x80, s28, s11, $0xb8;
	[tilespmem:$0xD000] =	vst v63  }
0x3a: {  	_ =	swait.ge [sflag:s18], $0x4000  }
0x3b: {  	[sflag:s18] =	ssyncset.done $0x0  }
0x3c: {  	s28 =	sadd.s32 $0x800, s26;
	[sflag:s18] =	ssyncadd.s32 $0xFFFFC000  }
0x3d: {  	[hbm4b:s28+s2] =	stream.linear.scatter [tilespmem:s13], [sflag:$0x5], $0x4000, $0x38;
	[tilespmem:$0xD000] =	vst v63  }
0x3e: {  	_ =	swait.ge [sflag:s19], $0x4000  }
0x3f: {  	[sflag:s19] =	ssyncset.done $0x0  }
0x40: {  	s28 =	sadd.s32 $0xFFFFFF80, s25;
	[sflag:s19] =	ssyncadd.s32 $0xFFFFC000  }
0x41: {  	[tilespmem:s13], [sflag:$0x2] =	stream.indirect.gather [hbm4b:s3+s11], $0x80, s28, s11, $0xb8;
	[tilespmem:$0xD000] =	vst v63  }
0x42: {  	_ =	swait.ge [sflag:s20], $0x4000  }
0x43: {  	[sflag:s20] =	ssyncset.done $0x0  }
.Ltmp0:
0x44: {  	s26 =	sadd.s32 $0x1000, s26;
	[sflag:s20] =	ssyncadd.s32 $0xFFFFC000;
	(pc) =	sbr.rel @p0 .LBB2_2-.Ltmp0, $4  }
0x45: {  	[hbm4b:s26+s2] =	stream.linear.scatter [tilespmem:s15], [sflag:$0x6], $0x4000, $0x38;
	[tilespmem:$0xD000] =	vst v63  }
0x46: {  	_ =	swait.ge [sflag:s21], $0x4000  }
0x47: {  	[sflag:s21] =	ssyncset.done $0x0  }
0x48: {  	s25 =	sadd.s32 $0x180, s25;
	[sflag:s21] =	ssyncadd.s32 $0xFFFFC000  }
0x49: {  	[tilespmem:s15], [sflag:$0x3] =	stream.indirect.gather [hbm4b:s3+s11], $0x80, s23, s11, $0xb8;
	[tilespmem:$0xD000] =	vst v63  }
0x4a: {  	_ =	swait.ge [sflag:s16], $0x4000  }
0x4b: {  	[sflag:s16] =	ssyncset.done $0x0  }
0x4c: {  	[sflag:s16] =	ssyncadd.s32 $0xFFFFC000  }
0x4d: {  	[hbm4b:s6+s2] =	stream.linear.scatter [tilespmem:s12], [sflag:$0x4], $0x4000, $0x38;
	[tilespmem:$0xD000] =	vst v63  }
0x4e: {  	_ =	swait.ge [sflag:s18], $0x4000  }
0x4f: {  	[sflag:s18] =	ssyncset.done $0x0  }
0x50: {  	[sflag:s18] =	ssyncadd.s32 $0xFFFFC000  }
0x51: {  	[hbm4b:s7+s2] =	stream.linear.scatter [tilespmem:s13], [sflag:$0x5], $0x4000, $0x38;
	[tilespmem:$0xD000] =	vst v63  }
0x52: {  	_ =	swait.ge [sflag:s20], $0x4000  }
0x53: {  	[sflag:s20] =	ssyncset.done $0x0  }
0x54: {  	[sflag:s20] =	ssyncadd.s32 $0xFFFFC000  }
0x55: {  	[hbm4b:s8+s2] =	stream.linear.scatter [tilespmem:s15], [sflag:$0x6], $0x4000, $0x38;
	[tilespmem:$0xD000] =	vst v63  }
0x56: {  	_ =	swait.ge [sflag:s17], $0x4000  }
0x57: {  	[sflag:s17] =	ssyncset.done $0x0  }
0x58: {  	s22 =	sadd.s32 $0x1, s22;
	[sflag:s17] =	ssyncadd.s32 $0xFFFFC000  }
0x59: {  	p0 =	sne.s32 s22, s5;
	_ =	swait.ge [sflag:s19], $0x4000  }
.Ltmp1:
0x5a: {  	[sflag:s19] =	ssyncset.done $0x0;
	(pc) =	sbr.rel @p0 .LBB2_1-.Ltmp1, $4  }
0x5b: {  	[sflag:s19] =	ssyncadd.s32 $0xFFFFC000  }
0x5c: {  	_ =	swait.ge [sflag:s21], $0x4000  }
0x5d: {  	[sflag:s21] =	ssyncset.done $0x0  }
0x5e: {  	[sflag:s21] =	ssyncadd.s32 $0xFFFFC000  }
0x5f: {  	_ =	sfence.sel $0x180000  }
0x60: {  	[bflag:$0x0] =	sbarrier.arrive $0xFFFF  }
0x61: {  	p0 =	sne.s32 s1, $0x0;
	_ =	strace $0x90000047  }
0x62: {  	s0 =	sadd.s32 @!p0 $0x100000, s0;
	[bflag:$0x2] =	sbarrier.arrive $0xFFFF  }
0x63: {  	[sflag:s0] =	ssyncadd.tile.s32 @!p0 $0x1;
	_ =	shalt  }
.Lfunc_end2:
_tile_overlayer_lowered:
.L_overlay_start_2:
0x64: {  	(tag) =	ssettag $0x2  }
0x65: {  	s0 =	rddreg [dreg:$0x0];
	s2 =	stileid.u32  }
0x66: {  	s1 =	rddreg [dreg:$0x1];
	p0 =	sne.s32 s2, $0x0  }
0x67: {  	s3 =	rddreg [dreg:$0x2];
	[bflag:$0x3] =	sbarrier.arrive $0xFFFF;
	s2 =	simm.s32 @!p0 $0x1C07  }
0x68: {  	[timem:s3], [sflag:s2] =	dma.local @!p0 [hbm:s0], s1  }
0x69: {  	s0 =	simm.s32 @!p0 $0x7  }
0x6a: {  	_ =	swait.ge @!p0 [sflag:s0], s1  }
0x6b: {  	s1 =	ssub.s32 @!p0 $0x0, s1;
	[sflag:s0] =	ssyncset.done @!p0 $0x0  }
0x6c: {  	[sflag:s0] =	ssyncadd.s32 @!p0 s1  }
0x6d: {  	[bflag:$0x3] =	sbarrier.arrive $0xFFFF  }
0x6e: {  	_ =	shalt  }

// kernel: kernel.18.cloned.1.call-start
scs
__scs_entry_jumppad:
0x0: {  	(pc) =	sbr.rel $0x88, $3  }
0x1: {  	(tag) =	ssettag $0x0;
	lr =	simm.s32 $0x1  }
0x2: {  	[smem:$0x3F95] =	sst lr;
	_ =	strace $0xD0000000  }
0x3: {  	_ = 	snop  }
0x4: {  	_ = 	snop  }
0x5: {  	_ = 	snop  }
0x6: {  	_ = 	snop  }
0x7: {  	_ = 	snop  }
__scs_overlays_trampoline_lowered:
0x8: {  	[smem:$0x3FA4] =	sst s0  }
0x9: {  	[smem:$0x3FA5] =	sst s1  }
0xa: {  	[smem:$0x3FA6] =	sst s2  }
0xb: {  	[smem:$0x3FA7] =	sst s3  }
0xc: {  	[smem:$0x3FA8] =	sst s4  }
0xd: {  	[smem:$0x3FA9] =	sst s5  }
0xe: {  	[smem:$0x3FAA] =	sst s6  }
0xf: {  	[smem:$0x3FAB] =	sst s7  }
0x10: {  	[smem:$0x3FAC] =	sst s8  }
0x11: {  	[smem:$0x3FAD] =	sst s9;
	s0 =	simm.s32 @!p0 $0x0  }
0x12: {  	s1 =	sld [smem:$0x3F93];
	s0 =	simm.s32 @p0 $0x1  }
0x13: {  	[smem:$0x3FAE] =	sst s0;
	s0 =	simm.s32 @!p1 $0x0  }
0x14: {  	s2 =	sld [smem:$0x3F92];
	s0 =	simm.s32 @p1 $0x1  }
0x15: {  	[smem:$0x3FAF] =	sst s0;
	s0 =	simm.s32 @!p2 $0x0  }
0x16: {  	s3 =	sld [smem:$0x3FDB];
	s0 =	simm.s32 @p2 $0x1  }
0x17: {  	s4 =	simm.s32 $0x1BF5;
	[smem:$0x3FB1] =	sst s0  }
0x18: {  	s0 =	sld [smem:$0x3F94];
	_ =	swait.ge [sflag:s4], $0x0  }
0x19: {  	s7 =	sld [smem:$0x3F95]  }
0x1a: {  	s8 =	sadd.s32 $0xFFFFE003, lr  }
0x1b: {  	s9 =	sadd.s32 $0xFFFFFEF7, lr;
	s5 =	simm.s32 $0xFFFFFFFF;
	p2 =	slt.u32 s8, $0xFFFFF086  }
0x1c: {  	p1 =	slt.u32 s9, $0xF7A;
	s5 =	simm.s32 @!p2 $0x0  }
0x1d: {  	s5 =	simm.s32 @p1 $0x1;
	p0 =	seq.s32 s7, s2  }
0x1e: {  	s7 =	smul.u32 @!p0 $0xF7A, s2;
	p2 =	seq.s32 @!p0 s5, $0x0  }
0x1f: {  	s9 =	smul.u32 $0xF7A, s1;
	s8 =	simm.s32 @!p0 $0x1BF5;
	p2 =	por !p2, p0  }
0x20: {  	[sflag:s8] =	ssyncset.s32 @!p0 $0xFFFFF086;
	s6 =	sadd.s32 @!p0 s3, s7;
	s7 =	simm.s32 @!p0 $0x108  }
0x21: {  	s3 =	sadd.s32 s3, s9;
	s6 =	sadd.s32 @!p0 $0x88, s6;
	s7 =	simm.s32 @p2 $0x1082  }
0x22: {  	[simem:s7], [sflag:s8] =	dma.local @!p0 [hbm:s6], $0xF7A  }
0x23: {  	s9 =	sor.u32 $0xD0000000, s2;
	s6 =	simm.s32 $0x108;
	_ =	swait.ge @!p0 [sflag:s8], $0x0  }
0x24: {  	s3 =	sadd.s32 $0x88, s3;
	s6 =	simm.s32 @!p1 $0x1082;
	[sflag:s4] =	ssyncset.s32 $0xFFFFF086  }
0x25: {  	[simem:s6], [sflag:s4] =	dma.local [hbm:s3], $0xF7A  }
0x26: {  	[smem:$0x3F95] =	sst s1;
	(tag) =	ssettag s2;
	_ =	strace s9  }
0x27: {  	s1 =	sld [smem:$0x3FA5]  }
0x28: {  	s2 =	sld [smem:$0x3FA6]  }
0x29: {  	s4 =	sld [smem:$0x3FA8]  }
0x2a: {  	p0 =	seq.s32 s5, $0x0;
	s5 =	sld [smem:$0x3FA9]  }
0x2b: {  	s6 =	sld [smem:$0x3FAA]  }
0x2c: {  	s7 =	sld [smem:$0x3FAB]  }
0x2d: {  	s3 =	simm.s32 $0x108;
	s8 =	sld [smem:$0x3FAC]  }
0x2e: {  	s3 =	simm.s32 @!p0 $0x1082;
	s9 =	sld [smem:$0x3FAD]  }
0x2f: {  	lr =	sadd.s32 s0, s3;
	s0 =	sld [smem:$0x3FA4]  }
0x30: {  	s3 =	sld [smem:$0x3FA7]  }
0x31: {  	[smem:$0x3FB0] =	sst s10  }
0x32: {  	s10 =	sld [smem:$0x3FAE];
	_ =	sdelay $0x3  }
0x33: {  	p0 =	seq.s32 s10, $0x1;
	s10 =	sld [smem:$0x3FB0];
	_ =	sdelay $0x3  }
0x34: {  	[smem:$0x3FB0] =	sst s10  }
0x35: {  	s10 =	sld [smem:$0x3FAF];
	_ =	sdelay $0x3  }
0x36: {  	p1 =	seq.s32 s10, $0x1;
	s10 =	sld [smem:$0x3FB0];
	_ =	sdelay $0x3  }
0x37: {  	[smem:$0x3FB0] =	sst s10  }
0x38: {  	s10 =	sld [smem:$0x3FB1]  }
0x39: {  	_ = 	snop;
	(pc) =	sbr.ind lr, $3  }
0x3a: {  	_ = 	snop  }
0x3b: {  	_ = 	snop  }
0x3c: {  	p2 =	seq.s32 s10, $0x1;
	s10 =	sld [smem:$0x3FB0]  }
0x3d: {  	_ =	shalt  }
0x3e: {  	_ =	shalt  }
0x3f: {  	_ =	shalt  }
0x40: {  	_ =	shalt  }
0x41: {  	_ =	shalt  }
0x42: {  	_ =	shalt  }
0x43: {  	_ =	shalt  }
0x44: {  	_ =	shalt  }
0x45: {  	_ =	shalt  }
0x46: {  	_ =	shalt  }
0x47: {  	_ =	shalt  }
0x48: {  	_ =	shalt  }
0x49: {  	_ =	shalt  }
0x4a: {  	_ =	shalt  }
0x4b: {  	_ =	shalt  }
0x4c: {  	_ =	shalt  }
0x4d: {  	_ =	shalt  }
0x4e: {  	_ =	shalt  }
0x4f: {  	_ =	shalt  }
0x50: {  	_ =	shalt  }
0x51: {  	_ =	shalt  }
0x52: {  	_ =	shalt  }
0x53: {  	_ =	shalt  }
0x54: {  	_ =	shalt  }
0x55: {  	_ =	shalt  }
0x56: {  	_ =	shalt  }
0x57: {  	_ =	shalt  }
0x58: {  	_ =	shalt  }
0x59: {  	_ =	shalt  }
0x5a: {  	_ =	shalt  }
0x5b: {  	_ =	shalt  }
0x5c: {  	_ =	shalt  }
0x5d: {  	_ =	shalt  }
0x5e: {  	_ =	shalt  }
0x5f: {  	_ =	shalt  }
0x60: {  	_ =	shalt  }
0x61: {  	_ =	shalt  }
0x62: {  	_ =	shalt  }
0x63: {  	_ =	shalt  }
0x64: {  	_ =	shalt  }
0x65: {  	_ =	shalt  }
0x66: {  	_ =	shalt  }
0x67: {  	_ =	shalt  }
0x68: {  	_ =	shalt  }
0x69: {  	_ =	shalt  }
0x6a: {  	_ =	shalt  }
0x6b: {  	_ =	shalt  }
0x6c: {  	_ =	shalt  }
0x6d: {  	_ =	shalt  }
0x6e: {  	_ =	shalt  }
0x6f: {  	_ =	shalt  }
0x70: {  	_ =	shalt  }
0x71: {  	_ =	shalt  }
0x72: {  	_ =	shalt  }
0x73: {  	_ =	shalt  }
0x74: {  	_ =	shalt  }
0x75: {  	_ =	shalt  }
0x76: {  	_ =	shalt  }
0x77: {  	_ =	shalt  }
0x78: {  	_ =	shalt  }
0x79: {  	_ =	shalt  }
0x7a: {  	_ =	shalt  }
0x7b: {  	_ =	shalt  }
0x7c: {  	_ =	shalt  }
0x7d: {  	_ =	shalt  }
0x7e: {  	_ =	shalt  }
0x7f: {  	_ =	shalt  }
0x80: {  	_ =	shalt  }
0x81: {  	_ =	shalt  }
0x82: {  	_ =	shalt  }
0x83: {  	_ =	shalt  }
0x84: {  	_ =	shalt  }
0x85: {  	_ =	shalt  }
0x86: {  	_ =	shalt  }
0x87: {  	_ =	shalt  }
.Lfunc_end0:
.L_simem_size_0:
called_computation.1_lowered:
.L_overlay_start_0:
0x88: {  	s2 =	sld [smem:$0x3FD9]  }
0x89: {  	s3 =	sld [smem:$0x3FFE];
	_ =	sdelay $0x1  }
0x8a: {  	s1 =	srdreg.scid  }
0x8b: {  	s0 =	sand.u32 $0x1, s1  }
0x8c: {  	s16 =	sshll.u32 s0, $0xA;
	s2 =	sadd.s32 s3, s2  }
0x8d: {  	s2 =	sadd.s32 s2, s16  }
0x8e: {  	[smem:$0x3FBC] =	sst s2  }
0x8f: {  	_ = 	snop  }
0x90: {  	(tm) =	ssettm $0x1  }
0x91: {  	s17 =	sld [smem:$0x3FFB];
	_ =	sdelay $0x3  }
0x92: {  	_ =	strace s17  }
0x93: {  	s2 =	sld [smem:$0x3FFC];
	_ =	sdelay $0x3  }
0x94: {  	_ =	strace s2  }
0x95: {  	s2 =	sld [smem:$0x3FFD];
	_ =	sdelay $0x3  }
0x96: {  	_ =	strace s2  }
0x97: {  	_ =	strace $0x8FFFFFFF  }
0x98: {  	s18 =	sld [smem:$0x3FDB];
	_ =	sdelay $0x1  }
0x99: {  	s19 =	simm.s32 $_scs_section_size  }
0x9a: {  	s4 =	simm.s32 $_size__tile_overlayer_lowered;
	s5 =	simm.s32 $_tile_overlayer_lowered  }
0x9b: {  	s22 =	simm.s32 $0x1BFF;
	s21 =	sshll.u32 s5, $0x1;
	s2 =	sadd.s32 s19, s18  }
0x9c: {  	s6 =	simm.s32 $0x0;
	s20 =	sshll.u32 s4, $0x1;
	s4 =	sadd.s32 s21, s2  }
0x9d: {  	[timem:s6], [sflag:s22] =	dma.local [hbm:s4], s20  }
0x9e: {  	_ =	swait.ge [sflag:s22], s20  }
0x9f: {  	s3 =	ssub.s32 $0x0, s20;
	[sflag:s22] =	ssyncset.done $0x0  }
0xa0: {  	[sflag:s22] =	ssyncadd.s32 s3;
	_ =	sdelay $0x1  }
0xa1: {  	s23 =	simm.s32 $0x1B8B  }
0xa2: {  	_ =	swait.ge [sflag:s23], $0x1  }
0xa3: {  	[sflag:s23] =	ssyncset.done $0x0  }
0xa4: {  	s25 =	simm.s32 $0x1B8E;
	s24 =	sld [smem:$0x3FFE];
	[sflag:s23] =	ssyncadd.s32 $0xFFFFFFFF  }
0xa5: {  	s26 =	simm.s32 $execute0_lowered;
	[smem:$0x3FD2] =	sst s25  }
0xa6: {  	s4 =	sshll.u32 s26, $0x1;
	_ =	strace $0x80000049;
	[dreg:$0x1] =	wrdreg $0xFFFFFFFF  }
0xa7: {  	s28 =	simm.s32 $_size_execute0_lowered;
	s2 =	sadd.s32 s2, s4;
	[dreg:$0x0] =	wrdreg $0x0  }
0xa8: {  	s4 =	sshll.u32 s28, $0x1;
	[dreg:$0x2] =	wrdreg s2  }
0xa9: {  	[dreg:$0x3] =	wrdreg s4  }
0xaa: {  	[dreg:$0x4] =	wrdreg $0xC0  }
0xab: {  	_ =	task [dreg:s6], $0x5FFFF  }
0xac: {  	[dreg:$0x1] =	wrdreg $0xFFFFFFFF  }
0xad: {  	[dreg:$0x0] =	wrdreg $0x60  }
0xae: {  	[dreg:$0x2] =	wrdreg s24  }
0xaf: {  	[dreg:$0x3] =	wrdreg $0x9  }
0xb0: {  	_ =	task.clear_ibuf [dreg:s6], $0x4FFFF;
	_ =	strace $0x90000049  }
0xb1: {  	s29 =	simm.s32 $0x9;
	_ =	strace $0x8000004B  }
0xb2: {  	_ =	swait.ge [sflag:s29], $0x1  }
0xb3: {  	[sflag:s29] =	ssyncadd.s32 $0xFFFFFFFF  }
0xb4: {  	_ =	strace $0x9000004B  }
0xb5: {  	_ =	sfence  }
0xb6: {  	s30 =	sld [smem:$0x0];
	_ =	sdelay $0x2  }
0xb7: {  	s31 =	sshll.u32 s1, $0xD;
	s1 =	sshrl.u32 s1, $0x2  }
0xb8: {  	s3 =	sand.u32 $0x4000, s31;
	s1 =	sadd.s32 s1, s30  }
0xb9: {  	s0 =	sor.u32 s3, s0;
	s1 =	sshll.u32 s1, $0x11  }
0xba: {  	s0 =	sor.u32 s1, s0  }
0xbb: {  	s0 =	sadd.s32 $0x8F2B, s0  }
0xbc: {  	[sflag:s0] =	ssyncadd.remote.s32 $0x1  }
0xbd: {  	_ =	sfence.sel $0xFFFF  }
0xbe: {  	[dreg:$0x0] =	wrdreg $0xFFFFFFFF;
	(pc) =	sbr.abs _section_cstart, $3  }
0xbf: {  	[dreg:$0x1] =	wrdreg $0xFFFFFFFF  }
0xc0: {  	_ =	task.clear_ibuf [dreg:s6], $0x2FFFF;
	_ =	strace $0x9FFFFFFF  }
0xc1: {  	(tm) =	ssettm $0x7FFFFFFF  }
tec
execute0_lowered:
.L_overlay_start_1:
0x0: {  	(tag) =	ssettag $0x1  }
0x1: {  	s4 =	rddreg [dreg:$0x0]  }
0x2: {  	s0 =	rddreg [dreg:$0x1]  }
0x3: {  	s3 =	srdreg.scid;
	s1 =	stileid.u32;
	s2 =	simm.s32 $0x0  }
0x4: {  	s12 =	simm.s32 $0x1000;
	s13 =	simm.s32 $0x5000;
	s14 =	simm.s32 $0x100  }
0x5: {  	s15 =	simm.s32 $0x9000;
	s16 =	simm.s32 $0x1;
	s17 =	simm.s32 $0x4  }
0x6: {  	s18 =	simm.s32 $0x2;
	s19 =	simm.s32 $0x5;
	s20 =	simm.s32 $0x3  }
0x7: {  	s21 =	simm.s32 $0x6;
	s22 =	simm.s32 $0x0;
	s6 =	sand.u32 $0x1, s3  }
0x8: {  	s28 =	sshll.u32 s1, $0x1;
	[smem:$0x7FF] =	sst s2;
	s3 =	sadd.s32 $0x9200, s4  }
0x9: {  	s9 =	sadd.s32 $0xA5600, s4;
	s31 =	smul.u32 $0x1E000, s1;
	s5 =	sor.u32 s6, s28  }
0xa: {  	_ =	strace $0x8000004A;
	s8 =	ssub.s32 $0x2, s6;
	s7 =	sshll.u32 s5, $0x9  }
0xb: {  	s29 =	sshrl.u32 s8, $0x1;
	s10 =	smul.u32 $0xF000, s5;
	s7 =	sadd.s32 s7, s4  }
0xc: {  	s11 =	smul.u32 $0xF000, s6;
	s30 =	ssub.s32 s8, s29;
	s4 =	sadd.s32 $0x5200, s7  }
0xd: {  	s5 =	smax.u32 s30, $0x1;
	s10 =	sadd.s32 s9, s10;
	s9 =	sadd.s32 s31, s9  }
0xe: {  	s6 =	sadd.s32 $0xD800, s10;
	s7 =	sadd.s32 $0xE000, s10;
	s8 =	sadd.s32 $0xE800, s10  }
0xf: {  	s9 =	sadd.s32 s11, s9;
	s10 =	simm.s32 $0x7;
	s11 =	simm.s32 $0x80  }
.LBB2_1:
0x10: {  	[tilespmem:s2], [sflag:$0x7] =	stream.linear.gather [hbm4b:s4+s2], $0xF00, $0x38;
	[tilespmem:$0xD000] =	vst v63  }
0x11: {  	_ =	swait.ge [sflag:s10], $0xF00  }
0x12: {  	[sflag:s10] =	ssyncset.done $0x0  }
0x13: {  	[sflag:s10] =	ssyncadd.s32 $0xFFFFF100  }
0x14: {  	[tilespmem:s12], [sflag:$0x1] =	stream.indirect.gather [hbm4b:s3+s11], $0x80, s2, s11, $0xb8;
	[tilespmem:$0xD000] =	vst v63  }
0x15: {  	_ = 	snop  }
0x16: {  	[tilespmem:s13], [sflag:$0x2] =	stream.indirect.gather [hbm4b:s3+s11], $0x80, s11, s11, $0xb8;
	[tilespmem:$0xD000] =	vst v63  }
0x17: {  	_ = 	snop  }
0x18: {  	[tilespmem:s15], [sflag:$0x3] =	stream.indirect.gather [hbm4b:s3+s11], $0x80, s14, s11, $0xb8;
	[tilespmem:$0xD000] =	vst v63  }
0x19: {  	_ =	swait.ge [sflag:s16], $0x4000  }
0x1a: {  	[sflag:s16] =	ssyncset.done $0x0  }
0x1b: {  	s23 =	sadd.s32 $0x0, s9;
	[sflag:s16] =	ssyncadd.s32 $0xFFFFC000  }
0x1c: {  	[hbm4b:s23+s2] =	stream.linear.scatter [tilespmem:s12], [sflag:$0x4], $0x4000, $0x38;
	[tilespmem:$0xD000] =	vst v63  }
0x1d: {  	_ =	swait.ge [sflag:s17], $0x4000  }
0x1e: {  	[sflag:s17] =	ssyncset.done $0x0  }
0x1f: {  	s24 =	simm.s32 $0x180;
	[sflag:s17] =	ssyncadd.s32 $0xFFFFC000  }
0x20: {  	[tilespmem:s12], [sflag:$0x1] =	stream.indirect.gather [hbm4b:s3+s11], $0x80, s24, s11, $0xb8;
	[tilespmem:$0xD000] =	vst v63  }
0x21: {  	_ =	swait.ge [sflag:s18], $0x4000  }
0x22: {  	[sflag:s18] =	ssyncset.done $0x0  }
0x23: {  	s30 =	sadd.s32 $0x800, s23;
	[sflag:s18] =	ssyncadd.s32 $0xFFFFC000  }
0x24: {  	[hbm4b:s30+s2] =	stream.linear.scatter [tilespmem:s13], [sflag:$0x5], $0x4000, $0x38;
	[tilespmem:$0xD000] =	vst v63  }
0x25: {  	_ =	swait.ge [sflag:s19], $0x4000  }
0x26: {  	[sflag:s19] =	ssyncset.done $0x0  }
0x27: {  	s31 =	simm.s32 $0x200;
	[sflag:s19] =	ssyncadd.s32 $0xFFFFC000  }
0x28: {  	[tilespmem:s13], [sflag:$0x2] =	stream.indirect.gather [hbm4b:s3+s11], $0x80, s31, s11, $0xb8;
	[tilespmem:$0xD000] =	vst v63  }
0x29: {  	_ =	swait.ge [sflag:s20], $0x4000  }
0x2a: {  	[sflag:s20] =	ssyncset.done $0x0  }
0x2b: {  	s23 =	sadd.s32 $0x1000, s23;
	[sflag:s20] =	ssyncadd.s32 $0xFFFFC000  }
0x2c: {  	[hbm4b:s23+s2] =	stream.linear.scatter [tilespmem:s15], [sflag:$0x6], $0x4000, $0x38;
	[tilespmem:$0xD000] =	vst v63  }
0x2d: {  	_ =	swait.ge [sflag:s21], $0x4000  }
0x2e: {  	s25 =	simm.s32 $0x400;
	[sflag:s21] =	ssyncset.done $0x0  }
0x2f: {  	s24 =	simm.s32 $0x1800;
	s23 =	simm.s32 $0x280;
	[sflag:s21] =	ssyncadd.s32 $0xFFFFC000  }
.LBB2_2:
0x30: {  	[tilespmem:s15], [sflag:$0x3] =	stream.indirect.gather [hbm4b:s3+s11], $0x80, s23, s11, $0xb8;
	[tilespmem:$0xD000] =	vst v63  }
0x31: {  	s26 =	smov.u32 s24;
	s23 =	smov.u32 s25  }
0x32: {  	p0 =	sne.s32 s24, $0xC000;
	s24 =	sadd.s32 $0x1800, s24;
	_ =	swait.ge [sflag:s16], $0x4000  }
0x33: {  	[sflag:s16] =	ssyncset.done $0x0  }
0x34: {  	s26 =	sadd.s32 s26, s9;
	[sflag:s16] =	ssyncadd.s32 $0xFFFFC000  }
0x35: {  	[hbm4b:s26+s2] =	stream.linear.scatter [tilespmem:s12], [sflag:$0x4], $0x4000, $0x38;
	[tilespmem:$0xD000] =	vst v63  }
0x36: {  	_ =	swait.ge [sflag:s17], $0x4000  }
0x37: {  	[sflag:s17] =	ssyncset.done $0x0  }
0x38: {  	s28 =	sadd.s32 $0xFFFFFF00, s25;
	[sflag:s17] =	ssyncadd.s32 $0xFFFFC000  }
0x39: {  	[tilespmem:s12], [sflag:$0x1] =	stream.indirect.gather [hbm4b:s3+s11], $0x80, s28, s11, $0xb8;
	[tilespmem:$0xD000] =	vst v63  }
0x3a: {  	_ =	swait.ge [sflag:s18], $0x4000  }
0x3b: {  	[sflag:s18] =	ssyncset.done $0x0  }
0x3c: {  	s28 =	sadd.s32 $0x800, s26;
	[sflag:s18] =	ssyncadd.s32 $0xFFFFC000  }
0x3d: {  	[hbm4b:s28+s2] =	stream.linear.scatter [tilespmem:s13], [sflag:$0x5], $0x4000, $0x38;
	[tilespmem:$0xD000] =	vst v63  }
0x3e: {  	_ =	swait.ge [sflag:s19], $0x4000  }
0x3f: {  	[sflag:s19] =	ssyncset.done $0x0  }
0x40: {  	s28 =	sadd.s32 $0xFFFFFF80, s25;
	[sflag:s19] =	ssyncadd.s32 $0xFFFFC000  }
0x41: {  	[tilespmem:s13], [sflag:$0x2] =	stream.indirect.gather [hbm4b:s3+s11], $0x80, s28, s11, $0xb8;
	[tilespmem:$0xD000] =	vst v63  }
0x42: {  	_ =	swait.ge [sflag:s20], $0x4000  }
0x43: {  	[sflag:s20] =	ssyncset.done $0x0  }
.Ltmp0:
0x44: {  	s26 =	sadd.s32 $0x1000, s26;
	[sflag:s20] =	ssyncadd.s32 $0xFFFFC000;
	(pc) =	sbr.rel @p0 .LBB2_2-.Ltmp0, $4  }
0x45: {  	[hbm4b:s26+s2] =	stream.linear.scatter [tilespmem:s15], [sflag:$0x6], $0x4000, $0x38;
	[tilespmem:$0xD000] =	vst v63  }
0x46: {  	_ =	swait.ge [sflag:s21], $0x4000  }
0x47: {  	[sflag:s21] =	ssyncset.done $0x0  }
0x48: {  	s25 =	sadd.s32 $0x180, s25;
	[sflag:s21] =	ssyncadd.s32 $0xFFFFC000  }
0x49: {  	[tilespmem:s15], [sflag:$0x3] =	stream.indirect.gather [hbm4b:s3+s11], $0x80, s23, s11, $0xb8;
	[tilespmem:$0xD000] =	vst v63  }
0x4a: {  	_ =	swait.ge [sflag:s16], $0x4000  }
0x4b: {  	[sflag:s16] =	ssyncset.done $0x0  }
0x4c: {  	[sflag:s16] =	ssyncadd.s32 $0xFFFFC000  }
0x4d: {  	[hbm4b:s6+s2] =	stream.linear.scatter [tilespmem:s12], [sflag:$0x4], $0x4000, $0x38;
	[tilespmem:$0xD000] =	vst v63  }
0x4e: {  	_ =	swait.ge [sflag:s18], $0x4000  }
0x4f: {  	[sflag:s18] =	ssyncset.done $0x0  }
0x50: {  	[sflag:s18] =	ssyncadd.s32 $0xFFFFC000  }
0x51: {  	[hbm4b:s7+s2] =	stream.linear.scatter [tilespmem:s13], [sflag:$0x5], $0x4000, $0x38;
	[tilespmem:$0xD000] =	vst v63  }
0x52: {  	_ =	swait.ge [sflag:s20], $0x4000  }
0x53: {  	[sflag:s20] =	ssyncset.done $0x0  }
0x54: {  	[sflag:s20] =	ssyncadd.s32 $0xFFFFC000  }
0x55: {  	[hbm4b:s8+s2] =	stream.linear.scatter [tilespmem:s15], [sflag:$0x6], $0x4000, $0x38;
	[tilespmem:$0xD000] =	vst v63  }
0x56: {  	_ =	swait.ge [sflag:s17], $0x4000  }
0x57: {  	[sflag:s17] =	ssyncset.done $0x0  }
0x58: {  	s22 =	sadd.s32 $0x1, s22;
	[sflag:s17] =	ssyncadd.s32 $0xFFFFC000  }
0x59: {  	p0 =	sne.s32 s22, s5;
	_ =	swait.ge [sflag:s19], $0x4000  }
.Ltmp1:
0x5a: {  	[sflag:s19] =	ssyncset.done $0x0;
	(pc) =	sbr.rel @p0 .LBB2_1-.Ltmp1, $4  }
0x5b: {  	[sflag:s19] =	ssyncadd.s32 $0xFFFFC000  }
0x5c: {  	_ =	swait.ge [sflag:s21], $0x4000  }
0x5d: {  	[sflag:s21] =	ssyncset.done $0x0  }
0x5e: {  	[sflag:s21] =	ssyncadd.s32 $0xFFFFC000  }
0x5f: {  	_ =	sfence.sel $0x180000  }
0x60: {  	[bflag:$0x0] =	sbarrier.arrive $0xFFFF  }
0x61: {  	p0 =	sne.s32 s1, $0x0;
	_ =	strace $0x9000004A  }
0x62: {  	s0 =	sadd.s32 @!p0 $0x100000, s0;
	[bflag:$0x2] =	sbarrier.arrive $0xFFFF  }
0x63: {  	[sflag:s0] =	ssyncadd.tile.s32 @!p0 $0x1;
	_ =	shalt  }
.Lfunc_end2:
_tile_overlayer_lowered:
.L_overlay_start_2:
0x64: {  	(tag) =	ssettag $0x2  }
0x65: {  	s0 =	rddreg [dreg:$0x0];
	s2 =	stileid.u32  }
0x66: {  	s1 =	rddreg [dreg:$0x1];
	p0 =	sne.s32 s2, $0x0  }
0x67: {  	s3 =	rddreg [dreg:$0x2];
	[bflag:$0x3] =	sbarrier.arrive $0xFFFF;
	s2 =	simm.s32 @!p0 $0x1C07  }
0x68: {  	[timem:s3], [sflag:s2] =	dma.local @!p0 [hbm:s0], s1  }
0x69: {  	s0 =	simm.s32 @!p0 $0x7  }
0x6a: {  	_ =	swait.ge @!p0 [sflag:s0], s1  }
0x6b: {  	s1 =	ssub.s32 @!p0 $0x0, s1;
	[sflag:s0] =	ssyncset.done @!p0 $0x0  }
0x6c: {  	[sflag:s0] =	ssyncadd.s32 @!p0 s1  }
0x6d: {  	[bflag:$0x3] =	sbarrier.arrive $0xFFFF  }
0x6e: {  	_ =	shalt  }

// kernel: kernel.21.cloned.1.call-start
scs
__scs_entry_jumppad:
0x0: {  	(pc) =	sbr.rel $0x88, $3  }
0x1: {  	(tag) =	ssettag $0x0;
	lr =	simm.s32 $0x1  }
0x2: {  	[smem:$0x3F95] =	sst lr;
	_ =	strace $0xD0000000  }
0x3: {  	_ = 	snop  }
0x4: {  	_ = 	snop  }
0x5: {  	_ = 	snop  }
0x6: {  	_ = 	snop  }
0x7: {  	_ = 	snop  }
__scs_overlays_trampoline_lowered:
0x8: {  	[smem:$0x3FA4] =	sst s0  }
0x9: {  	[smem:$0x3FA5] =	sst s1  }
0xa: {  	[smem:$0x3FA6] =	sst s2  }
0xb: {  	[smem:$0x3FA7] =	sst s3  }
0xc: {  	[smem:$0x3FA8] =	sst s4  }
0xd: {  	[smem:$0x3FA9] =	sst s5  }
0xe: {  	[smem:$0x3FAA] =	sst s6  }
0xf: {  	[smem:$0x3FAB] =	sst s7  }
0x10: {  	[smem:$0x3FAC] =	sst s8  }
0x11: {  	[smem:$0x3FAD] =	sst s9;
	s0 =	simm.s32 @!p0 $0x0  }
0x12: {  	s1 =	sld [smem:$0x3F93];
	s0 =	simm.s32 @p0 $0x1  }
0x13: {  	[smem:$0x3FAE] =	sst s0;
	s0 =	simm.s32 @!p1 $0x0  }
0x14: {  	s2 =	sld [smem:$0x3F92];
	s0 =	simm.s32 @p1 $0x1  }
0x15: {  	[smem:$0x3FAF] =	sst s0;
	s0 =	simm.s32 @!p2 $0x0  }
0x16: {  	s3 =	sld [smem:$0x3FDB];
	s0 =	simm.s32 @p2 $0x1  }
0x17: {  	s4 =	simm.s32 $0x1BF5;
	[smem:$0x3FB1] =	sst s0  }
0x18: {  	s0 =	sld [smem:$0x3F94];
	_ =	swait.ge [sflag:s4], $0x0  }
0x19: {  	s7 =	sld [smem:$0x3F95]  }
0x1a: {  	s8 =	sadd.s32 $0xFFFFE003, lr  }
0x1b: {  	s9 =	sadd.s32 $0xFFFFFEF7, lr;
	s5 =	simm.s32 $0xFFFFFFFF;
	p2 =	slt.u32 s8, $0xFFFFF086  }
0x1c: {  	p1 =	slt.u32 s9, $0xF7A;
	s5 =	simm.s32 @!p2 $0x0  }
0x1d: {  	s5 =	simm.s32 @p1 $0x1;
	p0 =	seq.s32 s7, s2  }
0x1e: {  	s7 =	smul.u32 @!p0 $0xF7A, s2;
	p2 =	seq.s32 @!p0 s5, $0x0  }
0x1f: {  	s9 =	smul.u32 $0xF7A, s1;
	s8 =	simm.s32 @!p0 $0x1BF5;
	p2 =	por !p2, p0  }
0x20: {  	[sflag:s8] =	ssyncset.s32 @!p0 $0xFFFFF086;
	s6 =	sadd.s32 @!p0 s3, s7;
	s7 =	simm.s32 @!p0 $0x108  }
0x21: {  	s3 =	sadd.s32 s3, s9;
	s6 =	sadd.s32 @!p0 $0x88, s6;
	s7 =	simm.s32 @p2 $0x1082  }
0x22: {  	[simem:s7], [sflag:s8] =	dma.local @!p0 [hbm:s6], $0xF7A  }
0x23: {  	s9 =	sor.u32 $0xD0000000, s2;
	s6 =	simm.s32 $0x108;
	_ =	swait.ge @!p0 [sflag:s8], $0x0  }
0x24: {  	s3 =	sadd.s32 $0x88, s3;
	s6 =	simm.s32 @!p1 $0x1082;
	[sflag:s4] =	ssyncset.s32 $0xFFFFF086  }
0x25: {  	[simem:s6], [sflag:s4] =	dma.local [hbm:s3], $0xF7A  }
0x26: {  	[smem:$0x3F95] =	sst s1;
	(tag) =	ssettag s2;
	_ =	strace s9  }
0x27: {  	s1 =	sld [smem:$0x3FA5]  }
0x28: {  	s2 =	sld [smem:$0x3FA6]  }
0x29: {  	s4 =	sld [smem:$0x3FA8]  }
0x2a: {  	p0 =	seq.s32 s5, $0x0;
	s5 =	sld [smem:$0x3FA9]  }
0x2b: {  	s6 =	sld [smem:$0x3FAA]  }
0x2c: {  	s7 =	sld [smem:$0x3FAB]  }
0x2d: {  	s3 =	simm.s32 $0x108;
	s8 =	sld [smem:$0x3FAC]  }
0x2e: {  	s3 =	simm.s32 @!p0 $0x1082;
	s9 =	sld [smem:$0x3FAD]  }
0x2f: {  	lr =	sadd.s32 s0, s3;
	s0 =	sld [smem:$0x3FA4]  }
0x30: {  	s3 =	sld [smem:$0x3FA7]  }
0x31: {  	[smem:$0x3FB0] =	sst s10  }
0x32: {  	s10 =	sld [smem:$0x3FAE];
	_ =	sdelay $0x3  }
0x33: {  	p0 =	seq.s32 s10, $0x1;
	s10 =	sld [smem:$0x3FB0];
	_ =	sdelay $0x3  }
0x34: {  	[smem:$0x3FB0] =	sst s10  }
0x35: {  	s10 =	sld [smem:$0x3FAF];
	_ =	sdelay $0x3  }
0x36: {  	p1 =	seq.s32 s10, $0x1;
	s10 =	sld [smem:$0x3FB0];
	_ =	sdelay $0x3  }
0x37: {  	[smem:$0x3FB0] =	sst s10  }
0x38: {  	s10 =	sld [smem:$0x3FB1]  }
0x39: {  	_ = 	snop;
	(pc) =	sbr.ind lr, $3  }
0x3a: {  	_ = 	snop  }
0x3b: {  	_ = 	snop  }
0x3c: {  	p2 =	seq.s32 s10, $0x1;
	s10 =	sld [smem:$0x3FB0]  }
0x3d: {  	_ =	shalt  }
0x3e: {  	_ =	shalt  }
0x3f: {  	_ =	shalt  }
0x40: {  	_ =	shalt  }
0x41: {  	_ =	shalt  }
0x42: {  	_ =	shalt  }
0x43: {  	_ =	shalt  }
0x44: {  	_ =	shalt  }
0x45: {  	_ =	shalt  }
0x46: {  	_ =	shalt  }
0x47: {  	_ =	shalt  }
0x48: {  	_ =	shalt  }
0x49: {  	_ =	shalt  }
0x4a: {  	_ =	shalt  }
0x4b: {  	_ =	shalt  }
0x4c: {  	_ =	shalt  }
0x4d: {  	_ =	shalt  }
0x4e: {  	_ =	shalt  }
0x4f: {  	_ =	shalt  }
0x50: {  	_ =	shalt  }
0x51: {  	_ =	shalt  }
0x52: {  	_ =	shalt  }
0x53: {  	_ =	shalt  }
0x54: {  	_ =	shalt  }
0x55: {  	_ =	shalt  }
0x56: {  	_ =	shalt  }
0x57: {  	_ =	shalt  }
0x58: {  	_ =	shalt  }
0x59: {  	_ =	shalt  }
0x5a: {  	_ =	shalt  }
0x5b: {  	_ =	shalt  }
0x5c: {  	_ =	shalt  }
0x5d: {  	_ =	shalt  }
0x5e: {  	_ =	shalt  }
0x5f: {  	_ =	shalt  }
0x60: {  	_ =	shalt  }
0x61: {  	_ =	shalt  }
0x62: {  	_ =	shalt  }
0x63: {  	_ =	shalt  }
0x64: {  	_ =	shalt  }
0x65: {  	_ =	shalt  }
0x66: {  	_ =	shalt  }
0x67: {  	_ =	shalt  }
0x68: {  	_ =	shalt  }
0x69: {  	_ =	shalt  }
0x6a: {  	_ =	shalt  }
0x6b: {  	_ =	shalt  }
0x6c: {  	_ =	shalt  }
0x6d: {  	_ =	shalt  }
0x6e: {  	_ =	shalt  }
0x6f: {  	_ =	shalt  }
0x70: {  	_ =	shalt  }
0x71: {  	_ =	shalt  }
0x72: {  	_ =	shalt  }
0x73: {  	_ =	shalt  }
0x74: {  	_ =	shalt  }
0x75: {  	_ =	shalt  }
0x76: {  	_ =	shalt  }
0x77: {  	_ =	shalt  }
0x78: {  	_ =	shalt  }
0x79: {  	_ =	shalt  }
0x7a: {  	_ =	shalt  }
0x7b: {  	_ =	shalt  }
0x7c: {  	_ =	shalt  }
0x7d: {  	_ =	shalt  }
0x7e: {  	_ =	shalt  }
0x7f: {  	_ =	shalt  }
0x80: {  	_ =	shalt  }
0x81: {  	_ =	shalt  }
0x82: {  	_ =	shalt  }
0x83: {  	_ =	shalt  }
0x84: {  	_ =	shalt  }
0x85: {  	_ =	shalt  }
0x86: {  	_ =	shalt  }
0x87: {  	_ =	shalt  }
.Lfunc_end0:
.L_simem_size_0:
called_computation.2_lowered:
.L_overlay_start_0:
0x88: {  	s2 =	sld [smem:$0x3FD9]  }
0x89: {  	s3 =	sld [smem:$0x3FFE];
	_ =	sdelay $0x1  }
0x8a: {  	s1 =	srdreg.scid  }
0x8b: {  	s0 =	sand.u32 $0x1, s1  }
0x8c: {  	s16 =	sshll.u32 s0, $0xA;
	s2 =	sadd.s32 s3, s2  }
0x8d: {  	s2 =	sadd.s32 s2, s16  }
0x8e: {  	[smem:$0x3FBC] =	sst s2  }
0x8f: {  	_ = 	snop  }
0x90: {  	(tm) =	ssettm $0x1  }
0x91: {  	s17 =	sld [smem:$0x3FFB];
	_ =	sdelay $0x3  }
0x92: {  	_ =	strace s17  }
0x93: {  	s2 =	sld [smem:$0x3FFC];
	_ =	sdelay $0x3  }
0x94: {  	_ =	strace s2  }
0x95: {  	s2 =	sld [smem:$0x3FFD];
	_ =	sdelay $0x3  }
0x96: {  	_ =	strace s2  }
0x97: {  	_ =	strace $0x8FFFFFFF  }
0x98: {  	s18 =	sld [smem:$0x3FDB];
	_ =	sdelay $0x1  }
0x99: {  	s19 =	simm.s32 $_scs_section_size  }
0x9a: {  	s4 =	simm.s32 $_size__tile_overlayer_lowered;
	s5 =	simm.s32 $_tile_overlayer_lowered  }
0x9b: {  	s22 =	simm.s32 $0x1BFF;
	s21 =	sshll.u32 s5, $0x1;
	s2 =	sadd.s32 s19, s18  }
0x9c: {  	s6 =	simm.s32 $0x0;
	s20 =	sshll.u32 s4, $0x1;
	s4 =	sadd.s32 s21, s2  }
0x9d: {  	[timem:s6], [sflag:s22] =	dma.local [hbm:s4], s20  }
0x9e: {  	_ =	swait.ge [sflag:s22], s20  }
0x9f: {  	s3 =	ssub.s32 $0x0, s20;
	[sflag:s22] =	ssyncset.done $0x0  }
0xa0: {  	[sflag:s22] =	ssyncadd.s32 s3;
	_ =	sdelay $0x1  }
0xa1: {  	s23 =	simm.s32 $0x1B8B  }
0xa2: {  	_ =	swait.ge [sflag:s23], $0x1  }
0xa3: {  	[sflag:s23] =	ssyncset.done $0x0  }
0xa4: {  	s25 =	simm.s32 $0x1B8E;
	s24 =	sld [smem:$0x3FFE];
	[sflag:s23] =	ssyncadd.s32 $0xFFFFFFFF  }
0xa5: {  	s26 =	simm.s32 $execute0_lowered;
	[smem:$0x3FD2] =	sst s25  }
0xa6: {  	s4 =	sshll.u32 s26, $0x1;
	_ =	strace $0x8000004C;
	[dreg:$0x1] =	wrdreg $0xFFFFFFFF  }
0xa7: {  	s28 =	simm.s32 $_size_execute0_lowered;
	s2 =	sadd.s32 s2, s4;
	[dreg:$0x0] =	wrdreg $0x0  }
0xa8: {  	s4 =	sshll.u32 s28, $0x1;
	[dreg:$0x2] =	wrdreg s2  }
0xa9: {  	[dreg:$0x3] =	wrdreg s4  }
0xaa: {  	[dreg:$0x4] =	wrdreg $0xC0  }
0xab: {  	_ =	task [dreg:s6], $0x5FFFF  }
0xac: {  	[dreg:$0x1] =	wrdreg $0xFFFFFFFF  }
0xad: {  	[dreg:$0x0] =	wrdreg $0x60  }
0xae: {  	[dreg:$0x2] =	wrdreg s24  }
0xaf: {  	[dreg:$0x3] =	wrdreg $0x9  }
0xb0: {  	_ =	task.clear_ibuf [dreg:s6], $0x4FFFF;
	_ =	strace $0x9000004C  }
0xb1: {  	s29 =	simm.s32 $0x9;
	_ =	strace $0x8000004E  }
0xb2: {  	_ =	swait.ge [sflag:s29], $0x1  }
0xb3: {  	[sflag:s29] =	ssyncadd.s32 $0xFFFFFFFF  }
0xb4: {  	_ =	strace $0x9000004E  }
0xb5: {  	_ =	sfence  }
0xb6: {  	s30 =	sld [smem:$0x0];
	_ =	sdelay $0x2  }
0xb7: {  	s31 =	sshll.u32 s1, $0xD;
	s1 =	sshrl.u32 s1, $0x2  }
0xb8: {  	s3 =	sand.u32 $0x4000, s31;
	s1 =	sadd.s32 s1, s30  }
0xb9: {  	s0 =	sor.u32 s3, s0;
	s1 =	sshll.u32 s1, $0x11  }
0xba: {  	s0 =	sor.u32 s1, s0  }
0xbb: {  	s0 =	sadd.s32 $0x8F2B, s0  }
0xbc: {  	[sflag:s0] =	ssyncadd.remote.s32 $0x1  }
0xbd: {  	_ =	sfence.sel $0xFFFF  }
0xbe: {  	[dreg:$0x0] =	wrdreg $0xFFFFFFFF;
	(pc) =	sbr.abs _section_cstart, $3  }
0xbf: {  	[dreg:$0x1] =	wrdreg $0xFFFFFFFF  }
0xc0: {  	_ =	task.clear_ibuf [dreg:s6], $0x2FFFF;
	_ =	strace $0x9FFFFFFF  }
0xc1: {  	(tm) =	ssettm $0x7FFFFFFF  }
tec
execute0_lowered:
.L_overlay_start_1:
0x0: {  	(tag) =	ssettag $0x1  }
0x1: {  	s4 =	rddreg [dreg:$0x0]  }
0x2: {  	s0 =	rddreg [dreg:$0x1]  }
0x3: {  	s3 =	srdreg.scid;
	s1 =	stileid.u32;
	s2 =	simm.s32 $0x0  }
0x4: {  	s12 =	simm.s32 $0x1000;
	s13 =	simm.s32 $0x5000;
	s14 =	simm.s32 $0x100  }
0x5: {  	s15 =	simm.s32 $0x9000;
	s16 =	simm.s32 $0x1;
	s17 =	simm.s32 $0x4  }
0x6: {  	s18 =	simm.s32 $0x2;
	s19 =	simm.s32 $0x5;
	s20 =	simm.s32 $0x3  }
0x7: {  	s21 =	simm.s32 $0x6;
	s22 =	simm.s32 $0x0;
	s6 =	sand.u32 $0x1, s3  }
0x8: {  	s28 =	sshll.u32 s1, $0x1;
	[smem:$0x7FF] =	sst s2;
	s3 =	sadd.s32 $0x9200, s4  }
0x9: {  	s9 =	sadd.s32 $0xA5600, s4;
	s31 =	smul.u32 $0x1E000, s1;
	s5 =	sor.u32 s6, s28  }
0xa: {  	_ =	strace $0x8000004D;
	s8 =	ssub.s32 $0x2, s6;
	s7 =	sshll.u32 s5, $0x9  }
0xb: {  	s29 =	sshrl.u32 s8, $0x1;
	s10 =	smul.u32 $0xF000, s5;
	s7 =	sadd.s32 s7, s4  }
0xc: {  	s11 =	smul.u32 $0xF000, s6;
	s30 =	ssub.s32 s8, s29;
	s4 =	sadd.s32 $0x5200, s7  }
0xd: {  	s5 =	smax.u32 s30, $0x1;
	s10 =	sadd.s32 s9, s10;
	s9 =	sadd.s32 s31, s9  }
0xe: {  	s6 =	sadd.s32 $0xD800, s10;
	s7 =	sadd.s32 $0xE000, s10;
	s8 =	sadd.s32 $0xE800, s10  }
0xf: {  	s9 =	sadd.s32 s11, s9;
	s10 =	simm.s32 $0x7;
	s11 =	simm.s32 $0x80  }
.LBB2_1:
0x10: {  	[tilespmem:s2], [sflag:$0x7] =	stream.linear.gather [hbm4b:s4+s2], $0xF00, $0x38;
	[tilespmem:$0xD000] =	vst v63  }
0x11: {  	_ =	swait.ge [sflag:s10], $0xF00  }
0x12: {  	[sflag:s10] =	ssyncset.done $0x0  }
0x13: {  	[sflag:s10] =	ssyncadd.s32 $0xFFFFF100  }
0x14: {  	[tilespmem:s12], [sflag:$0x1] =	stream.indirect.gather [hbm4b:s3+s11], $0x80, s2, s11, $0xb8;
	[tilespmem:$0xD000] =	vst v63  }
0x15: {  	_ = 	snop  }
0x16: {  	[tilespmem:s13], [sflag:$0x2] =	stream.indirect.gather [hbm4b:s3+s11], $0x80, s11, s11, $0xb8;
	[tilespmem:$0xD000] =	vst v63  }
0x17: {  	_ = 	snop  }
0x18: {  	[tilespmem:s15], [sflag:$0x3] =	stream.indirect.gather [hbm4b:s3+s11], $0x80, s14, s11, $0xb8;
	[tilespmem:$0xD000] =	vst v63  }
0x19: {  	_ =	swait.ge [sflag:s16], $0x4000  }
0x1a: {  	[sflag:s16] =	ssyncset.done $0x0  }
0x1b: {  	s23 =	sadd.s32 $0x0, s9;
	[sflag:s16] =	ssyncadd.s32 $0xFFFFC000  }
0x1c: {  	[hbm4b:s23+s2] =	stream.linear.scatter [tilespmem:s12], [sflag:$0x4], $0x4000, $0x38;
	[tilespmem:$0xD000] =	vst v63  }
0x1d: {  	_ =	swait.ge [sflag:s17], $0x4000  }
0x1e: {  	[sflag:s17] =	ssyncset.done $0x0  }
0x1f: {  	s24 =	simm.s32 $0x180;
	[sflag:s17] =	ssyncadd.s32 $0xFFFFC000  }
0x20: {  	[tilespmem:s12], [sflag:$0x1] =	stream.indirect.gather [hbm4b:s3+s11], $0x80, s24, s11, $0xb8;
	[tilespmem:$0xD000] =	vst v63  }
0x21: {  	_ =	swait.ge [sflag:s18], $0x4000  }
0x22: {  	[sflag:s18] =	ssyncset.done $0x0  }
0x23: {  	s30 =	sadd.s32 $0x800, s23;
	[sflag:s18] =	ssyncadd.s32 $0xFFFFC000  }
0x24: {  	[hbm4b:s30+s2] =	stream.linear.scatter [tilespmem:s13], [sflag:$0x5], $0x4000, $0x38;
	[tilespmem:$0xD000] =	vst v63  }
0x25: {  	_ =	swait.ge [sflag:s19], $0x4000  }
0x26: {  	[sflag:s19] =	ssyncset.done $0x0  }
0x27: {  	s31 =	simm.s32 $0x200;
	[sflag:s19] =	ssyncadd.s32 $0xFFFFC000  }
0x28: {  	[tilespmem:s13], [sflag:$0x2] =	stream.indirect.gather [hbm4b:s3+s11], $0x80, s31, s11, $0xb8;
	[tilespmem:$0xD000] =	vst v63  }
0x29: {  	_ =	swait.ge [sflag:s20], $0x4000  }
0x2a: {  	[sflag:s20] =	ssyncset.done $0x0  }
0x2b: {  	s23 =	sadd.s32 $0x1000, s23;
	[sflag:s20] =	ssyncadd.s32 $0xFFFFC000  }
0x2c: {  	[hbm4b:s23+s2] =	stream.linear.scatter [tilespmem:s15], [sflag:$0x6], $0x4000, $0x38;
	[tilespmem:$0xD000] =	vst v63  }
0x2d: {  	_ =	swait.ge [sflag:s21], $0x4000  }
0x2e: {  	s25 =	simm.s32 $0x400;
	[sflag:s21] =	ssyncset.done $0x0  }
0x2f: {  	s24 =	simm.s32 $0x1800;
	s23 =	simm.s32 $0x280;
	[sflag:s21] =	ssyncadd.s32 $0xFFFFC000  }
.LBB2_2:
0x30: {  	[tilespmem:s15], [sflag:$0x3] =	stream.indirect.gather [hbm4b:s3+s11], $0x80, s23, s11, $0xb8;
	[tilespmem:$0xD000] =	vst v63  }
0x31: {  	s26 =	smov.u32 s24;
	s23 =	smov.u32 s25  }
0x32: {  	p0 =	sne.s32 s24, $0xC000;
	s24 =	sadd.s32 $0x1800, s24;
	_ =	swait.ge [sflag:s16], $0x4000  }
0x33: {  	[sflag:s16] =	ssyncset.done $0x0  }
0x34: {  	s26 =	sadd.s32 s26, s9;
	[sflag:s16] =	ssyncadd.s32 $0xFFFFC000  }
0x35: {  	[hbm4b:s26+s2] =	stream.linear.scatter [tilespmem:s12], [sflag:$0x4], $0x4000, $0x38;
	[tilespmem:$0xD000] =	vst v63  }
0x36: {  	_ =	swait.ge [sflag:s17], $0x4000  }
0x37: {  	[sflag:s17] =	ssyncset.done $0x0  }
0x38: {  	s28 =	sadd.s32 $0xFFFFFF00, s25;
	[sflag:s17] =	ssyncadd.s32 $0xFFFFC000  }
0x39: {  	[tilespmem:s12], [sflag:$0x1] =	stream.indirect.gather [hbm4b:s3+s11], $0x80, s28, s11, $0xb8;
	[tilespmem:$0xD000] =	vst v63  }
0x3a: {  	_ =	swait.ge [sflag:s18], $0x4000  }
0x3b: {  	[sflag:s18] =	ssyncset.done $0x0  }
0x3c: {  	s28 =	sadd.s32 $0x800, s26;
	[sflag:s18] =	ssyncadd.s32 $0xFFFFC000  }
0x3d: {  	[hbm4b:s28+s2] =	stream.linear.scatter [tilespmem:s13], [sflag:$0x5], $0x4000, $0x38;
	[tilespmem:$0xD000] =	vst v63  }
0x3e: {  	_ =	swait.ge [sflag:s19], $0x4000  }
0x3f: {  	[sflag:s19] =	ssyncset.done $0x0  }
0x40: {  	s28 =	sadd.s32 $0xFFFFFF80, s25;
	[sflag:s19] =	ssyncadd.s32 $0xFFFFC000  }
0x41: {  	[tilespmem:s13], [sflag:$0x2] =	stream.indirect.gather [hbm4b:s3+s11], $0x80, s28, s11, $0xb8;
	[tilespmem:$0xD000] =	vst v63  }
0x42: {  	_ =	swait.ge [sflag:s20], $0x4000  }
0x43: {  	[sflag:s20] =	ssyncset.done $0x0  }
.Ltmp0:
0x44: {  	s26 =	sadd.s32 $0x1000, s26;
	[sflag:s20] =	ssyncadd.s32 $0xFFFFC000;
	(pc) =	sbr.rel @p0 .LBB2_2-.Ltmp0, $4  }
0x45: {  	[hbm4b:s26+s2] =	stream.linear.scatter [tilespmem:s15], [sflag:$0x6], $0x4000, $0x38;
	[tilespmem:$0xD000] =	vst v63  }
0x46: {  	_ =	swait.ge [sflag:s21], $0x4000  }
0x47: {  	[sflag:s21] =	ssyncset.done $0x0  }
0x48: {  	s25 =	sadd.s32 $0x180, s25;
	[sflag:s21] =	ssyncadd.s32 $0xFFFFC000  }
0x49: {  	[tilespmem:s15], [sflag:$0x3] =	stream.indirect.gather [hbm4b:s3+s11], $0x80, s23, s11, $0xb8;
	[tilespmem:$0xD000] =	vst v63  }
0x4a: {  	_ =	swait.ge [sflag:s16], $0x4000  }
0x4b: {  	[sflag:s16] =	ssyncset.done $0x0  }
0x4c: {  	[sflag:s16] =	ssyncadd.s32 $0xFFFFC000  }
0x4d: {  	[hbm4b:s6+s2] =	stream.linear.scatter [tilespmem:s12], [sflag:$0x4], $0x4000, $0x38;
	[tilespmem:$0xD000] =	vst v63  }
0x4e: {  	_ =	swait.ge [sflag:s18], $0x4000  }
0x4f: {  	[sflag:s18] =	ssyncset.done $0x0  }
0x50: {  	[sflag:s18] =	ssyncadd.s32 $0xFFFFC000  }
0x51: {  	[hbm4b:s7+s2] =	stream.linear.scatter [tilespmem:s13], [sflag:$0x5], $0x4000, $0x38;
	[tilespmem:$0xD000] =	vst v63  }
0x52: {  	_ =	swait.ge [sflag:s20], $0x4000  }
0x53: {  	[sflag:s20] =	ssyncset.done $0x0  }
0x54: {  	[sflag:s20] =	ssyncadd.s32 $0xFFFFC000  }
0x55: {  	[hbm4b:s8+s2] =	stream.linear.scatter [tilespmem:s15], [sflag:$0x6], $0x4000, $0x38;
	[tilespmem:$0xD000] =	vst v63  }
0x56: {  	_ =	swait.ge [sflag:s17], $0x4000  }
0x57: {  	[sflag:s17] =	ssyncset.done $0x0  }
0x58: {  	s22 =	sadd.s32 $0x1, s22;
	[sflag:s17] =	ssyncadd.s32 $0xFFFFC000  }
0x59: {  	p0 =	sne.s32 s22, s5;
	_ =	swait.ge [sflag:s19], $0x4000  }
.Ltmp1:
0x5a: {  	[sflag:s19] =	ssyncset.done $0x0;
	(pc) =	sbr.rel @p0 .LBB2_1-.Ltmp1, $4  }
0x5b: {  	[sflag:s19] =	ssyncadd.s32 $0xFFFFC000  }
0x5c: {  	_ =	swait.ge [sflag:s21], $0x4000  }
0x5d: {  	[sflag:s21] =	ssyncset.done $0x0  }
0x5e: {  	[sflag:s21] =	ssyncadd.s32 $0xFFFFC000  }
0x5f: {  	_ =	sfence.sel $0x180000  }
0x60: {  	[bflag:$0x0] =	sbarrier.arrive $0xFFFF  }
0x61: {  	p0 =	sne.s32 s1, $0x0;
	_ =	strace $0x9000004D  }
0x62: {  	s0 =	sadd.s32 @!p0 $0x100000, s0;
	[bflag:$0x2] =	sbarrier.arrive $0xFFFF  }
0x63: {  	[sflag:s0] =	ssyncadd.tile.s32 @!p0 $0x1;
	_ =	shalt  }
.Lfunc_end2:
_tile_overlayer_lowered:
.L_overlay_start_2:
0x64: {  	(tag) =	ssettag $0x2  }
0x65: {  	s0 =	rddreg [dreg:$0x0];
	s2 =	stileid.u32  }
0x66: {  	s1 =	rddreg [dreg:$0x1];
	p0 =	sne.s32 s2, $0x0  }
0x67: {  	s3 =	rddreg [dreg:$0x2];
	[bflag:$0x3] =	sbarrier.arrive $0xFFFF;
	s2 =	simm.s32 @!p0 $0x1C07  }
0x68: {  	[timem:s3], [sflag:s2] =	dma.local @!p0 [hbm:s0], s1  }
0x69: {  	s0 =	simm.s32 @!p0 $0x7  }
0x6a: {  	_ =	swait.ge @!p0 [sflag:s0], s1  }
0x6b: {  	s1 =	ssub.s32 @!p0 $0x0, s1;
	[sflag:s0] =	ssyncset.done @!p0 $0x0  }
0x6c: {  	[sflag:s0] =	ssyncadd.s32 @!p0 s1  }
0x6d: {  	[bflag:$0x3] =	sbarrier.arrive $0xFFFF  }
0x6e: {  	_ =	shalt  }

// kernel: kernel.24.cloned.1.call-start
scs
__scs_entry_jumppad:
0x0: {  	(pc) =	sbr.rel $0x88, $3  }
0x1: {  	(tag) =	ssettag $0x0;
	lr =	simm.s32 $0x1  }
0x2: {  	[smem:$0x3F95] =	sst lr;
	_ =	strace $0xD0000000  }
0x3: {  	_ = 	snop  }
0x4: {  	_ = 	snop  }
0x5: {  	_ = 	snop  }
0x6: {  	_ = 	snop  }
0x7: {  	_ = 	snop  }
__scs_overlays_trampoline_lowered:
0x8: {  	[smem:$0x3FA4] =	sst s0  }
0x9: {  	[smem:$0x3FA5] =	sst s1  }
0xa: {  	[smem:$0x3FA6] =	sst s2  }
0xb: {  	[smem:$0x3FA7] =	sst s3  }
0xc: {  	[smem:$0x3FA8] =	sst s4  }
0xd: {  	[smem:$0x3FA9] =	sst s5  }
0xe: {  	[smem:$0x3FAA] =	sst s6  }
0xf: {  	[smem:$0x3FAB] =	sst s7  }
0x10: {  	[smem:$0x3FAC] =	sst s8  }
0x11: {  	[smem:$0x3FAD] =	sst s9;
	s0 =	simm.s32 @!p0 $0x0  }
0x12: {  	s1 =	sld [smem:$0x3F93];
	s0 =	simm.s32 @p0 $0x1  }
0x13: {  	[smem:$0x3FAE] =	sst s0;
	s0 =	simm.s32 @!p1 $0x0  }
0x14: {  	s2 =	sld [smem:$0x3F92];
	s0 =	simm.s32 @p1 $0x1  }
0x15: {  	[smem:$0x3FAF] =	sst s0;
	s0 =	simm.s32 @!p2 $0x0  }
0x16: {  	s3 =	sld [smem:$0x3FDB];
	s0 =	simm.s32 @p2 $0x1  }
0x17: {  	s4 =	simm.s32 $0x1BF5;
	[smem:$0x3FB1] =	sst s0  }
0x18: {  	s0 =	sld [smem:$0x3F94];
	_ =	swait.ge [sflag:s4], $0x0  }
0x19: {  	s7 =	sld [smem:$0x3F95]  }
0x1a: {  	s8 =	sadd.s32 $0xFFFFE003, lr  }
0x1b: {  	s9 =	sadd.s32 $0xFFFFFEF7, lr;
	s5 =	simm.s32 $0xFFFFFFFF;
	p2 =	slt.u32 s8, $0xFFFFF086  }
0x1c: {  	p1 =	slt.u32 s9, $0xF7A;
	s5 =	simm.s32 @!p2 $0x0  }
0x1d: {  	s5 =	simm.s32 @p1 $0x1;
	p0 =	seq.s32 s7, s2  }
0x1e: {  	s7 =	smul.u32 @!p0 $0xF7A, s2;
	p2 =	seq.s32 @!p0 s5, $0x0  }
0x1f: {  	s9 =	smul.u32 $0xF7A, s1;
	s8 =	simm.s32 @!p0 $0x1BF5;
	p2 =	por !p2, p0  }
0x20: {  	[sflag:s8] =	ssyncset.s32 @!p0 $0xFFFFF086;
	s6 =	sadd.s32 @!p0 s3, s7;
	s7 =	simm.s32 @!p0 $0x108  }
0x21: {  	s3 =	sadd.s32 s3, s9;
	s6 =	sadd.s32 @!p0 $0x88, s6;
	s7 =	simm.s32 @p2 $0x1082  }
0x22: {  	[simem:s7], [sflag:s8] =	dma.local @!p0 [hbm:s6], $0xF7A  }
0x23: {  	s9 =	sor.u32 $0xD0000000, s2;
	s6 =	simm.s32 $0x108;
	_ =	swait.ge @!p0 [sflag:s8], $0x0  }
0x24: {  	s3 =	sadd.s32 $0x88, s3;
	s6 =	simm.s32 @!p1 $0x1082;
	[sflag:s4] =	ssyncset.s32 $0xFFFFF086  }
0x25: {  	[simem:s6], [sflag:s4] =	dma.local [hbm:s3], $0xF7A  }
0x26: {  	[smem:$0x3F95] =	sst s1;
	(tag) =	ssettag s2;
	_ =	strace s9  }
0x27: {  	s1 =	sld [smem:$0x3FA5]  }
0x28: {  	s2 =	sld [smem:$0x3FA6]  }
0x29: {  	s4 =	sld [smem:$0x3FA8]  }
0x2a: {  	p0 =	seq.s32 s5, $0x0;
	s5 =	sld [smem:$0x3FA9]  }
0x2b: {  	s6 =	sld [smem:$0x3FAA]  }
0x2c: {  	s7 =	sld [smem:$0x3FAB]  }
0x2d: {  	s3 =	simm.s32 $0x108;
	s8 =	sld [smem:$0x3FAC]  }
0x2e: {  	s3 =	simm.s32 @!p0 $0x1082;
	s9 =	sld [smem:$0x3FAD]  }
0x2f: {  	lr =	sadd.s32 s0, s3;
	s0 =	sld [smem:$0x3FA4]  }
0x30: {  	s3 =	sld [smem:$0x3FA7]  }
0x31: {  	[smem:$0x3FB0] =	sst s10  }
0x32: {  	s10 =	sld [smem:$0x3FAE];
	_ =	sdelay $0x3  }
0x33: {  	p0 =	seq.s32 s10, $0x1;
	s10 =	sld [smem:$0x3FB0];
	_ =	sdelay $0x3  }
0x34: {  	[smem:$0x3FB0] =	sst s10  }
0x35: {  	s10 =	sld [smem:$0x3FAF];
	_ =	sdelay $0x3  }
0x36: {  	p1 =	seq.s32 s10, $0x1;
	s10 =	sld [smem:$0x3FB0];
	_ =	sdelay $0x3  }
0x37: {  	[smem:$0x3FB0] =	sst s10  }
0x38: {  	s10 =	sld [smem:$0x3FB1]  }
0x39: {  	_ = 	snop;
	(pc) =	sbr.ind lr, $3  }
0x3a: {  	_ = 	snop  }
0x3b: {  	_ = 	snop  }
0x3c: {  	p2 =	seq.s32 s10, $0x1;
	s10 =	sld [smem:$0x3FB0]  }
0x3d: {  	_ =	shalt  }
0x3e: {  	_ =	shalt  }
0x3f: {  	_ =	shalt  }
0x40: {  	_ =	shalt  }
0x41: {  	_ =	shalt  }
0x42: {  	_ =	shalt  }
0x43: {  	_ =	shalt  }
0x44: {  	_ =	shalt  }
0x45: {  	_ =	shalt  }
0x46: {  	_ =	shalt  }
0x47: {  	_ =	shalt  }
0x48: {  	_ =	shalt  }
0x49: {  	_ =	shalt  }
0x4a: {  	_ =	shalt  }
0x4b: {  	_ =	shalt  }
0x4c: {  	_ =	shalt  }
0x4d: {  	_ =	shalt  }
0x4e: {  	_ =	shalt  }
0x4f: {  	_ =	shalt  }
0x50: {  	_ =	shalt  }
0x51: {  	_ =	shalt  }
0x52: {  	_ =	shalt  }
0x53: {  	_ =	shalt  }
0x54: {  	_ =	shalt  }
0x55: {  	_ =	shalt  }
0x56: {  	_ =	shalt  }
0x57: {  	_ =	shalt  }
0x58: {  	_ =	shalt  }
0x59: {  	_ =	shalt  }
0x5a: {  	_ =	shalt  }
0x5b: {  	_ =	shalt  }
0x5c: {  	_ =	shalt  }
0x5d: {  	_ =	shalt  }
0x5e: {  	_ =	shalt  }
0x5f: {  	_ =	shalt  }
0x60: {  	_ =	shalt  }
0x61: {  	_ =	shalt  }
0x62: {  	_ =	shalt  }
0x63: {  	_ =	shalt  }
0x64: {  	_ =	shalt  }
0x65: {  	_ =	shalt  }
0x66: {  	_ =	shalt  }
0x67: {  	_ =	shalt  }
0x68: {  	_ =	shalt  }
0x69: {  	_ =	shalt  }
0x6a: {  	_ =	shalt  }
0x6b: {  	_ =	shalt  }
0x6c: {  	_ =	shalt  }
0x6d: {  	_ =	shalt  }
0x6e: {  	_ =	shalt  }
0x6f: {  	_ =	shalt  }
0x70: {  	_ =	shalt  }
0x71: {  	_ =	shalt  }
0x72: {  	_ =	shalt  }
0x73: {  	_ =	shalt  }
0x74: {  	_ =	shalt  }
0x75: {  	_ =	shalt  }
0x76: {  	_ =	shalt  }
0x77: {  	_ =	shalt  }
0x78: {  	_ =	shalt  }
0x79: {  	_ =	shalt  }
0x7a: {  	_ =	shalt  }
0x7b: {  	_ =	shalt  }
0x7c: {  	_ =	shalt  }
0x7d: {  	_ =	shalt  }
0x7e: {  	_ =	shalt  }
0x7f: {  	_ =	shalt  }
0x80: {  	_ =	shalt  }
0x81: {  	_ =	shalt  }
0x82: {  	_ =	shalt  }
0x83: {  	_ =	shalt  }
0x84: {  	_ =	shalt  }
0x85: {  	_ =	shalt  }
0x86: {  	_ =	shalt  }
0x87: {  	_ =	shalt  }
.Lfunc_end0:
.L_simem_size_0:
called_computation.3_lowered:
.L_overlay_start_0:
0x88: {  	s2 =	sld [smem:$0x3FD9]  }
0x89: {  	s3 =	sld [smem:$0x3FFE];
	_ =	sdelay $0x1  }
0x8a: {  	s1 =	srdreg.scid  }
0x8b: {  	s0 =	sand.u32 $0x1, s1  }
0x8c: {  	s16 =	sshll.u32 s0, $0xA;
	s2 =	sadd.s32 s3, s2  }
0x8d: {  	s2 =	sadd.s32 s2, s16  }
0x8e: {  	[smem:$0x3FBC] =	sst s2  }
0x8f: {  	_ = 	snop  }
0x90: {  	(tm) =	ssettm $0x1  }
0x91: {  	s17 =	sld [smem:$0x3FFB];
	_ =	sdelay $0x3  }
0x92: {  	_ =	strace s17  }
0x93: {  	s2 =	sld [smem:$0x3FFC];
	_ =	sdelay $0x3  }
0x94: {  	_ =	strace s2  }
0x95: {  	s2 =	sld [smem:$0x3FFD];
	_ =	sdelay $0x3  }
0x96: {  	_ =	strace s2  }
0x97: {  	_ =	strace $0x8FFFFFFF  }
0x98: {  	s18 =	sld [smem:$0x3FDB];
	_ =	sdelay $0x1  }
0x99: {  	s19 =	simm.s32 $_scs_section_size  }
0x9a: {  	s4 =	simm.s32 $_size__tile_overlayer_lowered;
	s5 =	simm.s32 $_tile_overlayer_lowered  }
0x9b: {  	s22 =	simm.s32 $0x1BFF;
	s21 =	sshll.u32 s5, $0x1;
	s2 =	sadd.s32 s19, s18  }
0x9c: {  	s6 =	simm.s32 $0x0;
	s20 =	sshll.u32 s4, $0x1;
	s4 =	sadd.s32 s21, s2  }
0x9d: {  	[timem:s6], [sflag:s22] =	dma.local [hbm:s4], s20  }
0x9e: {  	_ =	swait.ge [sflag:s22], s20  }
0x9f: {  	s3 =	ssub.s32 $0x0, s20;
	[sflag:s22] =	ssyncset.done $0x0  }
0xa0: {  	[sflag:s22] =	ssyncadd.s32 s3;
	_ =	sdelay $0x1  }
0xa1: {  	s23 =	simm.s32 $0x1B8B  }
0xa2: {  	_ =	swait.ge [sflag:s23], $0x1  }
0xa3: {  	[sflag:s23] =	ssyncset.done $0x0  }
0xa4: {  	s25 =	simm.s32 $0x1B8E;
	s24 =	sld [smem:$0x3FFE];
	[sflag:s23] =	ssyncadd.s32 $0xFFFFFFFF  }
0xa5: {  	s26 =	simm.s32 $execute0_lowered;
	[smem:$0x3FD2] =	sst s25  }
0xa6: {  	s4 =	sshll.u32 s26, $0x1;
	_ =	strace $0x8000004F;
	[dreg:$0x1] =	wrdreg $0xFFFFFFFF  }
0xa7: {  	s28 =	simm.s32 $_size_execute0_lowered;
	s2 =	sadd.s32 s2, s4;
	[dreg:$0x0] =	wrdreg $0x0  }
0xa8: {  	s4 =	sshll.u32 s28, $0x1;
	[dreg:$0x2] =	wrdreg s2  }
0xa9: {  	[dreg:$0x3] =	wrdreg s4  }
0xaa: {  	[dreg:$0x4] =	wrdreg $0xC0  }
0xab: {  	_ =	task [dreg:s6], $0x5FFFF  }
0xac: {  	[dreg:$0x1] =	wrdreg $0xFFFFFFFF  }
0xad: {  	[dreg:$0x0] =	wrdreg $0x60  }
0xae: {  	[dreg:$0x2] =	wrdreg s24  }
0xaf: {  	[dreg:$0x3] =	wrdreg $0x9  }
0xb0: {  	_ =	task.clear_ibuf [dreg:s6], $0x4FFFF;
	_ =	strace $0x9000004F  }
0xb1: {  	s29 =	simm.s32 $0x9;
	_ =	strace $0x80000051  }
0xb2: {  	_ =	swait.ge [sflag:s29], $0x1  }
0xb3: {  	[sflag:s29] =	ssyncadd.s32 $0xFFFFFFFF  }
0xb4: {  	_ =	strace $0x90000051  }
0xb5: {  	_ =	sfence  }
0xb6: {  	s30 =	sld [smem:$0x0];
	_ =	sdelay $0x2  }
0xb7: {  	s31 =	sshll.u32 s1, $0xD;
	s1 =	sshrl.u32 s1, $0x2  }
0xb8: {  	s3 =	sand.u32 $0x4000, s31;
	s1 =	sadd.s32 s1, s30  }
0xb9: {  	s0 =	sor.u32 s3, s0;
	s1 =	sshll.u32 s1, $0x11  }
0xba: {  	s0 =	sor.u32 s1, s0  }
0xbb: {  	s0 =	sadd.s32 $0x8F2B, s0  }
0xbc: {  	[sflag:s0] =	ssyncadd.remote.s32 $0x1  }
0xbd: {  	_ =	sfence.sel $0xFFFF  }
0xbe: {  	[dreg:$0x0] =	wrdreg $0xFFFFFFFF;
	(pc) =	sbr.abs _section_cstart, $3  }
0xbf: {  	[dreg:$0x1] =	wrdreg $0xFFFFFFFF  }
0xc0: {  	_ =	task.clear_ibuf [dreg:s6], $0x2FFFF;
	_ =	strace $0x9FFFFFFF  }
0xc1: {  	(tm) =	ssettm $0x7FFFFFFF  }
tec
execute0_lowered:
.L_overlay_start_1:
0x0: {  	(tag) =	ssettag $0x1  }
0x1: {  	s4 =	rddreg [dreg:$0x0]  }
0x2: {  	s0 =	rddreg [dreg:$0x1]  }
0x3: {  	s3 =	srdreg.scid;
	s1 =	stileid.u32;
	s2 =	simm.s32 $0x0  }
0x4: {  	s12 =	simm.s32 $0x1000;
	s13 =	simm.s32 $0x5000;
	s14 =	simm.s32 $0x100  }
0x5: {  	s15 =	simm.s32 $0x9000;
	s16 =	simm.s32 $0x1;
	s17 =	simm.s32 $0x4  }
0x6: {  	s18 =	simm.s32 $0x2;
	s19 =	simm.s32 $0x5;
	s20 =	simm.s32 $0x3  }
0x7: {  	s21 =	simm.s32 $0x6;
	s22 =	simm.s32 $0x0;
	s6 =	sand.u32 $0x1, s3  }
0x8: {  	s28 =	sshll.u32 s1, $0x1;
	[smem:$0x7FF] =	sst s2;
	s3 =	sadd.s32 $0x9200, s4  }
0x9: {  	s9 =	sadd.s32 $0xA5600, s4;
	s31 =	smul.u32 $0x1E000, s1;
	s5 =	sor.u32 s6, s28  }
0xa: {  	_ =	strace $0x80000050;
	s8 =	ssub.s32 $0x2, s6;
	s7 =	sshll.u32 s5, $0x9  }
0xb: {  	s29 =	sshrl.u32 s8, $0x1;
	s10 =	smul.u32 $0xF000, s5;
	s7 =	sadd.s32 s7, s4  }
0xc: {  	s11 =	smul.u32 $0xF000, s6;
	s30 =	ssub.s32 s8, s29;
	s4 =	sadd.s32 $0x5200, s7  }
0xd: {  	s5 =	smax.u32 s30, $0x1;
	s10 =	sadd.s32 s9, s10;
	s9 =	sadd.s32 s31, s9  }
0xe: {  	s6 =	sadd.s32 $0xD800, s10;
	s7 =	sadd.s32 $0xE000, s10;
	s8 =	sadd.s32 $0xE800, s10  }
0xf: {  	s9 =	sadd.s32 s11, s9;
	s10 =	simm.s32 $0x7;
	s11 =	simm.s32 $0x80  }
.LBB2_1:
0x10: {  	[tilespmem:s2], [sflag:$0x7] =	stream.linear.gather [hbm4b:s4+s2], $0xF00, $0x38;
	[tilespmem:$0xD000] =	vst v63  }
0x11: {  	_ =	swait.ge [sflag:s10], $0xF00  }
0x12: {  	[sflag:s10] =	ssyncset.done $0x0  }
0x13: {  	[sflag:s10] =	ssyncadd.s32 $0xFFFFF100  }
0x14: {  	[tilespmem:s12], [sflag:$0x1] =	stream.indirect.gather [hbm4b:s3+s11], $0x80, s2, s11, $0xb8;
	[tilespmem:$0xD000] =	vst v63  }
0x15: {  	_ = 	snop  }
0x16: {  	[tilespmem:s13], [sflag:$0x2] =	stream.indirect.gather [hbm4b:s3+s11], $0x80, s11, s11, $0xb8;
	[tilespmem:$0xD000] =	vst v63  }
0x17: {  	_ = 	snop  }
0x18: {  	[tilespmem:s15], [sflag:$0x3] =	stream.indirect.gather [hbm4b:s3+s11], $0x80, s14, s11, $0xb8;
	[tilespmem:$0xD000] =	vst v63  }
0x19: {  	_ =	swait.ge [sflag:s16], $0x4000  }
0x1a: {  	[sflag:s16] =	ssyncset.done $0x0  }
0x1b: {  	s23 =	sadd.s32 $0x0, s9;
	[sflag:s16] =	ssyncadd.s32 $0xFFFFC000  }
0x1c: {  	[hbm4b:s23+s2] =	stream.linear.scatter [tilespmem:s12], [sflag:$0x4], $0x4000, $0x38;
	[tilespmem:$0xD000] =	vst v63  }
0x1d: {  	_ =	swait.ge [sflag:s17], $0x4000  }
0x1e: {  	[sflag:s17] =	ssyncset.done $0x0  }
0x1f: {  	s24 =	simm.s32 $0x180;
	[sflag:s17] =	ssyncadd.s32 $0xFFFFC000  }
0x20: {  	[tilespmem:s12], [sflag:$0x1] =	stream.indirect.gather [hbm4b:s3+s11], $0x80, s24, s11, $0xb8;
	[tilespmem:$0xD000] =	vst v63  }
0x21: {  	_ =	swait.ge [sflag:s18], $0x4000  }
0x22: {  	[sflag:s18] =	ssyncset.done $0x0  }
0x23: {  	s30 =	sadd.s32 $0x800, s23;
	[sflag:s18] =	ssyncadd.s32 $0xFFFFC000  }
0x24: {  	[hbm4b:s30+s2] =	stream.linear.scatter [tilespmem:s13], [sflag:$0x5], $0x4000, $0x38;
	[tilespmem:$0xD000] =	vst v63  }
0x25: {  	_ =	swait.ge [sflag:s19], $0x4000  }
0x26: {  	[sflag:s19] =	ssyncset.done $0x0  }
0x27: {  	s31 =	simm.s32 $0x200;
	[sflag:s19] =	ssyncadd.s32 $0xFFFFC000  }
0x28: {  	[tilespmem:s13], [sflag:$0x2] =	stream.indirect.gather [hbm4b:s3+s11], $0x80, s31, s11, $0xb8;
	[tilespmem:$0xD000] =	vst v63  }
0x29: {  	_ =	swait.ge [sflag:s20], $0x4000  }
0x2a: {  	[sflag:s20] =	ssyncset.done $0x0  }
0x2b: {  	s23 =	sadd.s32 $0x1000, s23;
	[sflag:s20] =	ssyncadd.s32 $0xFFFFC000  }
0x2c: {  	[hbm4b:s23+s2] =	stream.linear.scatter [tilespmem:s15], [sflag:$0x6], $0x4000, $0x38;
	[tilespmem:$0xD000] =	vst v63  }
0x2d: {  	_ =	swait.ge [sflag:s21], $0x4000  }
0x2e: {  	s25 =	simm.s32 $0x400;
	[sflag:s21] =	ssyncset.done $0x0  }
0x2f: {  	s24 =	simm.s32 $0x1800;
	s23 =	simm.s32 $0x280;
	[sflag:s21] =	ssyncadd.s32 $0xFFFFC000  }
.LBB2_2:
0x30: {  	[tilespmem:s15], [sflag:$0x3] =	stream.indirect.gather [hbm4b:s3+s11], $0x80, s23, s11, $0xb8;
	[tilespmem:$0xD000] =	vst v63  }
0x31: {  	s26 =	smov.u32 s24;
	s23 =	smov.u32 s25  }
0x32: {  	p0 =	sne.s32 s24, $0xC000;
	s24 =	sadd.s32 $0x1800, s24;
	_ =	swait.ge [sflag:s16], $0x4000  }
0x33: {  	[sflag:s16] =	ssyncset.done $0x0  }
0x34: {  	s26 =	sadd.s32 s26, s9;
	[sflag:s16] =	ssyncadd.s32 $0xFFFFC000  }
0x35: {  	[hbm4b:s26+s2] =	stream.linear.scatter [tilespmem:s12], [sflag:$0x4], $0x4000, $0x38;
	[tilespmem:$0xD000] =	vst v63  }
0x36: {  	_ =	swait.ge [sflag:s17], $0x4000  }
0x37: {  	[sflag:s17] =	ssyncset.done $0x0  }
0x38: {  	s28 =	sadd.s32 $0xFFFFFF00, s25;
	[sflag:s17] =	ssyncadd.s32 $0xFFFFC000  }
0x39: {  	[tilespmem:s12], [sflag:$0x1] =	stream.indirect.gather [hbm4b:s3+s11], $0x80, s28, s11, $0xb8;
	[tilespmem:$0xD000] =	vst v63  }
0x3a: {  	_ =	swait.ge [sflag:s18], $0x4000  }
0x3b: {  	[sflag:s18] =	ssyncset.done $0x0  }
0x3c: {  	s28 =	sadd.s32 $0x800, s26;
	[sflag:s18] =	ssyncadd.s32 $0xFFFFC000  }
0x3d: {  	[hbm4b:s28+s2] =	stream.linear.scatter [tilespmem:s13], [sflag:$0x5], $0x4000, $0x38;
	[tilespmem:$0xD000] =	vst v63  }
0x3e: {  	_ =	swait.ge [sflag:s19], $0x4000  }
0x3f: {  	[sflag:s19] =	ssyncset.done $0x0  }
0x40: {  	s28 =	sadd.s32 $0xFFFFFF80, s25;
	[sflag:s19] =	ssyncadd.s32 $0xFFFFC000  }
0x41: {  	[tilespmem:s13], [sflag:$0x2] =	stream.indirect.gather [hbm4b:s3+s11], $0x80, s28, s11, $0xb8;
	[tilespmem:$0xD000] =	vst v63  }
0x42: {  	_ =	swait.ge [sflag:s20], $0x4000  }
0x43: {  	[sflag:s20] =	ssyncset.done $0x0  }
.Ltmp0:
0x44: {  	s26 =	sadd.s32 $0x1000, s26;
	[sflag:s20] =	ssyncadd.s32 $0xFFFFC000;
	(pc) =	sbr.rel @p0 .LBB2_2-.Ltmp0, $4  }
0x45: {  	[hbm4b:s26+s2] =	stream.linear.scatter [tilespmem:s15], [sflag:$0x6], $0x4000, $0x38;
	[tilespmem:$0xD000] =	vst v63  }
0x46: {  	_ =	swait.ge [sflag:s21], $0x4000  }
0x47: {  	[sflag:s21] =	ssyncset.done $0x0  }
0x48: {  	s25 =	sadd.s32 $0x180, s25;
	[sflag:s21] =	ssyncadd.s32 $0xFFFFC000  }
0x49: {  	[tilespmem:s15], [sflag:$0x3] =	stream.indirect.gather [hbm4b:s3+s11], $0x80, s23, s11, $0xb8;
	[tilespmem:$0xD000] =	vst v63  }
0x4a: {  	_ =	swait.ge [sflag:s16], $0x4000  }
0x4b: {  	[sflag:s16] =	ssyncset.done $0x0  }
0x4c: {  	[sflag:s16] =	ssyncadd.s32 $0xFFFFC000  }
0x4d: {  	[hbm4b:s6+s2] =	stream.linear.scatter [tilespmem:s12], [sflag:$0x4], $0x4000, $0x38;
	[tilespmem:$0xD000] =	vst v63  }
0x4e: {  	_ =	swait.ge [sflag:s18], $0x4000  }
0x4f: {  	[sflag:s18] =	ssyncset.done $0x0  }
0x50: {  	[sflag:s18] =	ssyncadd.s32 $0xFFFFC000  }
0x51: {  	[hbm4b:s7+s2] =	stream.linear.scatter [tilespmem:s13], [sflag:$0x5], $0x4000, $0x38;
	[tilespmem:$0xD000] =	vst v63  }
0x52: {  	_ =	swait.ge [sflag:s20], $0x4000  }
0x53: {  	[sflag:s20] =	ssyncset.done $0x0  }
0x54: {  	[sflag:s20] =	ssyncadd.s32 $0xFFFFC000  }
0x55: {  	[hbm4b:s8+s2] =	stream.linear.scatter [tilespmem:s15], [sflag:$0x6], $0x4000, $0x38;
	[tilespmem:$0xD000] =	vst v63  }
0x56: {  	_ =	swait.ge [sflag:s17], $0x4000  }
0x57: {  	[sflag:s17] =	ssyncset.done $0x0  }
0x58: {  	s22 =	sadd.s32 $0x1, s22;
	[sflag:s17] =	ssyncadd.s32 $0xFFFFC000  }
0x59: {  	p0 =	sne.s32 s22, s5;
	_ =	swait.ge [sflag:s19], $0x4000  }
.Ltmp1:
0x5a: {  	[sflag:s19] =	ssyncset.done $0x0;
	(pc) =	sbr.rel @p0 .LBB2_1-.Ltmp1, $4  }
0x5b: {  	[sflag:s19] =	ssyncadd.s32 $0xFFFFC000  }
0x5c: {  	_ =	swait.ge [sflag:s21], $0x4000  }
0x5d: {  	[sflag:s21] =	ssyncset.done $0x0  }
0x5e: {  	[sflag:s21] =	ssyncadd.s32 $0xFFFFC000  }
0x5f: {  	_ =	sfence.sel $0x180000  }
0x60: {  	[bflag:$0x0] =	sbarrier.arrive $0xFFFF  }
0x61: {  	p0 =	sne.s32 s1, $0x0;
	_ =	strace $0x90000050  }
0x62: {  	s0 =	sadd.s32 @!p0 $0x100000, s0;
	[bflag:$0x2] =	sbarrier.arrive $0xFFFF  }
0x63: {  	[sflag:s0] =	ssyncadd.tile.s32 @!p0 $0x1;
	_ =	shalt  }
.Lfunc_end2:
_tile_overlayer_lowered:
.L_overlay_start_2:
0x64: {  	(tag) =	ssettag $0x2  }
0x65: {  	s0 =	rddreg [dreg:$0x0];
	s2 =	stileid.u32  }
0x66: {  	s1 =	rddreg [dreg:$0x1];
	p0 =	sne.s32 s2, $0x0  }
0x67: {  	s3 =	rddreg [dreg:$0x2];
	[bflag:$0x3] =	sbarrier.arrive $0xFFFF;
	s2 =	simm.s32 @!p0 $0x1C07  }
0x68: {  	[timem:s3], [sflag:s2] =	dma.local @!p0 [hbm:s0], s1  }
0x69: {  	s0 =	simm.s32 @!p0 $0x7  }
0x6a: {  	_ =	swait.ge @!p0 [sflag:s0], s1  }
0x6b: {  	s1 =	ssub.s32 @!p0 $0x0, s1;
	[sflag:s0] =	ssyncset.done @!p0 $0x0  }
0x6c: {  	[sflag:s0] =	ssyncadd.s32 @!p0 s1  }
0x6d: {  	[bflag:$0x3] =	sbarrier.arrive $0xFFFF  }
0x6e: {  	_ =	shalt  }

</sc_bundles>
